<compile_context>
chip_gen: v7x
topology: tpu7x:2x2x1
jax: 0.10.2.dev20260603
libtpu: 0.0.44.dev20260713+nightly
codegen_flags: <defaults>
</compile_context>

<pallas_src>
import functools

import jax
import jax.numpy as jnp
from jax import lax
from jax.experimental import pallas as pl
from jax.experimental.pallas import tpu as pltpu
from jax.experimental.pallas import tpu_sc as plsc

N = 10000
E = 320000
IN_CH = 128
HID = 256
HALF = 128
NLAYERS = 3

NC, NS = 2, 16
CHUNK = 128
EPT = 20480
EPAD = EPT * NS
ACC_ROWS = 10240
RPT = ACC_ROWS // NS

ROWBLK = 2000


def _deg_body(dstp_hbm, out_hbm, didx_v, ones_v, dacc_v, acc_sh):
    cid = lax.axis_index("c")
    sid = lax.axis_index("s")

    def init(j, _):
        dacc_v[pl.ds(j * 16, 16)] = jnp.zeros((16,), jnp.float32)
        ones_v[pl.ds((j % (CHUNK // 16)) * 16, 16)] = jnp.ones((16,),
                                                              jnp.float32)
        return 0

    lax.fori_loop(0, RPT // 16, init, 0)
    pltpu.sync_copy(dacc_v, acc_sh.at[pl.ds(sid * RPT, RPT)])
    plsc.subcore_barrier()

    base = sid * EPT

    def chunk(k, _):
        pltpu.sync_copy(dstp_hbm.at[pl.ds(base + k * CHUNK, CHUNK)], didx_v)
        pltpu.sync_copy(ones_v, acc_sh.at[didx_v], add=True)
        return 0

    lax.fori_loop(0, EPT // CHUNK, chunk, 0)
    plsc.subcore_barrier()

    pltpu.sync_copy(acc_sh.at[pl.ds(sid * RPT, RPT)], dacc_v)

    def recip(j, _):
        v = dacc_v[pl.ds(j * 16, 16)]
        dacc_v[pl.ds(j * 16, 16)] = 1.0 / jnp.maximum(v, 1.0)
        return 0

    lax.fori_loop(0, RPT // 16, recip, 0)

    @pl.when(cid == 0)
    def _():
        pltpu.sync_copy(dacc_v, out_hbm.at[pl.ds(sid * RPT, RPT)])


@functools.lru_cache(maxsize=None)
def _deg_call():
    return pl.kernel(
        _deg_body,
        mesh=plsc.VectorSubcoreMesh(core_axis_name="c", subcore_axis_name="s"),
        out_type=jax.ShapeDtypeStruct((ACC_ROWS,), jnp.float32),
        scratch_types=[
            pltpu.VMEM((CHUNK,), jnp.int32),
            pltpu.VMEM((CHUNK,), jnp.float32),
            pltpu.VMEM((RPT,), jnp.float32),
            pltpu.VMEM_SHARED((ACC_ROWS,), jnp.float32),
        ],
    )


NCH = EPT // CHUNK
NCHT = EPAD // CHUNK


def _agg_body(h2_hbm, src2_hbm, dst2_hbm, zeros_hbm, out_hbm,
              sidx0, sidx1, didx0, didx1, rows0_v, rows1_v, acc_sh,
              gsem, issem0, issem1, idsem0, idsem1):
    cid = lax.axis_index("c")
    sid = lax.axis_index("s")
    sidx = [sidx0, sidx1]
    didx = [didx0, didx1]
    rows = [rows0_v, rows1_v]
    issem = [issem0, issem1]
    idsem = [idsem0, idsem1]

    pltpu.sync_copy(zeros_hbm, acc_sh.at[pl.ds(sid * RPT, RPT)])
    plsc.subcore_barrier()

    base = sid * NCH

    def issue_idx(k, b):
        pltpu.async_copy(src2_hbm.at[cid, pl.ds(base + k, 1)], sidx[b],
                         issem[b])
        pltpu.async_copy(dst2_hbm.at[pl.ds(base + k, 1)], didx[b], idsem[b])

    def wait_idx(b):
        pltpu.make_async_copy(src2_hbm.at[cid, pl.ds(base, 1)], sidx[b],
                              issem[b]).wait()
        pltpu.make_async_copy(dst2_hbm.at[pl.ds(base, 1)], didx[b],
                              idsem[b]).wait()

    issue_idx(0, 0)
    issue_idx(1, 1)
    wait_idx(0)
    pltpu.async_copy(h2_hbm.at[sidx[0].at[0]], rows[0], gsem)

    def step(t, _):
        for b in range(2):
            k = t * 2 + b
            nb = 1 - b
            pltpu.make_async_copy(h2_hbm.at[sidx[b].at[0]], rows[b],
                                  gsem).wait()

            @pl.when(k + 1 < NCH)
            def _():
                wait_idx(nb)
                pltpu.async_copy(h2_hbm.at[sidx[nb].at[0]], rows[nb], gsem)

            pltpu.sync_copy(rows[b], acc_sh.at[didx[b].at[0]], add=True)

            @pl.when(k + 2 < NCH)
            def _():
                issue_idx(k + 2, b)
        return 0

    lax.fori_loop(0, NCH // 2, step, 0)
    plsc.subcore_barrier()

    pltpu.sync_copy(acc_sh.at[pl.ds(sid * RPT, RPT)],
                    out_hbm.at[cid, pl.ds(sid * RPT, RPT)])


@functools.lru_cache(maxsize=None)
def _agg_call():
    return pl.kernel(
        _agg_body,
        mesh=plsc.VectorSubcoreMesh(core_axis_name="c", subcore_axis_name="s"),
        out_type=jax.ShapeDtypeStruct((NC, ACC_ROWS, HALF), jnp.float32),
        scratch_types=(
            [pltpu.VMEM((1, CHUNK), jnp.int32)] * 4
            + [pltpu.VMEM((CHUNK, HALF), jnp.float32)] * 2
            + [
                pltpu.VMEM_SHARED((ACC_ROWS, HALF), jnp.float32),
            ]
            + [pltpu.SemaphoreType.DMA] * 5
        ),
    )


def _mlp_body(x_ref, w1_ref, b1_ref, w2_ref, b2_ref, out_ref):
    h = x_ref[...] @ w1_ref[...] + b1_ref[...]
    h = jnp.maximum(h, 0.0)
    h = h @ w2_ref[...] + b2_ref[...]
    h = jnp.tanh(h)
    out_ref[0] = h[:, :HALF]
    out_ref[1] = h[:, HALF:]


def _mlp_call(x, W1, b1r, W2, b2r):
    grid = (N // ROWBLK,)
    return pl.pallas_call(
        _mlp_body,
        grid=grid,
        in_specs=[
            pl.BlockSpec((ROWBLK, IN_CH), lambda i: (i, 0)),
            pl.BlockSpec((IN_CH, HID), lambda i: (0, 0)),
            pl.BlockSpec((1, HID), lambda i: (0, 0)),
            pl.BlockSpec((HID, HID), lambda i: (0, 0)),
            pl.BlockSpec((1, HID), lambda i: (0, 0)),
        ],
        out_specs=pl.BlockSpec((NC, ROWBLK, HALF), lambda i: (0, i, 0)),
        out_shape=jax.ShapeDtypeStruct((NC, N, HALF), jnp.float32),
    )(x, W1, b1r, W2, b2r)


def _layer_body(a_ref, h_ref, r_ref, wa_ref, ws_ref, bg_ref, out_ref,
                *, relu, split_out):
    r = r_ref[...]
    a0 = a_ref[0] * r
    a1 = a_ref[1] * r
    res = (a0 @ wa_ref[:HALF, :] + a1 @ wa_ref[HALF:, :]
           + h_ref[0] @ ws_ref[:HALF, :] + h_ref[1] @ ws_ref[HALF:, :]
           + bg_ref[...])
    if relu:
        res = jnp.maximum(res, 0.0)
    if split_out:
        out_ref[0] = res[:, :HALF]
        out_ref[1] = res[:, HALF:]
    else:
        out_ref[...] = res


def _layer_call(agg, h2, recip_b, Wa, Ws, bgr, relu, split_out):
    grid = (N // ROWBLK,)
    if split_out:
        out_spec = pl.BlockSpec((NC, ROWBLK, HALF), lambda i: (0, i, 0))
        out_shape = jax.ShapeDtypeStruct((NC, N, HALF), jnp.float32)
    else:
        out_spec = pl.BlockSpec((ROWBLK, HID), lambda i: (i, 0))
        out_shape = jax.ShapeDtypeStruct((N, HID), jnp.float32)
    body = functools.partial(_layer_body, relu=relu, split_out=split_out)
    return pl.pallas_call(
        body,
        grid=grid,
        in_specs=[
            pl.BlockSpec((NC, ROWBLK, HALF), lambda i: (0, i, 0)),
            pl.BlockSpec((NC, ROWBLK, HALF), lambda i: (0, i, 0)),
            pl.BlockSpec((ROWBLK, HALF), lambda i: (i, 0)),
            pl.BlockSpec((HID, HID), lambda i: (0, 0)),
            pl.BlockSpec((HID, HID), lambda i: (0, 0)),
            pl.BlockSpec((1, HID), lambda i: (0, 0)),
        ],
        out_specs=out_spec,
        out_shape=out_shape,
    )(agg, h2, recip_b, Wa, Ws, bgr)


def kernel(x, edge_index, W1, b1, W2, b2, Wagg, Wself, bg):
    ei = edge_index.astype(jnp.int32)
    src, dst = ei[0], ei[1]
    padlen = EPAD - E
    srcp = jnp.concatenate([src, jnp.zeros((padlen,), jnp.int32)])
    dstp = jnp.concatenate([dst, jnp.full((padlen,), N, jnp.int32)])
    src2 = jnp.stack([srcp, srcp + N]).reshape(NC, NCHT, CHUNK)
    dst2 = dstp.reshape(NCHT, CHUNK)
    zeros = jnp.zeros((RPT, HALF), jnp.float32)

    recip_pad = _deg_call()(dstp)
    recip_b = jnp.broadcast_to(recip_pad[:N, None], (N, HALF))

    b1r = b1.reshape(1, HID)
    b2r = b2.reshape(1, HID)
    h2 = _mlp_call(x, W1, b1r, W2, b2r)

    out = None
    for l in range(NLAYERS):
        h2flat = h2.reshape(NC * N, HALF)
        agg = _agg_call()(h2flat, src2, dst2, zeros)
        last = l == NLAYERS - 1
        out = _layer_call(agg, h2, recip_b, Wagg[l], Wself[l],
                          bg[l].reshape(1, HID), relu=not last,
                          split_out=not last)
        if not last:
            h2 = out
    return out

# --- scband reference (transcript-rebuilt; emitter-appended) ---
"""Pipeline reference for scband-gnnencoder-17093969838146 (READ-ONLY COPY).

The authoritative reference and input builder live on the scoring server;
editing this copy changes nothing except your own understanding.
"""

import jax, jax.numpy as jnp
import numpy as np

N_NODES = 10000
N_EDGES = 320000
IN_CH = 128
HID = 256
NUM_LAYERS = 3


def setup_inputs(seed: int = 0) -> dict:
    key = jax.random.key(seed)
    ks = jax.random.split(key, 10)
    x = jax.random.normal(ks[0], (N_NODES, IN_CH), dtype=jnp.float32)
    edge_index = jax.random.randint(ks[1], (2, N_EDGES), 0, N_NODES, dtype=jnp.int64)
    # FeatEnhancement: Linear(in, hid) -> ReLU -> Linear(hid, hid)
    W1 = jax.random.normal(ks[2], (IN_CH, HID), dtype=jnp.float32) * (1.0 / np.sqrt(IN_CH))
    b1 = jnp.zeros((HID,), dtype=jnp.float32)
    W2 = jax.random.normal(ks[3], (HID, HID), dtype=jnp.float32) * (1.0 / np.sqrt(HID))
    b2 = jnp.zeros((HID,), dtype=jnp.float32)
    # MixGNN: per-layer aggregate-transform + self-transform
    Wagg = jax.random.normal(ks[4], (NUM_LAYERS, HID, HID), dtype=jnp.float32) * (1.0 / np.sqrt(HID))
    Wself = jax.random.normal(ks[5], (NUM_LAYERS, HID, HID), dtype=jnp.float32) * (1.0 / np.sqrt(HID))
    bg = jnp.zeros((NUM_LAYERS, HID), dtype=jnp.float32)
    return {"x": x, "edge_index": edge_index, "W1": W1, "b1": b1, "W2": W2, "b2": b2,
            "Wagg": Wagg, "Wself": Wself, "bg": bg}


def reference(x, edge_index, W1, b1, W2, b2, Wagg, Wself, bg):
    n = x.shape[0]
    src = edge_index[0]
    dst = edge_index[1]
    # FeatEnhancement (dropout is identity in eval mode)
    h = jax.nn.relu(x @ W1 + b1)
    h = h @ W2 + b2
    # forward: tanh then dropout (identity in eval)
    h = jnp.tanh(h)
    # MixGNN: num_layers of mean-aggregation message passing
    deg = jax.ops.segment_sum(jnp.ones((src.shape[0],), dtype=jnp.float32), dst, num_segments=n)
    deg = jnp.maximum(deg, 1.0)
    for l in range(NUM_LAYERS):
        msg = jnp.take(h, src, axis=0)
        agg = jax.ops.segment_sum(msg, dst, num_segments=n)
        agg = agg / deg[:, None]
        h_new = agg @ Wagg[l] + h @ Wself[l] + bg[l]
        if l < NUM_LAYERS - 1:
            h_new = jax.nn.relu(h_new)
        h = h_new
    return h

if __name__ == "__main__":
    import jax
    _d = setup_inputs()
    print(jax.jit(kernel)(*tuple(_d.values())))

</pallas_src>

<mosaic_0001>
#map = affine_map<(d0, d1) -> (0)>
module attributes {stable_mosaic.version = 14 : i64} {
  func.func @_deg_body(%arg0: i32, %arg1: i32, %arg2: memref<327680xi32, #tpu.memory_space<hbm>>, %arg3: memref<10240xf32, #tpu.memory_space<hbm>>, %arg4: memref<128xi32, #tpu.memory_space<vmem>>, %arg5: memref<128xf32, #tpu.memory_space<vmem>>, %arg6: memref<640xf32, #tpu.memory_space<vmem>>, %arg7: memref<10240xf32, #tpu.memory_space<vmem_shared>>) attributes {dimension_semantics = [#tpu.dimension_semantics<core_parallel>, #tpu.dimension_semantics<subcore_parallel>], iteration_bounds = array<i64: 2, 16>, scalar_prefetch = 0 : i64, scratch_operands = 4 : i64, tpu.core_type = #tpu.core_type<sc_vector_subcore>, window_params = [{transform_indices = #map}, {transform_indices = #map}]} {
    %scan3A = arith.constant 0 : i32
    %scan3A_0 = arith.constant 0 : i32
    %scan3A_1 = arith.constant 40 : i32
    %scan3A_2 = arith.addi %scan3A_0, %scan3A_1 : i32
    %scan3A_3 = arith.constant 1 : i32
    %scan3A_4 = scf.for %scan3A_28 = %scan3A_0 to %scan3A_2 step %scan3A_3 iter_args(%scan3A_29 = %scan3A) -> (i32)  : i32 {
      %broadcast_in_dim3A = arith.constant 0.000000e+00 : f32
      %broadcast_in_dim3A_30 = vector.broadcast %broadcast_in_dim3A : f32 to vector<16xf32>
      %mul3A_31 = arith.constant 16 : i32
      %mul3A_32 = arith.muli %scan3A_28, %mul3A_31 : i32
      %swap3A = arith.index_cast %mul3A_32 : i32 to index
      %swap3A_33 = tpu.vector_load %arg6[%swap3A] {strides = array<i32>} : memref<640xf32, #tpu.memory_space<vmem>>, vector<16xf32>,
      %swap3A_34 = vector.shape_cast %swap3A_33 : vector<16xf32> to vector<16xf32>
      %swap3A_35 = vector.shape_cast %broadcast_in_dim3A_30 : vector<16xf32> to vector<16xf32>
      tpu.vector_store %arg6[%swap3A], %swap3A_35 {strides = array<i32>} : memref<640xf32, #tpu.memory_space<vmem>>, vector<16xf32>,
      %broadcast_in_dim3A_36 = arith.constant 1.000000e+00 : f32
      %broadcast_in_dim3A_37 = vector.broadcast %broadcast_in_dim3A_36 : f32 to vector<16xf32>
      %jit3A = arith.constant 8 : i32
      %eq3A_38 = arith.constant 0 : i32
      %eq3A_39 = arith.cmpi eq, %jit3A, %eq3A_38 : i32
      %jit3A_40 = arith.constant 1 : i32
      %select_n3A = arith.select %eq3A_39, %jit3A_40, %jit3A : i32
      %rem3A = arith.remsi %scan3A_28, %select_n3A : i32
      %ne3A = arith.constant 0 : i32
      %ne3A_41 = arith.cmpi ne, %rem3A, %ne3A : i32
      %lt3A = arith.constant 0 : i32
      %lt3A_42 = arith.cmpi slt, %rem3A, %lt3A : i32
      %lt3A_43 = arith.constant 0 : i32
      %lt3A_44 = arith.cmpi slt, %select_n3A, %lt3A_43 : i32
      %ne3A_45 = arith.xori %lt3A_42, %lt3A_44 : i1
      %and3A = arith.andi %ne3A_45, %ne3A_41 : i1
      %add3A = arith.addi %rem3A, %select_n3A : i32
      %select_n3A_46 = arith.select %and3A, %add3A, %rem3A : i32
      %mul3A_47 = arith.constant 16 : i32
      %mul3A_48 = arith.muli %select_n3A_46, %mul3A_47 : i32
      %swap3A_49 = arith.index_cast %mul3A_48 : i32 to index
      %swap3A_50 = tpu.vector_load %arg5[%swap3A_49] {strides = array<i32>} : memref<128xf32, #tpu.memory_space<vmem>>, vector<16xf32>,
      %swap3A_51 = vector.shape_cast %swap3A_50 : vector<16xf32> to vector<16xf32>
      %swap3A_52 = vector.shape_cast %broadcast_in_dim3A_37 : vector<16xf32> to vector<16xf32>
      tpu.vector_store %arg5[%swap3A_49], %swap3A_52 {strides = array<i32>} : memref<128xf32, #tpu.memory_space<vmem>>, vector<16xf32>,
      %scan3A_53 = arith.constant 0 : i32
      scf.yield %scan3A_53 : i32
    }
    %scan3A_5 = arith.constant 40 : i32
    %mul3A = arith.constant 640 : i32
    %mul3A_6 = arith.muli %arg1, %mul3A : i32
    "tpu.region"() ({
      %run_scoped3A = tpu.sem_alloc : memref<!tpu.dma_semaphore, #tpu.memory_space<semaphore_mem>>
      %dma_start3A = tpu.memref_slice %arg7[%mul3A_6] : memref<10240xf32, #tpu.memory_space<vmem_shared>> -> memref<640xf32, #tpu.memory_space<vmem_shared>>
      %dma_start3A_28 = tpu.memref_slice %arg7[%mul3A_6] : memref<10240xf32, #tpu.memory_space<vmem_shared>> -> memref<640xf32, #tpu.memory_space<vmem_shared>>
      tpu.enqueue_dma source(%arg6 : memref<640xf32, #tpu.memory_space<vmem>>) target(%dma_start3A_28 : memref<640xf32, #tpu.memory_space<vmem_shared>>) target_semaphore(%run_scoped3A : memref<!tpu.dma_semaphore, #tpu.memory_space<semaphore_mem>>)
      %dma_wait3A = tpu.memref_slice %arg7[%mul3A_6] : memref<10240xf32, #tpu.memory_space<vmem_shared>> -> memref<640xf32, #tpu.memory_space<vmem_shared>>
      %dma_wait3A_29 = tpu.memref_slice %arg7[%mul3A_6] : memref<10240xf32, #tpu.memory_space<vmem_shared>> -> memref<640xf32, #tpu.memory_space<vmem_shared>>
      tpu.wait_dma2 semaphore(%run_scoped3A : memref<!tpu.dma_semaphore, #tpu.memory_space<semaphore_mem>>) src(%arg6 : memref<640xf32, #tpu.memory_space<vmem>>) dst(%dma_wait3A_29 : memref<640xf32, #tpu.memory_space<vmem_shared>>)
      tpu.yield
    }) : () -> ()
    %barrier3A = arith.constant 0 : index
    tpu.barrier barrier_id(%barrier3A)
    %mul3A_7 = arith.constant 20480 : i32
    %mul3A_8 = arith.muli %arg1, %mul3A_7 : i32
    %scan3A_9 = arith.constant 0 : i32
    %scan3A_10 = arith.constant 0 : i32
    %scan3A_11 = arith.constant 160 : i32
    %scan3A_12 = arith.addi %scan3A_10, %scan3A_11 : i32
    %scan3A_13 = arith.constant 1 : i32
    %scan3A_14 = scf.for %scan3A_28 = %scan3A_10 to %scan3A_12 step %scan3A_13 iter_args(%scan3A_29 = %scan3A_9) -> (i32)  : i32 {
      %mul3A_30 = arith.constant 128 : i32
      %mul3A_31 = arith.muli %scan3A_28, %mul3A_30 : i32
      %add3A = arith.addi %mul3A_8, %mul3A_31 : i32
      "tpu.region"() ({
        %run_scoped3A = tpu.sem_alloc : memref<!tpu.dma_semaphore, #tpu.memory_space<semaphore_mem>>
        %dma_start3A = tpu.memref_slice %arg2[%add3A] : memref<327680xi32, #tpu.memory_space<hbm>> -> memref<128xi32, #tpu.memory_space<hbm>>
        %dma_start3A_33 = tpu.memref_slice %arg2[%add3A] : memref<327680xi32, #tpu.memory_space<hbm>> -> memref<128xi32, #tpu.memory_space<hbm>>
        tpu.enqueue_dma source(%dma_start3A_33 : memref<128xi32, #tpu.memory_space<hbm>>) target(%arg4 : memref<128xi32, #tpu.memory_space<vmem>>) target_semaphore(%run_scoped3A : memref<!tpu.dma_semaphore, #tpu.memory_space<semaphore_mem>>)
        %dma_wait3A = tpu.memref_slice %arg2[%add3A] : memref<327680xi32, #tpu.memory_space<hbm>> -> memref<128xi32, #tpu.memory_space<hbm>>
        %dma_wait3A_34 = tpu.memref_slice %arg2[%add3A] : memref<327680xi32, #tpu.memory_space<hbm>> -> memref<128xi32, #tpu.memory_space<hbm>>
        tpu.wait_dma2 semaphore(%run_scoped3A : memref<!tpu.dma_semaphore, #tpu.memory_space<semaphore_mem>>) src(%dma_wait3A_34 : memref<128xi32, #tpu.memory_space<hbm>>) dst(%arg4 : memref<128xi32, #tpu.memory_space<vmem>>)
        tpu.yield
      }) : () -> ()
      "tpu.region"() ({
        %run_scoped3A = tpu.sem_alloc : memref<!tpu.dma_semaphore, #tpu.memory_space<semaphore_mem>>
        %dma_start3A = arith.constant 0 : i32
        %dma_start3A_33 = tpu.memref_slice %arg7[%dma_start3A] : memref<10240xf32, #tpu.memory_space<vmem_shared>> -> memref<10240xf32, #tpu.memory_space<vmem_shared>>
        tpu.enqueue_indirect_dma source(%arg5 : memref<128xf32, #tpu.memory_space<vmem>>) target(%dma_start3A_33 : memref<10240xf32, #tpu.memory_space<vmem_shared>>) offsets(%arg4 : memref<128xi32, #tpu.memory_space<vmem>>) semaphore(%run_scoped3A : memref<!tpu.dma_semaphore, #tpu.memory_space<semaphore_mem>>) {add = true}
        %dma_wait3A = arith.constant 0 : i32
        %dma_wait3A_34 = tpu.memref_slice %arg7[%dma_wait3A] : memref<10240xf32, #tpu.memory_space<vmem_shared>> -> memref<10240xf32, #tpu.memory_space<vmem_shared>>
        tpu.wait_indirect_dma semaphore(%run_scoped3A : memref<!tpu.dma_semaphore, #tpu.memory_space<semaphore_mem>>) src(%arg5 : memref<128xf32, #tpu.memory_space<vmem>>) dst(%dma_wait3A_34 : memref<10240xf32, #tpu.memory_space<vmem_shared>>)
        tpu.yield
      }) : () -> ()
      %scan3A_32 = arith.constant 0 : i32
      scf.yield %scan3A_32 : i32
    }
    %scan3A_15 = arith.constant 160 : i32
    %barrier3A_16 = arith.constant 0 : index
    tpu.barrier barrier_id(%barrier3A_16)
    %mul3A_17 = arith.constant 640 : i32
    %mul3A_18 = arith.muli %arg1, %mul3A_17 : i32
    "tpu.region"() ({
      %run_scoped3A = tpu.sem_alloc : memref<!tpu.dma_semaphore, #tpu.memory_space<semaphore_mem>>
      %dma_start3A = tpu.memref_slice %arg7[%mul3A_18] : memref<10240xf32, #tpu.memory_space<vmem_shared>> -> memref<640xf32, #tpu.memory_space<vmem_shared>>
      %dma_start3A_28 = tpu.memref_slice %arg7[%mul3A_18] : memref<10240xf32, #tpu.memory_space<vmem_shared>> -> memref<640xf32, #tpu.memory_space<vmem_shared>>
      tpu.enqueue_dma source(%dma_start3A_28 : memref<640xf32, #tpu.memory_space<vmem_shared>>) target(%arg6 : memref<640xf32, #tpu.memory_space<vmem>>) target_semaphore(%run_scoped3A : memref<!tpu.dma_semaphore, #tpu.memory_space<semaphore_mem>>)
      %dma_wait3A = tpu.memref_slice %arg7[%mul3A_18] : memref<10240xf32, #tpu.memory_space<vmem_shared>> -> memref<640xf32, #tpu.memory_space<vmem_shared>>
      %dma_wait3A_29 = tpu.memref_slice %arg7[%mul3A_18] : memref<10240xf32, #tpu.memory_space<vmem_shared>> -> memref<640xf32, #tpu.memory_space<vmem_shared>>
      tpu.wait_dma2 semaphore(%run_scoped3A : memref<!tpu.dma_semaphore, #tpu.memory_space<semaphore_mem>>) src(%dma_wait3A_29 : memref<640xf32, #tpu.memory_space<vmem_shared>>) dst(%arg6 : memref<640xf32, #tpu.memory_space<vmem>>)
      tpu.yield
    }) : () -> ()
    %scan3A_19 = arith.constant 0 : i32
    %scan3A_20 = arith.constant 0 : i32
    %scan3A_21 = arith.constant 40 : i32
    %scan3A_22 = arith.addi %scan3A_20, %scan3A_21 : i32
    %scan3A_23 = arith.constant 1 : i32
    %scan3A_24 = scf.for %scan3A_28 = %scan3A_20 to %scan3A_22 step %scan3A_23 iter_args(%scan3A_29 = %scan3A_19) -> (i32)  : i32 {
      %mul3A_30 = arith.constant 16 : i32
      %mul3A_31 = arith.muli %scan3A_28, %mul3A_30 : i32
      %get3A = arith.index_cast %mul3A_31 : i32 to index
      %get3A_32 = tpu.vector_load %arg6[%get3A] {strides = array<i32>} : memref<640xf32, #tpu.memory_space<vmem>>, vector<16xf32>,
      %get3A_33 = vector.shape_cast %get3A_32 : vector<16xf32> to vector<16xf32>
      %max3A = arith.constant 1.000000e+00 : f32
      %max3A_34 = vector.broadcast %max3A : f32 to vector<16xf32>
      %max3A_35 = arith.maximumf %get3A_33, %max3A_34 : vector<16xf32>
      %div3A = arith.constant 1.000000e+00 : f32
      %div3A_36 = vector.broadcast %div3A : f32 to vector<16xf32>
      %div3A_37 = arith.divf %div3A_36, %max3A_35 : vector<16xf32>
      %mul3A_38 = arith.constant 16 : i32
      %mul3A_39 = arith.muli %scan3A_28, %mul3A_38 : i32
      %swap3A = arith.index_cast %mul3A_39 : i32 to index
      %swap3A_40 = tpu.vector_load %arg6[%swap3A] {strides = array<i32>} : memref<640xf32, #tpu.memory_space<vmem>>, vector<16xf32>,
      %swap3A_41 = vector.shape_cast %swap3A_40 : vector<16xf32> to vector<16xf32>
      %swap3A_42 = vector.shape_cast %div3A_37 : vector<16xf32> to vector<16xf32>
      tpu.vector_store %arg6[%swap3A], %swap3A_42 {strides = array<i32>} : memref<640xf32, #tpu.memory_space<vmem>>, vector<16xf32>,
      %scan3A_43 = arith.constant 0 : i32
      scf.yield %scan3A_43 : i32
    }
    %scan3A_25 = arith.constant 40 : i32
    %eq3A = arith.constant 0 : i32
    %eq3A_26 = arith.cmpi eq, %arg0, %eq3A : i32
    %convert_element_type3A = arith.extui %eq3A_26 : i1 to i32
    %cond3A = arith.constant 0 : i32
    %cond3A_27 = arith.cmpi ne, %convert_element_type3A, %cond3A : i32
    scf.if %cond3A_27 {
      %mul3A_28 = arith.constant 640 : i32
      %mul3A_29 = arith.muli %arg1, %mul3A_28 : i32
      "tpu.region"() ({
        %run_scoped3A = tpu.sem_alloc : memref<!tpu.dma_semaphore, #tpu.memory_space<semaphore_mem>>
        %dma_start3A = tpu.memref_slice %arg3[%mul3A_29] : memref<10240xf32, #tpu.memory_space<hbm>> -> memref<640xf32, #tpu.memory_space<hbm>>
        %dma_start3A_30 = tpu.memref_slice %arg3[%mul3A_29] : memref<10240xf32, #tpu.memory_space<hbm>> -> memref<640xf32, #tpu.memory_space<hbm>>
        tpu.enqueue_dma source(%arg6 : memref<640xf32, #tpu.memory_space<vmem>>) target(%dma_start3A_30 : memref<640xf32, #tpu.memory_space<hbm>>) target_semaphore(%run_scoped3A : memref<!tpu.dma_semaphore, #tpu.memory_space<semaphore_mem>>)
        %dma_wait3A = tpu.memref_slice %arg3[%mul3A_29] : memref<10240xf32, #tpu.memory_space<hbm>> -> memref<640xf32, #tpu.memory_space<hbm>>
        %dma_wait3A_31 = tpu.memref_slice %arg3[%mul3A_29] : memref<10240xf32, #tpu.memory_space<hbm>> -> memref<640xf32, #tpu.memory_space<hbm>>
        tpu.wait_dma2 semaphore(%run_scoped3A : memref<!tpu.dma_semaphore, #tpu.memory_space<semaphore_mem>>) src(%arg6 : memref<640xf32, #tpu.memory_space<vmem>>) dst(%dma_wait3A_31 : memref<640xf32, #tpu.memory_space<hbm>>)
        tpu.yield
      }) : () -> ()
    } else {
    }
    return
  }
}

#map = affine_map<(d0, d1) -> (0, 0)>
#map1 = affine_map<(d0, d1) -> (0, 0, 0)>
module attributes {stable_mosaic.version = 14 : i64} {
  func.func @_agg_body(%arg0: i32, %arg1: i32, %arg2: memref<20000x128xf32, #tpu.memory_space<hbm>>, %arg3: memref<2x2560x128xi32, #tpu.memory_space<hbm>>, %arg4: memref<2560x128xi32, #tpu.memory_space<hbm>>, %arg5: memref<640x128xf32, #tpu.memory_space<hbm>>, %arg6: memref<2x10240x128xf32, #tpu.memory_space<hbm>>, %arg7: memref<1x128xi32, #tpu.memory_space<vmem>>, %arg8: memref<1x128xi32, #tpu.memory_space<vmem>>, %arg9: memref<1x128xi32, #tpu.memory_space<vmem>>, %arg10: memref<1x128xi32, #tpu.memory_space<vmem>>, %arg11: memref<128x128xf32, #tpu.memory_space<vmem>>, %arg12: memref<128x128xf32, #tpu.memory_space<vmem>>, %arg13: memref<10240x128xf32, #tpu.memory_space<vmem_shared>>, %arg14: memref<!tpu.dma_semaphore, #tpu.memory_space<semaphore_mem>>, %arg15: memref<!tpu.dma_semaphore, #tpu.memory_space<semaphore_mem>>, %arg16: memref<!tpu.dma_semaphore, #tpu.memory_space<semaphore_mem>>, %arg17: memref<!tpu.dma_semaphore, #tpu.memory_space<semaphore_mem>>, %arg18: memref<!tpu.dma_semaphore, #tpu.memory_space<semaphore_mem>>) attributes {dimension_semantics = [#tpu.dimension_semantics<core_parallel>, #tpu.dimension_semantics<subcore_parallel>], iteration_bounds = array<i64: 2, 16>, scalar_prefetch = 0 : i64, scratch_operands = 12 : i64, tpu.core_type = #tpu.core_type<sc_vector_subcore>, window_params = [{transform_indices = #map}, {transform_indices = #map1}, {transform_indices = #map}, {transform_indices = #map}, {transform_indices = #map1}]} {
    %mul3A = arith.constant 640 : i32
    %mul3A_0 = arith.muli %arg1, %mul3A : i32
    "tpu.region"() ({
      %run_scoped3A = tpu.sem_alloc : memref<!tpu.dma_semaphore, #tpu.memory_space<semaphore_mem>>
      %dma_start3A_56 = arith.constant 0 : i32
      %dma_start3A_57 = tpu.memref_slice %arg13[%mul3A_0, %dma_start3A_56] : memref<10240x128xf32, #tpu.memory_space<vmem_shared>> -> memref<640x128xf32, #tpu.memory_space<vmem_shared>>
      tpu.enqueue_dma source(%arg5 : memref<640x128xf32, #tpu.memory_space<hbm>>) target(%dma_start3A_57 : memref<640x128xf32, #tpu.memory_space<vmem_shared>>) target_semaphore(%run_scoped3A : memref<!tpu.dma_semaphore, #tpu.memory_space<semaphore_mem>>)
      %dma_wait3A_58 = arith.constant 0 : i32
      %dma_wait3A_59 = tpu.memref_slice %arg13[%mul3A_0, %dma_wait3A_58] : memref<10240x128xf32, #tpu.memory_space<vmem_shared>> -> memref<640x128xf32, #tpu.memory_space<vmem_shared>>
      tpu.wait_dma2 semaphore(%run_scoped3A : memref<!tpu.dma_semaphore, #tpu.memory_space<semaphore_mem>>) src(%arg5 : memref<640x128xf32, #tpu.memory_space<hbm>>) dst(%dma_wait3A_59 : memref<640x128xf32, #tpu.memory_space<vmem_shared>>)
      tpu.yield
    }) : () -> ()
    %barrier3A = arith.constant 0 : index
    tpu.barrier barrier_id(%barrier3A)
    %mul3A_1 = arith.constant 160 : i32
    %mul3A_2 = arith.muli %arg1, %mul3A_1 : i32
    %add3A = arith.constant 0 : i32
    %add3A_3 = arith.addi %mul3A_2, %add3A : i32
    %dma_start3A = arith.constant 0 : i32
    %dma_start3A_4 = tpu.memref_slice %arg3[%arg0, %add3A_3, %dma_start3A] : memref<2x2560x128xi32, #tpu.memory_space<hbm>> -> memref<1x1x128xi32, #tpu.memory_space<hbm>>
    %dma_start3A_5 = tpu.memref_squeeze %dma_start3A_4 : memref<1x1x128xi32, #tpu.memory_space<hbm>> -> memref<1x128xi32, #tpu.memory_space<hbm>>
    %dma_start3A_6 = arith.constant 0 : i32
    %dma_start3A_7 = tpu.memref_slice %arg3[%arg0, %add3A_3, %dma_start3A_6] : memref<2x2560x128xi32, #tpu.memory_space<hbm>> -> memref<1x1x128xi32, #tpu.memory_space<hbm>>
    %dma_start3A_8 = tpu.memref_squeeze %dma_start3A_7 : memref<1x1x128xi32, #tpu.memory_space<hbm>> -> memref<1x128xi32, #tpu.memory_space<hbm>>
    tpu.enqueue_dma source(%dma_start3A_8 : memref<1x128xi32, #tpu.memory_space<hbm>>) target(%arg7 : memref<1x128xi32, #tpu.memory_space<vmem>>) target_semaphore(%arg15 : memref<!tpu.dma_semaphore, #tpu.memory_space<semaphore_mem>>)
    %add3A_9 = arith.constant 0 : i32
    %add3A_10 = arith.addi %mul3A_2, %add3A_9 : i32
    %dma_start3A_11 = arith.constant 0 : i32
    %dma_start3A_12 = tpu.memref_slice %arg4[%add3A_10, %dma_start3A_11] : memref<2560x128xi32, #tpu.memory_space<hbm>> -> memref<1x128xi32, #tpu.memory_space<hbm>>
    %dma_start3A_13 = arith.constant 0 : i32
    %dma_start3A_14 = tpu.memref_slice %arg4[%add3A_10, %dma_start3A_13] : memref<2560x128xi32, #tpu.memory_space<hbm>> -> memref<1x128xi32, #tpu.memory_space<hbm>>
    tpu.enqueue_dma source(%dma_start3A_14 : memref<1x128xi32, #tpu.memory_space<hbm>>) target(%arg9 : memref<1x128xi32, #tpu.memory_space<vmem>>) target_semaphore(%arg17 : memref<!tpu.dma_semaphore, #tpu.memory_space<semaphore_mem>>)
    %add3A_15 = arith.constant 1 : i32
    %add3A_16 = arith.addi %mul3A_2, %add3A_15 : i32
    %dma_start3A_17 = arith.constant 0 : i32
    %dma_start3A_18 = tpu.memref_slice %arg3[%arg0, %add3A_16, %dma_start3A_17] : memref<2x2560x128xi32, #tpu.memory_space<hbm>> -> memref<1x1x128xi32, #tpu.memory_space<hbm>>
    %dma_start3A_19 = tpu.memref_squeeze %dma_start3A_18 : memref<1x1x128xi32, #tpu.memory_space<hbm>> -> memref<1x128xi32, #tpu.memory_space<hbm>>
    %dma_start3A_20 = arith.constant 0 : i32
    %dma_start3A_21 = tpu.memref_slice %arg3[%arg0, %add3A_16, %dma_start3A_20] : memref<2x2560x128xi32, #tpu.memory_space<hbm>> -> memref<1x1x128xi32, #tpu.memory_space<hbm>>
    %dma_start3A_22 = tpu.memref_squeeze %dma_start3A_21 : memref<1x1x128xi32, #tpu.memory_space<hbm>> -> memref<1x128xi32, #tpu.memory_space<hbm>>
    tpu.enqueue_dma source(%dma_start3A_22 : memref<1x128xi32, #tpu.memory_space<hbm>>) target(%arg8 : memref<1x128xi32, #tpu.memory_space<vmem>>) target_semaphore(%arg16 : memref<!tpu.dma_semaphore, #tpu.memory_space<semaphore_mem>>)
    %add3A_23 = arith.constant 1 : i32
    %add3A_24 = arith.addi %mul3A_2, %add3A_23 : i32
    %dma_start3A_25 = arith.constant 0 : i32
    %dma_start3A_26 = tpu.memref_slice %arg4[%add3A_24, %dma_start3A_25] : memref<2560x128xi32, #tpu.memory_space<hbm>> -> memref<1x128xi32, #tpu.memory_space<hbm>>
    %dma_start3A_27 = arith.constant 0 : i32
    %dma_start3A_28 = tpu.memref_slice %arg4[%add3A_24, %dma_start3A_27] : memref<2560x128xi32, #tpu.memory_space<hbm>> -> memref<1x128xi32, #tpu.memory_space<hbm>>
    tpu.enqueue_dma source(%dma_start3A_28 : memref<1x128xi32, #tpu.memory_space<hbm>>) target(%arg10 : memref<1x128xi32, #tpu.memory_space<vmem>>) target_semaphore(%arg18 : memref<!tpu.dma_semaphore, #tpu.memory_space<semaphore_mem>>)
    %dma_wait3A = arith.constant 0 : i32
    %dma_wait3A_29 = tpu.memref_slice %arg3[%arg0, %mul3A_2, %dma_wait3A] : memref<2x2560x128xi32, #tpu.memory_space<hbm>> -> memref<1x1x128xi32, #tpu.memory_space<hbm>>
    %dma_wait3A_30 = tpu.memref_squeeze %dma_wait3A_29 : memref<1x1x128xi32, #tpu.memory_space<hbm>> -> memref<1x128xi32, #tpu.memory_space<hbm>>
    %dma_wait3A_31 = arith.constant 0 : i32
    %dma_wait3A_32 = tpu.memref_slice %arg3[%arg0, %mul3A_2, %dma_wait3A_31] : memref<2x2560x128xi32, #tpu.memory_space<hbm>> -> memref<1x1x128xi32, #tpu.memory_space<hbm>>
    %dma_wait3A_33 = tpu.memref_squeeze %dma_wait3A_32 : memref<1x1x128xi32, #tpu.memory_space<hbm>> -> memref<1x128xi32, #tpu.memory_space<hbm>>
    tpu.wait_dma2 semaphore(%arg15 : memref<!tpu.dma_semaphore, #tpu.memory_space<semaphore_mem>>) src(%dma_wait3A_33 : memref<1x128xi32, #tpu.memory_space<hbm>>) dst(%arg7 : memref<1x128xi32, #tpu.memory_space<vmem>>)
    %dma_wait3A_34 = arith.constant 0 : i32
    %dma_wait3A_35 = tpu.memref_slice %arg4[%mul3A_2, %dma_wait3A_34] : memref<2560x128xi32, #tpu.memory_space<hbm>> -> memref<1x128xi32, #tpu.memory_space<hbm>>
    %dma_wait3A_36 = arith.constant 0 : i32
    %dma_wait3A_37 = tpu.memref_slice %arg4[%mul3A_2, %dma_wait3A_36] : memref<2560x128xi32, #tpu.memory_space<hbm>> -> memref<1x128xi32, #tpu.memory_space<hbm>>
    tpu.wait_dma2 semaphore(%arg17 : memref<!tpu.dma_semaphore, #tpu.memory_space<semaphore_mem>>) src(%dma_wait3A_37 : memref<1x128xi32, #tpu.memory_space<hbm>>) dst(%arg9 : memref<1x128xi32, #tpu.memory_space<vmem>>)
    %dma_start3A_38 = arith.constant 0 : i32
    %dma_start3A_39 = arith.constant 0 : i32
    %dma_start3A_40 = tpu.memref_slice %arg7[%dma_start3A_38, %dma_start3A_39] : memref<1x128xi32, #tpu.memory_space<vmem>> -> memref<1x128xi32, #tpu.memory_space<vmem>>
    %dma_start3A_41 = tpu.memref_squeeze %dma_start3A_40 : memref<1x128xi32, #tpu.memory_space<vmem>> -> memref<128xi32, #tpu.memory_space<vmem>>
    %dma_start3A_42 = arith.constant 0 : i32
    %dma_start3A_43 = arith.constant 0 : i32
    %dma_start3A_44 = tpu.memref_slice %arg2[%dma_start3A_42, %dma_start3A_43] : memref<20000x128xf32, #tpu.memory_space<hbm>> -> memref<20000x128xf32, #tpu.memory_space<hbm>>
    tpu.enqueue_indirect_dma source(%dma_start3A_44 : memref<20000x128xf32, #tpu.memory_space<hbm>>) target(%arg11 : memref<128x128xf32, #tpu.memory_space<vmem>>) offsets(%dma_start3A_41 : memref<128xi32, #tpu.memory_space<vmem>>) semaphore(%arg14 : memref<!tpu.dma_semaphore, #tpu.memory_space<semaphore_mem>>)
    %scan3A = arith.constant 0 : i32
    %scan3A_45 = arith.constant 0 : i32
    %scan3A_46 = arith.constant 80 : i32
    %scan3A_47 = arith.addi %scan3A_45, %scan3A_46 : i32
    %scan3A_48 = arith.constant 1 : i32
    %scan3A_49 = scf.for %scan3A_56 = %scan3A_45 to %scan3A_47 step %scan3A_48 iter_args(%scan3A_57 = %scan3A) -> (i32)  : i32 {
      %mul3A_58 = arith.constant 2 : i32
      %mul3A_59 = arith.muli %scan3A_56, %mul3A_58 : i32
      %add3A_60 = arith.constant 0 : i32
      %add3A_61 = arith.addi %mul3A_59, %add3A_60 : i32
      %dma_wait3A_62 = arith.constant 0 : i32
      %dma_wait3A_63 = arith.constant 0 : i32
      %dma_wait3A_64 = tpu.memref_slice %arg7[%dma_wait3A_62, %dma_wait3A_63] : memref<1x128xi32, #tpu.memory_space<vmem>> -> memref<1x128xi32, #tpu.memory_space<vmem>>
      %dma_wait3A_65 = tpu.memref_squeeze %dma_wait3A_64 : memref<1x128xi32, #tpu.memory_space<vmem>> -> memref<128xi32, #tpu.memory_space<vmem>>
      %dma_wait3A_66 = arith.constant 0 : i32
      %dma_wait3A_67 = arith.constant 0 : i32
      %dma_wait3A_68 = tpu.memref_slice %arg2[%dma_wait3A_66, %dma_wait3A_67] : memref<20000x128xf32, #tpu.memory_space<hbm>> -> memref<20000x128xf32, #tpu.memory_space<hbm>>
      tpu.wait_indirect_dma semaphore(%arg14 : memref<!tpu.dma_semaphore, #tpu.memory_space<semaphore_mem>>) src(%dma_wait3A_68 : memref<20000x128xf32, #tpu.memory_space<hbm>>) dst(%arg11 : memref<128x128xf32, #tpu.memory_space<vmem>>)
      %add3A_69 = arith.constant 1 : i32
      %add3A_70 = arith.addi %add3A_61, %add3A_69 : i32
      %lt3A = arith.constant 160 : i32
      %lt3A_71 = arith.cmpi slt, %add3A_70, %lt3A : i32
      %convert_element_type3A = arith.extui %lt3A_71 : i1 to i32
      %cond3A = arith.constant 0 : i32
      %cond3A_72 = arith.cmpi ne, %convert_element_type3A, %cond3A : i32
      scf.if %cond3A_72 {
        %dma_wait3A_107 = arith.constant 0 : i32
        %dma_wait3A_108 = tpu.memref_slice %arg3[%arg0, %mul3A_2, %dma_wait3A_107] : memref<2x2560x128xi32, #tpu.memory_space<hbm>> -> memref<1x1x128xi32, #tpu.memory_space<hbm>>
        %dma_wait3A_109 = tpu.memref_squeeze %dma_wait3A_108 : memref<1x1x128xi32, #tpu.memory_space<hbm>> -> memref<1x128xi32, #tpu.memory_space<hbm>>
        %dma_wait3A_110 = arith.constant 0 : i32
        %dma_wait3A_111 = tpu.memref_slice %arg3[%arg0, %mul3A_2, %dma_wait3A_110] : memref<2x2560x128xi32, #tpu.memory_space<hbm>> -> memref<1x1x128xi32, #tpu.memory_space<hbm>>
        %dma_wait3A_112 = tpu.memref_squeeze %dma_wait3A_111 : memref<1x1x128xi32, #tpu.memory_space<hbm>> -> memref<1x128xi32, #tpu.memory_space<hbm>>
        tpu.wait_dma2 semaphore(%arg16 : memref<!tpu.dma_semaphore, #tpu.memory_space<semaphore_mem>>) src(%dma_wait3A_112 : memref<1x128xi32, #tpu.memory_space<hbm>>) dst(%arg8 : memref<1x128xi32, #tpu.memory_space<vmem>>)
        %dma_wait3A_113 = arith.constant 0 : i32
        %dma_wait3A_114 = tpu.memref_slice %arg4[%mul3A_2, %dma_wait3A_113] : memref<2560x128xi32, #tpu.memory_space<hbm>> -> memref<1x128xi32, #tpu.memory_space<hbm>>
        %dma_wait3A_115 = arith.constant 0 : i32
        %dma_wait3A_116 = tpu.memref_slice %arg4[%mul3A_2, %dma_wait3A_115] : memref<2560x128xi32, #tpu.memory_space<hbm>> -> memref<1x128xi32, #tpu.memory_space<hbm>>
        tpu.wait_dma2 semaphore(%arg18 : memref<!tpu.dma_semaphore, #tpu.memory_space<semaphore_mem>>) src(%dma_wait3A_116 : memref<1x128xi32, #tpu.memory_space<hbm>>) dst(%arg10 : memref<1x128xi32, #tpu.memory_space<vmem>>)
        %dma_start3A_117 = arith.constant 0 : i32
        %dma_start3A_118 = arith.constant 0 : i32
        %dma_start3A_119 = tpu.memref_slice %arg8[%dma_start3A_117, %dma_start3A_118] : memref<1x128xi32, #tpu.memory_space<vmem>> -> memref<1x128xi32, #tpu.memory_space<vmem>>
        %dma_start3A_120 = tpu.memref_squeeze %dma_start3A_119 : memref<1x128xi32, #tpu.memory_space<vmem>> -> memref<128xi32, #tpu.memory_space<vmem>>
        %dma_start3A_121 = arith.constant 0 : i32
        %dma_start3A_122 = arith.constant 0 : i32
        %dma_start3A_123 = tpu.memref_slice %arg2[%dma_start3A_121, %dma_start3A_122] : memref<20000x128xf32, #tpu.memory_space<hbm>> -> memref<20000x128xf32, #tpu.memory_space<hbm>>
        tpu.enqueue_indirect_dma source(%dma_start3A_123 : memref<20000x128xf32, #tpu.memory_space<hbm>>) target(%arg12 : memref<128x128xf32, #tpu.memory_space<vmem>>) offsets(%dma_start3A_120 : memref<128xi32, #tpu.memory_space<vmem>>) semaphore(%arg14 : memref<!tpu.dma_semaphore, #tpu.memory_space<semaphore_mem>>)
      } else {
      }
      %run_scoped3A = arith.constant 0 : i32
      "tpu.region"() ({
        %run_scoped3A_107 = tpu.sem_alloc : memref<!tpu.dma_semaphore, #tpu.memory_space<semaphore_mem>>
        %dma_start3A_108 = arith.constant 0 : i32
        %dma_start3A_109 = tpu.memref_slice %arg9[%run_scoped3A, %dma_start3A_108] : memref<1x128xi32, #tpu.memory_space<vmem>> -> memref<1x128xi32, #tpu.memory_space<vmem>>
        %dma_start3A_110 = tpu.memref_squeeze %dma_start3A_109 : memref<1x128xi32, #tpu.memory_space<vmem>> -> memref<128xi32, #tpu.memory_space<vmem>>
        %dma_start3A_111 = arith.constant 0 : i32
        %dma_start3A_112 = arith.constant 0 : i32
        %dma_start3A_113 = tpu.memref_slice %arg13[%dma_start3A_111, %dma_start3A_112] : memref<10240x128xf32, #tpu.memory_space<vmem_shared>> -> memref<10240x128xf32, #tpu.memory_space<vmem_shared>>
        tpu.enqueue_indirect_dma source(%arg11 : memref<128x128xf32, #tpu.memory_space<vmem>>) target(%dma_start3A_113 : memref<10240x128xf32, #tpu.memory_space<vmem_shared>>) offsets(%dma_start3A_110 : memref<128xi32, #tpu.memory_space<vmem>>) semaphore(%run_scoped3A_107 : memref<!tpu.dma_semaphore, #tpu.memory_space<semaphore_mem>>) {add = true}
        %dma_wait3A_114 = arith.constant 0 : i32
        %dma_wait3A_115 = tpu.memref_slice %arg9[%run_scoped3A, %dma_wait3A_114] : memref<1x128xi32, #tpu.memory_space<vmem>> -> memref<1x128xi32, #tpu.memory_space<vmem>>
        %dma_wait3A_116 = tpu.memref_squeeze %dma_wait3A_115 : memref<1x128xi32, #tpu.memory_space<vmem>> -> memref<128xi32, #tpu.memory_space<vmem>>
        %dma_wait3A_117 = arith.constant 0 : i32
        %dma_wait3A_118 = arith.constant 0 : i32
        %dma_wait3A_119 = tpu.memref_slice %arg13[%dma_wait3A_117, %dma_wait3A_118] : memref<10240x128xf32, #tpu.memory_space<vmem_shared>> -> memref<10240x128xf32, #tpu.memory_space<vmem_shared>>
        tpu.wait_indirect_dma semaphore(%run_scoped3A_107 : memref<!tpu.dma_semaphore, #tpu.memory_space<semaphore_mem>>) src(%arg11 : memref<128x128xf32, #tpu.memory_space<vmem>>) dst(%dma_wait3A_119 : memref<10240x128xf32, #tpu.memory_space<vmem_shared>>)
        tpu.yield
      }) : () -> ()
      %add3A_73 = arith.constant 2 : i32
      %add3A_74 = arith.addi %add3A_61, %add3A_73 : i32
      %lt3A_75 = arith.constant 160 : i32
      %lt3A_76 = arith.cmpi slt, %add3A_74, %lt3A_75 : i32
      %convert_element_type3A_77 = arith.extui %lt3A_76 : i1 to i32
      %cond3A_78 = arith.constant 0 : i32
      %cond3A_79 = arith.cmpi ne, %convert_element_type3A_77, %cond3A_78 : i32
      scf.if %cond3A_79 {
        %add3A_107 = arith.constant 2 : i32
        %add3A_108 = arith.addi %add3A_61, %add3A_107 : i32
        %add3A_109 = arith.addi %mul3A_2, %add3A_108 : i32
        %dma_start3A_110 = arith.constant 0 : i32
        %dma_start3A_111 = tpu.memref_slice %arg3[%arg0, %add3A_109, %dma_start3A_110] : memref<2x2560x128xi32, #tpu.memory_space<hbm>> -> memref<1x1x128xi32, #tpu.memory_space<hbm>>
        %dma_start3A_112 = tpu.memref_squeeze %dma_start3A_111 : memref<1x1x128xi32, #tpu.memory_space<hbm>> -> memref<1x128xi32, #tpu.memory_space<hbm>>
        %dma_start3A_113 = arith.constant 0 : i32
        %dma_start3A_114 = tpu.memref_slice %arg3[%arg0, %add3A_109, %dma_start3A_113] : memref<2x2560x128xi32, #tpu.memory_space<hbm>> -> memref<1x1x128xi32, #tpu.memory_space<hbm>>
        %dma_start3A_115 = tpu.memref_squeeze %dma_start3A_114 : memref<1x1x128xi32, #tpu.memory_space<hbm>> -> memref<1x128xi32, #tpu.memory_space<hbm>>
        tpu.enqueue_dma source(%dma_start3A_115 : memref<1x128xi32, #tpu.memory_space<hbm>>) target(%arg7 : memref<1x128xi32, #tpu.memory_space<vmem>>) target_semaphore(%arg15 : memref<!tpu.dma_semaphore, #tpu.memory_space<semaphore_mem>>)
        %add3A_116 = arith.addi %mul3A_2, %add3A_108 : i32
        %dma_start3A_117 = arith.constant 0 : i32
        %dma_start3A_118 = tpu.memref_slice %arg4[%add3A_116, %dma_start3A_117] : memref<2560x128xi32, #tpu.memory_space<hbm>> -> memref<1x128xi32, #tpu.memory_space<hbm>>
        %dma_start3A_119 = arith.constant 0 : i32
        %dma_start3A_120 = tpu.memref_slice %arg4[%add3A_116, %dma_start3A_119] : memref<2560x128xi32, #tpu.memory_space<hbm>> -> memref<1x128xi32, #tpu.memory_space<hbm>>
        tpu.enqueue_dma source(%dma_start3A_120 : memref<1x128xi32, #tpu.memory_space<hbm>>) target(%arg9 : memref<1x128xi32, #tpu.memory_space<vmem>>) target_semaphore(%arg17 : memref<!tpu.dma_semaphore, #tpu.memory_space<semaphore_mem>>)
      } else {
      }
      %mul3A_80 = arith.constant 2 : i32
      %mul3A_81 = arith.muli %scan3A_56, %mul3A_80 : i32
      %add3A_82 = arith.constant 1 : i32
      %add3A_83 = arith.addi %mul3A_81, %add3A_82 : i32
      %dma_wait3A_84 = arith.constant 0 : i32
      %dma_wait3A_85 = arith.constant 0 : i32
      %dma_wait3A_86 = tpu.memref_slice %arg8[%dma_wait3A_84, %dma_wait3A_85] : memref<1x128xi32, #tpu.memory_space<vmem>> -> memref<1x128xi32, #tpu.memory_space<vmem>>
      %dma_wait3A_87 = tpu.memref_squeeze %dma_wait3A_86 : memref<1x128xi32, #tpu.memory_space<vmem>> -> memref<128xi32, #tpu.memory_space<vmem>>
      %dma_wait3A_88 = arith.constant 0 : i32
      %dma_wait3A_89 = arith.constant 0 : i32
      %dma_wait3A_90 = tpu.memref_slice %arg2[%dma_wait3A_88, %dma_wait3A_89] : memref<20000x128xf32, #tpu.memory_space<hbm>> -> memref<20000x128xf32, #tpu.memory_space<hbm>>
      tpu.wait_indirect_dma semaphore(%arg14 : memref<!tpu.dma_semaphore, #tpu.memory_space<semaphore_mem>>) src(%dma_wait3A_90 : memref<20000x128xf32, #tpu.memory_space<hbm>>) dst(%arg12 : memref<128x128xf32, #tpu.memory_space<vmem>>)
      %add3A_91 = arith.constant 1 : i32
      %add3A_92 = arith.addi %add3A_83, %add3A_91 : i32
      %lt3A_93 = arith.constant 160 : i32
      %lt3A_94 = arith.cmpi slt, %add3A_92, %lt3A_93 : i32
      %convert_element_type3A_95 = arith.extui %lt3A_94 : i1 to i32
      %cond3A_96 = arith.constant 0 : i32
      %cond3A_97 = arith.cmpi ne, %convert_element_type3A_95, %cond3A_96 : i32
      scf.if %cond3A_97 {
        %dma_wait3A_107 = arith.constant 0 : i32
        %dma_wait3A_108 = tpu.memref_slice %arg3[%arg0, %mul3A_2, %dma_wait3A_107] : memref<2x2560x128xi32, #tpu.memory_space<hbm>> -> memref<1x1x128xi32, #tpu.memory_space<hbm>>
        %dma_wait3A_109 = tpu.memref_squeeze %dma_wait3A_108 : memref<1x1x128xi32, #tpu.memory_space<hbm>> -> memref<1x128xi32, #tpu.memory_space<hbm>>
        %dma_wait3A_110 = arith.constant 0 : i32
        %dma_wait3A_111 = tpu.memref_slice %arg3[%arg0, %mul3A_2, %dma_wait3A_110] : memref<2x2560x128xi32, #tpu.memory_space<hbm>> -> memref<1x1x128xi32, #tpu.memory_space<hbm>>
        %dma_wait3A_112 = tpu.memref_squeeze %dma_wait3A_111 : memref<1x1x128xi32, #tpu.memory_space<hbm>> -> memref<1x128xi32, #tpu.memory_space<hbm>>
        tpu.wait_dma2 semaphore(%arg15 : memref<!tpu.dma_semaphore, #tpu.memory_space<semaphore_mem>>) src(%dma_wait3A_112 : memref<1x128xi32, #tpu.memory_space<hbm>>) dst(%arg7 : memref<1x128xi32, #tpu.memory_space<vmem>>)
        %dma_wait3A_113 = arith.constant 0 : i32
        %dma_wait3A_114 = tpu.memref_slice %arg4[%mul3A_2, %dma_wait3A_113] : memref<2560x128xi32, #tpu.memory_space<hbm>> -> memref<1x128xi32, #tpu.memory_space<hbm>>
        %dma_wait3A_115 = arith.constant 0 : i32
        %dma_wait3A_116 = tpu.memref_slice %arg4[%mul3A_2, %dma_wait3A_115] : memref<2560x128xi32, #tpu.memory_space<hbm>> -> memref<1x128xi32, #tpu.memory_space<hbm>>
        tpu.wait_dma2 semaphore(%arg17 : memref<!tpu.dma_semaphore, #tpu.memory_space<semaphore_mem>>) src(%dma_wait3A_116 : memref<1x128xi32, #tpu.memory_space<hbm>>) dst(%arg9 : memref<1x128xi32, #tpu.memory_space<vmem>>)
        %dma_start3A_117 = arith.constant 0 : i32
        %dma_start3A_118 = arith.constant 0 : i32
        %dma_start3A_119 = tpu.memref_slice %arg7[%dma_start3A_117, %dma_start3A_118] : memref<1x128xi32, #tpu.memory_space<vmem>> -> memref<1x128xi32, #tpu.memory_space<vmem>>
        %dma_start3A_120 = tpu.memref_squeeze %dma_start3A_119 : memref<1x128xi32, #tpu.memory_space<vmem>> -> memref<128xi32, #tpu.memory_space<vmem>>
        %dma_start3A_121 = arith.constant 0 : i32
        %dma_start3A_122 = arith.constant 0 : i32
        %dma_start3A_123 = tpu.memref_slice %arg2[%dma_start3A_121, %dma_start3A_122] : memref<20000x128xf32, #tpu.memory_space<hbm>> -> memref<20000x128xf32, #tpu.memory_space<hbm>>
        tpu.enqueue_indirect_dma source(%dma_start3A_123 : memref<20000x128xf32, #tpu.memory_space<hbm>>) target(%arg11 : memref<128x128xf32, #tpu.memory_space<vmem>>) offsets(%dma_start3A_120 : memref<128xi32, #tpu.memory_space<vmem>>) semaphore(%arg14 : memref<!tpu.dma_semaphore, #tpu.memory_space<semaphore_mem>>)
      } else {
      }
      %run_scoped3A_98 = arith.constant 0 : i32
      "tpu.region"() ({
        %run_scoped3A_107 = tpu.sem_alloc : memref<!tpu.dma_semaphore, #tpu.memory_space<semaphore_mem>>
        %dma_start3A_108 = arith.constant 0 : i32
        %dma_start3A_109 = tpu.memref_slice %arg10[%run_scoped3A_98, %dma_start3A_108] : memref<1x128xi32, #tpu.memory_space<vmem>> -> memref<1x128xi32, #tpu.memory_space<vmem>>
        %dma_start3A_110 = tpu.memref_squeeze %dma_start3A_109 : memref<1x128xi32, #tpu.memory_space<vmem>> -> memref<128xi32, #tpu.memory_space<vmem>>
        %dma_start3A_111 = arith.constant 0 : i32
        %dma_start3A_112 = arith.constant 0 : i32
        %dma_start3A_113 = tpu.memref_slice %arg13[%dma_start3A_111, %dma_start3A_112] : memref<10240x128xf32, #tpu.memory_space<vmem_shared>> -> memref<10240x128xf32, #tpu.memory_space<vmem_shared>>
        tpu.enqueue_indirect_dma source(%arg12 : memref<128x128xf32, #tpu.memory_space<vmem>>) target(%dma_start3A_113 : memref<10240x128xf32, #tpu.memory_space<vmem_shared>>) offsets(%dma_start3A_110 : memref<128xi32, #tpu.memory_space<vmem>>) semaphore(%run_scoped3A_107 : memref<!tpu.dma_semaphore, #tpu.memory_space<semaphore_mem>>) {add = true}
        %dma_wait3A_114 = arith.constant 0 : i32
        %dma_wait3A_115 = tpu.memref_slice %arg10[%run_scoped3A_98, %dma_wait3A_114] : memref<1x128xi32, #tpu.memory_space<vmem>> -> memref<1x128xi32, #tpu.memory_space<vmem>>
        %dma_wait3A_116 = tpu.memref_squeeze %dma_wait3A_115 : memref<1x128xi32, #tpu.memory_space<vmem>> -> memref<128xi32, #tpu.memory_space<vmem>>
        %dma_wait3A_117 = arith.constant 0 : i32
        %dma_wait3A_118 = arith.constant 0 : i32
        %dma_wait3A_119 = tpu.memref_slice %arg13[%dma_wait3A_117, %dma_wait3A_118] : memref<10240x128xf32, #tpu.memory_space<vmem_shared>> -> memref<10240x128xf32, #tpu.memory_space<vmem_shared>>
        tpu.wait_indirect_dma semaphore(%run_scoped3A_107 : memref<!tpu.dma_semaphore, #tpu.memory_space<semaphore_mem>>) src(%arg12 : memref<128x128xf32, #tpu.memory_space<vmem>>) dst(%dma_wait3A_119 : memref<10240x128xf32, #tpu.memory_space<vmem_shared>>)
        tpu.yield
      }) : () -> ()
      %add3A_99 = arith.constant 2 : i32
      %add3A_100 = arith.addi %add3A_83, %add3A_99 : i32
      %lt3A_101 = arith.constant 160 : i32
      %lt3A_102 = arith.cmpi slt, %add3A_100, %lt3A_101 : i32
      %convert_element_type3A_103 = arith.extui %lt3A_102 : i1 to i32
      %cond3A_104 = arith.constant 0 : i32
      %cond3A_105 = arith.cmpi ne, %convert_element_type3A_103, %cond3A_104 : i32
      scf.if %cond3A_105 {
        %add3A_107 = arith.constant 2 : i32
        %add3A_108 = arith.addi %add3A_83, %add3A_107 : i32
        %add3A_109 = arith.addi %mul3A_2, %add3A_108 : i32
        %dma_start3A_110 = arith.constant 0 : i32
        %dma_start3A_111 = tpu.memref_slice %arg3[%arg0, %add3A_109, %dma_start3A_110] : memref<2x2560x128xi32, #tpu.memory_space<hbm>> -> memref<1x1x128xi32, #tpu.memory_space<hbm>>
        %dma_start3A_112 = tpu.memref_squeeze %dma_start3A_111 : memref<1x1x128xi32, #tpu.memory_space<hbm>> -> memref<1x128xi32, #tpu.memory_space<hbm>>
        %dma_start3A_113 = arith.constant 0 : i32
        %dma_start3A_114 = tpu.memref_slice %arg3[%arg0, %add3A_109, %dma_start3A_113] : memref<2x2560x128xi32, #tpu.memory_space<hbm>> -> memref<1x1x128xi32, #tpu.memory_space<hbm>>
        %dma_start3A_115 = tpu.memref_squeeze %dma_start3A_114 : memref<1x1x128xi32, #tpu.memory_space<hbm>> -> memref<1x128xi32, #tpu.memory_space<hbm>>
        tpu.enqueue_dma source(%dma_start3A_115 : memref<1x128xi32, #tpu.memory_space<hbm>>) target(%arg8 : memref<1x128xi32, #tpu.memory_space<vmem>>) target_semaphore(%arg16 : memref<!tpu.dma_semaphore, #tpu.memory_space<semaphore_mem>>)
        %add3A_116 = arith.addi %mul3A_2, %add3A_108 : i32
        %dma_start3A_117 = arith.constant 0 : i32
        %dma_start3A_118 = tpu.memref_slice %arg4[%add3A_116, %dma_start3A_117] : memref<2560x128xi32, #tpu.memory_space<hbm>> -> memref<1x128xi32, #tpu.memory_space<hbm>>
        %dma_start3A_119 = arith.constant 0 : i32
        %dma_start3A_120 = tpu.memref_slice %arg4[%add3A_116, %dma_start3A_119] : memref<2560x128xi32, #tpu.memory_space<hbm>> -> memref<1x128xi32, #tpu.memory_space<hbm>>
        tpu.enqueue_dma source(%dma_start3A_120 : memref<1x128xi32, #tpu.memory_space<hbm>>) target(%arg10 : memref<1x128xi32, #tpu.memory_space<vmem>>) target_semaphore(%arg18 : memref<!tpu.dma_semaphore, #tpu.memory_space<semaphore_mem>>)
      } else {
      }
      %scan3A_106 = arith.constant 0 : i32
      scf.yield %scan3A_106 : i32
    }
    %scan3A_50 = arith.constant 80 : i32
    %barrier3A_51 = arith.constant 0 : index
    tpu.barrier barrier_id(%barrier3A_51)
    %mul3A_52 = arith.constant 640 : i32
    %mul3A_53 = arith.muli %arg1, %mul3A_52 : i32
    %mul3A_54 = arith.constant 640 : i32
    %mul3A_55 = arith.muli %arg1, %mul3A_54 : i32
    "tpu.region"() ({
      %run_scoped3A = tpu.sem_alloc : memref<!tpu.dma_semaphore, #tpu.memory_space<semaphore_mem>>
      %dma_start3A_56 = arith.constant 0 : i32
      %dma_start3A_57 = tpu.memref_slice %arg6[%arg0, %mul3A_55, %dma_start3A_56] : memref<2x10240x128xf32, #tpu.memory_space<hbm>> -> memref<1x640x128xf32, #tpu.memory_space<hbm>>
      %dma_start3A_58 = tpu.memref_squeeze %dma_start3A_57 : memref<1x640x128xf32, #tpu.memory_space<hbm>> -> memref<640x128xf32, #tpu.memory_space<hbm>>
      %dma_start3A_59 = arith.constant 0 : i32
      %dma_start3A_60 = tpu.memref_slice %arg13[%mul3A_53, %dma_start3A_59] : memref<10240x128xf32, #tpu.memory_space<vmem_shared>> -> memref<640x128xf32, #tpu.memory_space<vmem_shared>>
      tpu.enqueue_dma source(%dma_start3A_60 : memref<640x128xf32, #tpu.memory_space<vmem_shared>>) target(%dma_start3A_58 : memref<640x128xf32, #tpu.memory_space<hbm>>) target_semaphore(%run_scoped3A : memref<!tpu.dma_semaphore, #tpu.memory_space<semaphore_mem>>)
      %dma_wait3A_61 = arith.constant 0 : i32
      %dma_wait3A_62 = tpu.memref_slice %arg6[%arg0, %mul3A_55, %dma_wait3A_61] : memref<2x10240x128xf32, #tpu.memory_space<hbm>> -> memref<1x640x128xf32, #tpu.memory_space<hbm>>
      %dma_wait3A_63 = tpu.memref_squeeze %dma_wait3A_62 : memref<1x640x128xf32, #tpu.memory_space<hbm>> -> memref<640x128xf32, #tpu.memory_space<hbm>>
      %dma_wait3A_64 = arith.constant 0 : i32
      %dma_wait3A_65 = tpu.memref_slice %arg13[%mul3A_53, %dma_wait3A_64] : memref<10240x128xf32, #tpu.memory_space<vmem_shared>> -> memref<640x128xf32, #tpu.memory_space<vmem_shared>>
      tpu.wait_dma2 semaphore(%run_scoped3A : memref<!tpu.dma_semaphore, #tpu.memory_space<semaphore_mem>>) src(%dma_wait3A_65 : memref<640x128xf32, #tpu.memory_space<vmem_shared>>) dst(%dma_wait3A_63 : memref<640x128xf32, #tpu.memory_space<hbm>>)
      tpu.yield
    }) : () -> ()
    return
  }
}

#map = affine_map<(d0, d1) -> (0, 0)>
#map1 = affine_map<(d0, d1) -> (0, 0, 0)>
module attributes {stable_mosaic.version = 14 : i64} {
  func.func @_agg_body(%arg0: i32, %arg1: i32, %arg2: memref<20000x128xf32, #tpu.memory_space<hbm>>, %arg3: memref<2x2560x128xi32, #tpu.memory_space<hbm>>, %arg4: memref<2560x128xi32, #tpu.memory_space<hbm>>, %arg5: memref<640x128xf32, #tpu.memory_space<hbm>>, %arg6: memref<2x10240x128xf32, #tpu.memory_space<hbm>>, %arg7: memref<1x128xi32, #tpu.memory_space<vmem>>, %arg8: memref<1x128xi32, #tpu.memory_space<vmem>>, %arg9: memref<1x128xi32, #tpu.memory_space<vmem>>, %arg10: memref<1x128xi32, #tpu.memory_space<vmem>>, %arg11: memref<128x128xf32, #tpu.memory_space<vmem>>, %arg12: memref<128x128xf32, #tpu.memory_space<vmem>>, %arg13: memref<10240x128xf32, #tpu.memory_space<vmem_shared>>, %arg14: memref<!tpu.dma_semaphore, #tpu.memory_space<semaphore_mem>>, %arg15: memref<!tpu.dma_semaphore, #tpu.memory_space<semaphore_mem>>, %arg16: memref<!tpu.dma_semaphore, #tpu.memory_space<semaphore_mem>>, %arg17: memref<!tpu.dma_semaphore, #tpu.memory_space<semaphore_mem>>, %arg18: memref<!tpu.dma_semaphore, #tpu.memory_space<semaphore_mem>>) attributes {dimension_semantics = [#tpu.dimension_semantics<core_parallel>, #tpu.dimension_semantics<subcore_parallel>], iteration_bounds = array<i64: 2, 16>, scalar_prefetch = 0 : i64, scratch_operands = 12 : i64, tpu.core_type = #tpu.core_type<sc_vector_subcore>, window_params = [{transform_indices = #map}, {transform_indices = #map1}, {transform_indices = #map}, {transform_indices = #map}, {transform_indices = #map1}]} {
    %mul3A = arith.constant 640 : i32
    %mul3A_0 = arith.muli %arg1, %mul3A : i32
    "tpu.region"() ({
      %run_scoped3A = tpu.sem_alloc : memref<!tpu.dma_semaphore, #tpu.memory_space<semaphore_mem>>
      %dma_start3A_56 = arith.constant 0 : i32
      %dma_start3A_57 = tpu.memref_slice %arg13[%mul3A_0, %dma_start3A_56] : memref<10240x128xf32, #tpu.memory_space<vmem_shared>> -> memref<640x128xf32, #tpu.memory_space<vmem_shared>>
      tpu.enqueue_dma source(%arg5 : memref<640x128xf32, #tpu.memory_space<hbm>>) target(%dma_start3A_57 : memref<640x128xf32, #tpu.memory_space<vmem_shared>>) target_semaphore(%run_scoped3A : memref<!tpu.dma_semaphore, #tpu.memory_space<semaphore_mem>>)
      %dma_wait3A_58 = arith.constant 0 : i32
      %dma_wait3A_59 = tpu.memref_slice %arg13[%mul3A_0, %dma_wait3A_58] : memref<10240x128xf32, #tpu.memory_space<vmem_shared>> -> memref<640x128xf32, #tpu.memory_space<vmem_shared>>
      tpu.wait_dma2 semaphore(%run_scoped3A : memref<!tpu.dma_semaphore, #tpu.memory_space<semaphore_mem>>) src(%arg5 : memref<640x128xf32, #tpu.memory_space<hbm>>) dst(%dma_wait3A_59 : memref<640x128xf32, #tpu.memory_space<vmem_shared>>)
      tpu.yield
    }) : () -> ()
    %barrier3A = arith.constant 0 : index
    tpu.barrier barrier_id(%barrier3A)
    %mul3A_1 = arith.constant 160 : i32
    %mul3A_2 = arith.muli %arg1, %mul3A_1 : i32
    %add3A = arith.constant 0 : i32
    %add3A_3 = arith.addi %mul3A_2, %add3A : i32
    %dma_start3A = arith.constant 0 : i32
    %dma_start3A_4 = tpu.memref_slice %arg3[%arg0, %add3A_3, %dma_start3A] : memref<2x2560x128xi32, #tpu.memory_space<hbm>> -> memref<1x1x128xi32, #tpu.memory_space<hbm>>
    %dma_start3A_5 = tpu.memref_squeeze %dma_start3A_4 : memref<1x1x128xi32, #tpu.memory_space<hbm>> -> memref<1x128xi32, #tpu.memory_space<hbm>>
    %dma_start3A_6 = arith.constant 0 : i32
    %dma_start3A_7 = tpu.memref_slice %arg3[%arg0, %add3A_3, %dma_start3A_6] : memref<2x2560x128xi32, #tpu.memory_space<hbm>> -> memref<1x1x128xi32, #tpu.memory_space<hbm>>
    %dma_start3A_8 = tpu.memref_squeeze %dma_start3A_7 : memref<1x1x128xi32, #tpu.memory_space<hbm>> -> memref<1x128xi32, #tpu.memory_space<hbm>>
    tpu.enqueue_dma source(%dma_start3A_8 : memref<1x128xi32, #tpu.memory_space<hbm>>) target(%arg7 : memref<1x128xi32, #tpu.memory_space<vmem>>) target_semaphore(%arg15 : memref<!tpu.dma_semaphore, #tpu.memory_space<semaphore_mem>>)
    %add3A_9 = arith.constant 0 : i32
    %add3A_10 = arith.addi %mul3A_2, %add3A_9 : i32
    %dma_start3A_11 = arith.constant 0 : i32
    %dma_start3A_12 = tpu.memref_slice %arg4[%add3A_10, %dma_start3A_11] : memref<2560x128xi32, #tpu.memory_space<hbm>> -> memref<1x128xi32, #tpu.memory_space<hbm>>
    %dma_start3A_13 = arith.constant 0 : i32
    %dma_start3A_14 = tpu.memref_slice %arg4[%add3A_10, %dma_start3A_13] : memref<2560x128xi32, #tpu.memory_space<hbm>> -> memref<1x128xi32, #tpu.memory_space<hbm>>
    tpu.enqueue_dma source(%dma_start3A_14 : memref<1x128xi32, #tpu.memory_space<hbm>>) target(%arg9 : memref<1x128xi32, #tpu.memory_space<vmem>>) target_semaphore(%arg17 : memref<!tpu.dma_semaphore, #tpu.memory_space<semaphore_mem>>)
    %add3A_15 = arith.constant 1 : i32
    %add3A_16 = arith.addi %mul3A_2, %add3A_15 : i32
    %dma_start3A_17 = arith.constant 0 : i32
    %dma_start3A_18 = tpu.memref_slice %arg3[%arg0, %add3A_16, %dma_start3A_17] : memref<2x2560x128xi32, #tpu.memory_space<hbm>> -> memref<1x1x128xi32, #tpu.memory_space<hbm>>
    %dma_start3A_19 = tpu.memref_squeeze %dma_start3A_18 : memref<1x1x128xi32, #tpu.memory_space<hbm>> -> memref<1x128xi32, #tpu.memory_space<hbm>>
    %dma_start3A_20 = arith.constant 0 : i32
    %dma_start3A_21 = tpu.memref_slice %arg3[%arg0, %add3A_16, %dma_start3A_20] : memref<2x2560x128xi32, #tpu.memory_space<hbm>> -> memref<1x1x128xi32, #tpu.memory_space<hbm>>
    %dma_start3A_22 = tpu.memref_squeeze %dma_start3A_21 : memref<1x1x128xi32, #tpu.memory_space<hbm>> -> memref<1x128xi32, #tpu.memory_space<hbm>>
    tpu.enqueue_dma source(%dma_start3A_22 : memref<1x128xi32, #tpu.memory_space<hbm>>) target(%arg8 : memref<1x128xi32, #tpu.memory_space<vmem>>) target_semaphore(%arg16 : memref<!tpu.dma_semaphore, #tpu.memory_space<semaphore_mem>>)
    %add3A_23 = arith.constant 1 : i32
    %add3A_24 = arith.addi %mul3A_2, %add3A_23 : i32
    %dma_start3A_25 = arith.constant 0 : i32
    %dma_start3A_26 = tpu.memref_slice %arg4[%add3A_24, %dma_start3A_25] : memref<2560x128xi32, #tpu.memory_space<hbm>> -> memref<1x128xi32, #tpu.memory_space<hbm>>
    %dma_start3A_27 = arith.constant 0 : i32
    %dma_start3A_28 = tpu.memref_slice %arg4[%add3A_24, %dma_start3A_27] : memref<2560x128xi32, #tpu.memory_space<hbm>> -> memref<1x128xi32, #tpu.memory_space<hbm>>
    tpu.enqueue_dma source(%dma_start3A_28 : memref<1x128xi32, #tpu.memory_space<hbm>>) target(%arg10 : memref<1x128xi32, #tpu.memory_space<vmem>>) target_semaphore(%arg18 : memref<!tpu.dma_semaphore, #tpu.memory_space<semaphore_mem>>)
    %dma_wait3A = arith.constant 0 : i32
    %dma_wait3A_29 = tpu.memref_slice %arg3[%arg0, %mul3A_2, %dma_wait3A] : memref<2x2560x128xi32, #tpu.memory_space<hbm>> -> memref<1x1x128xi32, #tpu.memory_space<hbm>>
    %dma_wait3A_30 = tpu.memref_squeeze %dma_wait3A_29 : memref<1x1x128xi32, #tpu.memory_space<hbm>> -> memref<1x128xi32, #tpu.memory_space<hbm>>
    %dma_wait3A_31 = arith.constant 0 : i32
    %dma_wait3A_32 = tpu.memref_slice %arg3[%arg0, %mul3A_2, %dma_wait3A_31] : memref<2x2560x128xi32, #tpu.memory_space<hbm>> -> memref<1x1x128xi32, #tpu.memory_space<hbm>>
    %dma_wait3A_33 = tpu.memref_squeeze %dma_wait3A_32 : memref<1x1x128xi32, #tpu.memory_space<hbm>> -> memref<1x128xi32, #tpu.memory_space<hbm>>
    tpu.wait_dma2 semaphore(%arg15 : memref<!tpu.dma_semaphore, #tpu.memory_space<semaphore_mem>>) src(%dma_wait3A_33 : memref<1x128xi32, #tpu.memory_space<hbm>>) dst(%arg7 : memref<1x128xi32, #tpu.memory_space<vmem>>)
    %dma_wait3A_34 = arith.constant 0 : i32
    %dma_wait3A_35 = tpu.memref_slice %arg4[%mul3A_2, %dma_wait3A_34] : memref<2560x128xi32, #tpu.memory_space<hbm>> -> memref<1x128xi32, #tpu.memory_space<hbm>>
    %dma_wait3A_36 = arith.constant 0 : i32
    %dma_wait3A_37 = tpu.memref_slice %arg4[%mul3A_2, %dma_wait3A_36] : memref<2560x128xi32, #tpu.memory_space<hbm>> -> memref<1x128xi32, #tpu.memory_space<hbm>>
    tpu.wait_dma2 semaphore(%arg17 : memref<!tpu.dma_semaphore, #tpu.memory_space<semaphore_mem>>) src(%dma_wait3A_37 : memref<1x128xi32, #tpu.memory_space<hbm>>) dst(%arg9 : memref<1x128xi32, #tpu.memory_space<vmem>>)
    %dma_start3A_38 = arith.constant 0 : i32
    %dma_start3A_39 = arith.constant 0 : i32
    %dma_start3A_40 = tpu.memref_slice %arg7[%dma_start3A_38, %dma_start3A_39] : memref<1x128xi32, #tpu.memory_space<vmem>> -> memref<1x128xi32, #tpu.memory_space<vmem>>
    %dma_start3A_41 = tpu.memref_squeeze %dma_start3A_40 : memref<1x128xi32, #tpu.memory_space<vmem>> -> memref<128xi32, #tpu.memory_space<vmem>>
    %dma_start3A_42 = arith.constant 0 : i32
    %dma_start3A_43 = arith.constant 0 : i32
    %dma_start3A_44 = tpu.memref_slice %arg2[%dma_start3A_42, %dma_start3A_43] : memref<20000x128xf32, #tpu.memory_space<hbm>> -> memref<20000x128xf32, #tpu.memory_space<hbm>>
    tpu.enqueue_indirect_dma source(%dma_start3A_44 : memref<20000x128xf32, #tpu.memory_space<hbm>>) target(%arg11 : memref<128x128xf32, #tpu.memory_space<vmem>>) offsets(%dma_start3A_41 : memref<128xi32, #tpu.memory_space<vmem>>) semaphore(%arg14 : memref<!tpu.dma_semaphore, #tpu.memory_space<semaphore_mem>>)
    %scan3A = arith.constant 0 : i32
    %scan3A_45 = arith.constant 0 : i32
    %scan3A_46 = arith.constant 80 : i32
    %scan3A_47 = arith.addi %scan3A_45, %scan3A_46 : i32
    %scan3A_48 = arith.constant 1 : i32
    %scan3A_49 = scf.for %scan3A_56 = %scan3A_45 to %scan3A_47 step %scan3A_48 iter_args(%scan3A_57 = %scan3A) -> (i32)  : i32 {
      %mul3A_58 = arith.constant 2 : i32
      %mul3A_59 = arith.muli %scan3A_56, %mul3A_58 : i32
      %add3A_60 = arith.constant 0 : i32
      %add3A_61 = arith.addi %mul3A_59, %add3A_60 : i32
      %dma_wait3A_62 = arith.constant 0 : i32
      %dma_wait3A_63 = arith.constant 0 : i32
      %dma_wait3A_64 = tpu.memref_slice %arg7[%dma_wait3A_62, %dma_wait3A_63] : memref<1x128xi32, #tpu.memory_space<vmem>> -> memref<1x128xi32, #tpu.memory_space<vmem>>
      %dma_wait3A_65 = tpu.memref_squeeze %dma_wait3A_64 : memref<1x128xi32, #tpu.memory_space<vmem>> -> memref<128xi32, #tpu.memory_space<vmem>>
      %dma_wait3A_66 = arith.constant 0 : i32
      %dma_wait3A_67 = arith.constant 0 : i32
      %dma_wait3A_68 = tpu.memref_slice %arg2[%dma_wait3A_66, %dma_wait3A_67] : memref<20000x128xf32, #tpu.memory_space<hbm>> -> memref<20000x128xf32, #tpu.memory_space<hbm>>
      tpu.wait_indirect_dma semaphore(%arg14 : memref<!tpu.dma_semaphore, #tpu.memory_space<semaphore_mem>>) src(%dma_wait3A_68 : memref<20000x128xf32, #tpu.memory_space<hbm>>) dst(%arg11 : memref<128x128xf32, #tpu.memory_space<vmem>>)
      %add3A_69 = arith.constant 1 : i32
      %add3A_70 = arith.addi %add3A_61, %add3A_69 : i32
      %lt3A = arith.constant 160 : i32
      %lt3A_71 = arith.cmpi slt, %add3A_70, %lt3A : i32
      %convert_element_type3A = arith.extui %lt3A_71 : i1 to i32
      %cond3A = arith.constant 0 : i32
      %cond3A_72 = arith.cmpi ne, %convert_element_type3A, %cond3A : i32
      scf.if %cond3A_72 {
        %dma_wait3A_107 = arith.constant 0 : i32
        %dma_wait3A_108 = tpu.memref_slice %arg3[%arg0, %mul3A_2, %dma_wait3A_107] : memref<2x2560x128xi32, #tpu.memory_space<hbm>> -> memref<1x1x128xi32, #tpu.memory_space<hbm>>
        %dma_wait3A_109 = tpu.memref_squeeze %dma_wait3A_108 : memref<1x1x128xi32, #tpu.memory_space<hbm>> -> memref<1x128xi32, #tpu.memory_space<hbm>>
        %dma_wait3A_110 = arith.constant 0 : i32
        %dma_wait3A_111 = tpu.memref_slice %arg3[%arg0, %mul3A_2, %dma_wait3A_110] : memref<2x2560x128xi32, #tpu.memory_space<hbm>> -> memref<1x1x128xi32, #tpu.memory_space<hbm>>
        %dma_wait3A_112 = tpu.memref_squeeze %dma_wait3A_111 : memref<1x1x128xi32, #tpu.memory_space<hbm>> -> memref<1x128xi32, #tpu.memory_space<hbm>>
        tpu.wait_dma2 semaphore(%arg16 : memref<!tpu.dma_semaphore, #tpu.memory_space<semaphore_mem>>) src(%dma_wait3A_112 : memref<1x128xi32, #tpu.memory_space<hbm>>) dst(%arg8 : memref<1x128xi32, #tpu.memory_space<vmem>>)
        %dma_wait3A_113 = arith.constant 0 : i32
        %dma_wait3A_114 = tpu.memref_slice %arg4[%mul3A_2, %dma_wait3A_113] : memref<2560x128xi32, #tpu.memory_space<hbm>> -> memref<1x128xi32, #tpu.memory_space<hbm>>
        %dma_wait3A_115 = arith.constant 0 : i32
        %dma_wait3A_116 = tpu.memref_slice %arg4[%mul3A_2, %dma_wait3A_115] : memref<2560x128xi32, #tpu.memory_space<hbm>> -> memref<1x128xi32, #tpu.memory_space<hbm>>
        tpu.wait_dma2 semaphore(%arg18 : memref<!tpu.dma_semaphore, #tpu.memory_space<semaphore_mem>>) src(%dma_wait3A_116 : memref<1x128xi32, #tpu.memory_space<hbm>>) dst(%arg10 : memref<1x128xi32, #tpu.memory_space<vmem>>)
        %dma_start3A_117 = arith.constant 0 : i32
        %dma_start3A_118 = arith.constant 0 : i32
        %dma_start3A_119 = tpu.memref_slice %arg8[%dma_start3A_117, %dma_start3A_118] : memref<1x128xi32, #tpu.memory_space<vmem>> -> memref<1x128xi32, #tpu.memory_space<vmem>>
        %dma_start3A_120 = tpu.memref_squeeze %dma_start3A_119 : memref<1x128xi32, #tpu.memory_space<vmem>> -> memref<128xi32, #tpu.memory_space<vmem>>
        %dma_start3A_121 = arith.constant 0 : i32
        %dma_start3A_122 = arith.constant 0 : i32
        %dma_start3A_123 = tpu.memref_slice %arg2[%dma_start3A_121, %dma_start3A_122] : memref<20000x128xf32, #tpu.memory_space<hbm>> -> memref<20000x128xf32, #tpu.memory_space<hbm>>
        tpu.enqueue_indirect_dma source(%dma_start3A_123 : memref<20000x128xf32, #tpu.memory_space<hbm>>) target(%arg12 : memref<128x128xf32, #tpu.memory_space<vmem>>) offsets(%dma_start3A_120 : memref<128xi32, #tpu.memory_space<vmem>>) semaphore(%arg14 : memref<!tpu.dma_semaphore, #tpu.memory_space<semaphore_mem>>)
      } else {
      }
      %run_scoped3A = arith.constant 0 : i32
      "tpu.region"() ({
        %run_scoped3A_107 = tpu.sem_alloc : memref<!tpu.dma_semaphore, #tpu.memory_space<semaphore_mem>>
        %dma_start3A_108 = arith.constant 0 : i32
        %dma_start3A_109 = tpu.memref_slice %arg9[%run_scoped3A, %dma_start3A_108] : memref<1x128xi32, #tpu.memory_space<vmem>> -> memref<1x128xi32, #tpu.memory_space<vmem>>
        %dma_start3A_110 = tpu.memref_squeeze %dma_start3A_109 : memref<1x128xi32, #tpu.memory_space<vmem>> -> memref<128xi32, #tpu.memory_space<vmem>>
        %dma_start3A_111 = arith.constant 0 : i32
        %dma_start3A_112 = arith.constant 0 : i32
        %dma_start3A_113 = tpu.memref_slice %arg13[%dma_start3A_111, %dma_start3A_112] : memref<10240x128xf32, #tpu.memory_space<vmem_shared>> -> memref<10240x128xf32, #tpu.memory_space<vmem_shared>>
        tpu.enqueue_indirect_dma source(%arg11 : memref<128x128xf32, #tpu.memory_space<vmem>>) target(%dma_start3A_113 : memref<10240x128xf32, #tpu.memory_space<vmem_shared>>) offsets(%dma_start3A_110 : memref<128xi32, #tpu.memory_space<vmem>>) semaphore(%run_scoped3A_107 : memref<!tpu.dma_semaphore, #tpu.memory_space<semaphore_mem>>) {add = true}
        %dma_wait3A_114 = arith.constant 0 : i32
        %dma_wait3A_115 = tpu.memref_slice %arg9[%run_scoped3A, %dma_wait3A_114] : memref<1x128xi32, #tpu.memory_space<vmem>> -> memref<1x128xi32, #tpu.memory_space<vmem>>
        %dma_wait3A_116 = tpu.memref_squeeze %dma_wait3A_115 : memref<1x128xi32, #tpu.memory_space<vmem>> -> memref<128xi32, #tpu.memory_space<vmem>>
        %dma_wait3A_117 = arith.constant 0 : i32
        %dma_wait3A_118 = arith.constant 0 : i32
        %dma_wait3A_119 = tpu.memref_slice %arg13[%dma_wait3A_117, %dma_wait3A_118] : memref<10240x128xf32, #tpu.memory_space<vmem_shared>> -> memref<10240x128xf32, #tpu.memory_space<vmem_shared>>
        tpu.wait_indirect_dma semaphore(%run_scoped3A_107 : memref<!tpu.dma_semaphore, #tpu.memory_space<semaphore_mem>>) src(%arg11 : memref<128x128xf32, #tpu.memory_space<vmem>>) dst(%dma_wait3A_119 : memref<10240x128xf32, #tpu.memory_space<vmem_shared>>)
        tpu.yield
      }) : () -> ()
      %add3A_73 = arith.constant 2 : i32
      %add3A_74 = arith.addi %add3A_61, %add3A_73 : i32
      %lt3A_75 = arith.constant 160 : i32
      %lt3A_76 = arith.cmpi slt, %add3A_74, %lt3A_75 : i32
      %convert_element_type3A_77 = arith.extui %lt3A_76 : i1 to i32
      %cond3A_78 = arith.constant 0 : i32
      %cond3A_79 = arith.cmpi ne, %convert_element_type3A_77, %cond3A_78 : i32
      scf.if %cond3A_79 {
        %add3A_107 = arith.constant 2 : i32
        %add3A_108 = arith.addi %add3A_61, %add3A_107 : i32
        %add3A_109 = arith.addi %mul3A_2, %add3A_108 : i32
        %dma_start3A_110 = arith.constant 0 : i32
        %dma_start3A_111 = tpu.memref_slice %arg3[%arg0, %add3A_109, %dma_start3A_110] : memref<2x2560x128xi32, #tpu.memory_space<hbm>> -> memref<1x1x128xi32, #tpu.memory_space<hbm>>
        %dma_start3A_112 = tpu.memref_squeeze %dma_start3A_111 : memref<1x1x128xi32, #tpu.memory_space<hbm>> -> memref<1x128xi32, #tpu.memory_space<hbm>>
        %dma_start3A_113 = arith.constant 0 : i32
        %dma_start3A_114 = tpu.memref_slice %arg3[%arg0, %add3A_109, %dma_start3A_113] : memref<2x2560x128xi32, #tpu.memory_space<hbm>> -> memref<1x1x128xi32, #tpu.memory_space<hbm>>
        %dma_start3A_115 = tpu.memref_squeeze %dma_start3A_114 : memref<1x1x128xi32, #tpu.memory_space<hbm>> -> memref<1x128xi32, #tpu.memory_space<hbm>>
        tpu.enqueue_dma source(%dma_start3A_115 : memref<1x128xi32, #tpu.memory_space<hbm>>) target(%arg7 : memref<1x128xi32, #tpu.memory_space<vmem>>) target_semaphore(%arg15 : memref<!tpu.dma_semaphore, #tpu.memory_space<semaphore_mem>>)
        %add3A_116 = arith.addi %mul3A_2, %add3A_108 : i32
        %dma_start3A_117 = arith.constant 0 : i32
        %dma_start3A_118 = tpu.memref_slice %arg4[%add3A_116, %dma_start3A_117] : memref<2560x128xi32, #tpu.memory_space<hbm>> -> memref<1x128xi32, #tpu.memory_space<hbm>>
        %dma_start3A_119 = arith.constant 0 : i32
        %dma_start3A_120 = tpu.memref_slice %arg4[%add3A_116, %dma_start3A_119] : memref<2560x128xi32, #tpu.memory_space<hbm>> -> memref<1x128xi32, #tpu.memory_space<hbm>>
        tpu.enqueue_dma source(%dma_start3A_120 : memref<1x128xi32, #tpu.memory_space<hbm>>) target(%arg9 : memref<1x128xi32, #tpu.memory_space<vmem>>) target_semaphore(%arg17 : memref<!tpu.dma_semaphore, #tpu.memory_space<semaphore_mem>>)
      } else {
      }
      %mul3A_80 = arith.constant 2 : i32
      %mul3A_81 = arith.muli %scan3A_56, %mul3A_80 : i32
      %add3A_82 = arith.constant 1 : i32
      %add3A_83 = arith.addi %mul3A_81, %add3A_82 : i32
      %dma_wait3A_84 = arith.constant 0 : i32
      %dma_wait3A_85 = arith.constant 0 : i32
      %dma_wait3A_86 = tpu.memref_slice %arg8[%dma_wait3A_84, %dma_wait3A_85] : memref<1x128xi32, #tpu.memory_space<vmem>> -> memref<1x128xi32, #tpu.memory_space<vmem>>
      %dma_wait3A_87 = tpu.memref_squeeze %dma_wait3A_86 : memref<1x128xi32, #tpu.memory_space<vmem>> -> memref<128xi32, #tpu.memory_space<vmem>>
      %dma_wait3A_88 = arith.constant 0 : i32
      %dma_wait3A_89 = arith.constant 0 : i32
      %dma_wait3A_90 = tpu.memref_slice %arg2[%dma_wait3A_88, %dma_wait3A_89] : memref<20000x128xf32, #tpu.memory_space<hbm>> -> memref<20000x128xf32, #tpu.memory_space<hbm>>
      tpu.wait_indirect_dma semaphore(%arg14 : memref<!tpu.dma_semaphore, #tpu.memory_space<semaphore_mem>>) src(%dma_wait3A_90 : memref<20000x128xf32, #tpu.memory_space<hbm>>) dst(%arg12 : memref<128x128xf32, #tpu.memory_space<vmem>>)
      %add3A_91 = arith.constant 1 : i32
      %add3A_92 = arith.addi %add3A_83, %add3A_91 : i32
      %lt3A_93 = arith.constant 160 : i32
      %lt3A_94 = arith.cmpi slt, %add3A_92, %lt3A_93 : i32
      %convert_element_type3A_95 = arith.extui %lt3A_94 : i1 to i32
      %cond3A_96 = arith.constant 0 : i32
      %cond3A_97 = arith.cmpi ne, %convert_element_type3A_95, %cond3A_96 : i32
      scf.if %cond3A_97 {
        %dma_wait3A_107 = arith.constant 0 : i32
        %dma_wait3A_108 = tpu.memref_slice %arg3[%arg0, %mul3A_2, %dma_wait3A_107] : memref<2x2560x128xi32, #tpu.memory_space<hbm>> -> memref<1x1x128xi32, #tpu.memory_space<hbm>>
        %dma_wait3A_109 = tpu.memref_squeeze %dma_wait3A_108 : memref<1x1x128xi32, #tpu.memory_space<hbm>> -> memref<1x128xi32, #tpu.memory_space<hbm>>
        %dma_wait3A_110 = arith.constant 0 : i32
        %dma_wait3A_111 = tpu.memref_slice %arg3[%arg0, %mul3A_2, %dma_wait3A_110] : memref<2x2560x128xi32, #tpu.memory_space<hbm>> -> memref<1x1x128xi32, #tpu.memory_space<hbm>>
        %dma_wait3A_112 = tpu.memref_squeeze %dma_wait3A_111 : memref<1x1x128xi32, #tpu.memory_space<hbm>> -> memref<1x128xi32, #tpu.memory_space<hbm>>
        tpu.wait_dma2 semaphore(%arg15 : memref<!tpu.dma_semaphore, #tpu.memory_space<semaphore_mem>>) src(%dma_wait3A_112 : memref<1x128xi32, #tpu.memory_space<hbm>>) dst(%arg7 : memref<1x128xi32, #tpu.memory_space<vmem>>)
        %dma_wait3A_113 = arith.constant 0 : i32
        %dma_wait3A_114 = tpu.memref_slice %arg4[%mul3A_2, %dma_wait3A_113] : memref<2560x128xi32, #tpu.memory_space<hbm>> -> memref<1x128xi32, #tpu.memory_space<hbm>>
        %dma_wait3A_115 = arith.constant 0 : i32
        %dma_wait3A_116 = tpu.memref_slice %arg4[%mul3A_2, %dma_wait3A_115] : memref<2560x128xi32, #tpu.memory_space<hbm>> -> memref<1x128xi32, #tpu.memory_space<hbm>>
        tpu.wait_dma2 semaphore(%arg17 : memref<!tpu.dma_semaphore, #tpu.memory_space<semaphore_mem>>) src(%dma_wait3A_116 : memref<1x128xi32, #tpu.memory_space<hbm>>) dst(%arg9 : memref<1x128xi32, #tpu.memory_space<vmem>>)
        %dma_start3A_117 = arith.constant 0 : i32
        %dma_start3A_118 = arith.constant 0 : i32
        %dma_start3A_119 = tpu.memref_slice %arg7[%dma_start3A_117, %dma_start3A_118] : memref<1x128xi32, #tpu.memory_space<vmem>> -> memref<1x128xi32, #tpu.memory_space<vmem>>
        %dma_start3A_120 = tpu.memref_squeeze %dma_start3A_119 : memref<1x128xi32, #tpu.memory_space<vmem>> -> memref<128xi32, #tpu.memory_space<vmem>>
        %dma_start3A_121 = arith.constant 0 : i32
        %dma_start3A_122 = arith.constant 0 : i32
        %dma_start3A_123 = tpu.memref_slice %arg2[%dma_start3A_121, %dma_start3A_122] : memref<20000x128xf32, #tpu.memory_space<hbm>> -> memref<20000x128xf32, #tpu.memory_space<hbm>>
        tpu.enqueue_indirect_dma source(%dma_start3A_123 : memref<20000x128xf32, #tpu.memory_space<hbm>>) target(%arg11 : memref<128x128xf32, #tpu.memory_space<vmem>>) offsets(%dma_start3A_120 : memref<128xi32, #tpu.memory_space<vmem>>) semaphore(%arg14 : memref<!tpu.dma_semaphore, #tpu.memory_space<semaphore_mem>>)
      } else {
      }
      %run_scoped3A_98 = arith.constant 0 : i32
      "tpu.region"() ({
        %run_scoped3A_107 = tpu.sem_alloc : memref<!tpu.dma_semaphore, #tpu.memory_space<semaphore_mem>>
        %dma_start3A_108 = arith.constant 0 : i32
        %dma_start3A_109 = tpu.memref_slice %arg10[%run_scoped3A_98, %dma_start3A_108] : memref<1x128xi32, #tpu.memory_space<vmem>> -> memref<1x128xi32, #tpu.memory_space<vmem>>
        %dma_start3A_110 = tpu.memref_squeeze %dma_start3A_109 : memref<1x128xi32, #tpu.memory_space<vmem>> -> memref<128xi32, #tpu.memory_space<vmem>>
        %dma_start3A_111 = arith.constant 0 : i32
        %dma_start3A_112 = arith.constant 0 : i32
        %dma_start3A_113 = tpu.memref_slice %arg13[%dma_start3A_111, %dma_start3A_112] : memref<10240x128xf32, #tpu.memory_space<vmem_shared>> -> memref<10240x128xf32, #tpu.memory_space<vmem_shared>>
        tpu.enqueue_indirect_dma source(%arg12 : memref<128x128xf32, #tpu.memory_space<vmem>>) target(%dma_start3A_113 : memref<10240x128xf32, #tpu.memory_space<vmem_shared>>) offsets(%dma_start3A_110 : memref<128xi32, #tpu.memory_space<vmem>>) semaphore(%run_scoped3A_107 : memref<!tpu.dma_semaphore, #tpu.memory_space<semaphore_mem>>) {add = true}
        %dma_wait3A_114 = arith.constant 0 : i32
        %dma_wait3A_115 = tpu.memref_slice %arg10[%run_scoped3A_98, %dma_wait3A_114] : memref<1x128xi32, #tpu.memory_space<vmem>> -> memref<1x128xi32, #tpu.memory_space<vmem>>
        %dma_wait3A_116 = tpu.memref_squeeze %dma_wait3A_115 : memref<1x128xi32, #tpu.memory_space<vmem>> -> memref<128xi32, #tpu.memory_space<vmem>>
        %dma_wait3A_117 = arith.constant 0 : i32
        %dma_wait3A_118 = arith.constant 0 : i32
        %dma_wait3A_119 = tpu.memref_slice %arg13[%dma_wait3A_117, %dma_wait3A_118] : memref<10240x128xf32, #tpu.memory_space<vmem_shared>> -> memref<10240x128xf32, #tpu.memory_space<vmem_shared>>
        tpu.wait_indirect_dma semaphore(%run_scoped3A_107 : memref<!tpu.dma_semaphore, #tpu.memory_space<semaphore_mem>>) src(%arg12 : memref<128x128xf32, #tpu.memory_space<vmem>>) dst(%dma_wait3A_119 : memref<10240x128xf32, #tpu.memory_space<vmem_shared>>)
        tpu.yield
      }) : () -> ()
      %add3A_99 = arith.constant 2 : i32
      %add3A_100 = arith.addi %add3A_83, %add3A_99 : i32
      %lt3A_101 = arith.constant 160 : i32
      %lt3A_102 = arith.cmpi slt, %add3A_100, %lt3A_101 : i32
      %convert_element_type3A_103 = arith.extui %lt3A_102 : i1 to i32
      %cond3A_104 = arith.constant 0 : i32
      %cond3A_105 = arith.cmpi ne, %convert_element_type3A_103, %cond3A_104 : i32
      scf.if %cond3A_105 {
        %add3A_107 = arith.constant 2 : i32
        %add3A_108 = arith.addi %add3A_83, %add3A_107 : i32
        %add3A_109 = arith.addi %mul3A_2, %add3A_108 : i32
        %dma_start3A_110 = arith.constant 0 : i32
        %dma_start3A_111 = tpu.memref_slice %arg3[%arg0, %add3A_109, %dma_start3A_110] : memref<2x2560x128xi32, #tpu.memory_space<hbm>> -> memref<1x1x128xi32, #tpu.memory_space<hbm>>
        %dma_start3A_112 = tpu.memref_squeeze %dma_start3A_111 : memref<1x1x128xi32, #tpu.memory_space<hbm>> -> memref<1x128xi32, #tpu.memory_space<hbm>>
        %dma_start3A_113 = arith.constant 0 : i32
        %dma_start3A_114 = tpu.memref_slice %arg3[%arg0, %add3A_109, %dma_start3A_113] : memref<2x2560x128xi32, #tpu.memory_space<hbm>> -> memref<1x1x128xi32, #tpu.memory_space<hbm>>
        %dma_start3A_115 = tpu.memref_squeeze %dma_start3A_114 : memref<1x1x128xi32, #tpu.memory_space<hbm>> -> memref<1x128xi32, #tpu.memory_space<hbm>>
        tpu.enqueue_dma source(%dma_start3A_115 : memref<1x128xi32, #tpu.memory_space<hbm>>) target(%arg8 : memref<1x128xi32, #tpu.memory_space<vmem>>) target_semaphore(%arg16 : memref<!tpu.dma_semaphore, #tpu.memory_space<semaphore_mem>>)
        %add3A_116 = arith.addi %mul3A_2, %add3A_108 : i32
        %dma_start3A_117 = arith.constant 0 : i32
        %dma_start3A_118 = tpu.memref_slice %arg4[%add3A_116, %dma_start3A_117] : memref<2560x128xi32, #tpu.memory_space<hbm>> -> memref<1x128xi32, #tpu.memory_space<hbm>>
        %dma_start3A_119 = arith.constant 0 : i32
        %dma_start3A_120 = tpu.memref_slice %arg4[%add3A_116, %dma_start3A_119] : memref<2560x128xi32, #tpu.memory_space<hbm>> -> memref<1x128xi32, #tpu.memory_space<hbm>>
        tpu.enqueue_dma source(%dma_start3A_120 : memref<1x128xi32, #tpu.memory_space<hbm>>) target(%arg10 : memref<1x128xi32, #tpu.memory_space<vmem>>) target_semaphore(%arg18 : memref<!tpu.dma_semaphore, #tpu.memory_space<semaphore_mem>>)
      } else {
      }
      %scan3A_106 = arith.constant 0 : i32
      scf.yield %scan3A_106 : i32
    }
    %scan3A_50 = arith.constant 80 : i32
    %barrier3A_51 = arith.constant 0 : index
    tpu.barrier barrier_id(%barrier3A_51)
    %mul3A_52 = arith.constant 640 : i32
    %mul3A_53 = arith.muli %arg1, %mul3A_52 : i32
    %mul3A_54 = arith.constant 640 : i32
    %mul3A_55 = arith.muli %arg1, %mul3A_54 : i32
    "tpu.region"() ({
      %run_scoped3A = tpu.sem_alloc : memref<!tpu.dma_semaphore, #tpu.memory_space<semaphore_mem>>
      %dma_start3A_56 = arith.constant 0 : i32
      %dma_start3A_57 = tpu.memref_slice %arg6[%arg0, %mul3A_55, %dma_start3A_56] : memref<2x10240x128xf32, #tpu.memory_space<hbm>> -> memref<1x640x128xf32, #tpu.memory_space<hbm>>
      %dma_start3A_58 = tpu.memref_squeeze %dma_start3A_57 : memref<1x640x128xf32, #tpu.memory_space<hbm>> -> memref<640x128xf32, #tpu.memory_space<hbm>>
      %dma_start3A_59 = arith.constant 0 : i32
      %dma_start3A_60 = tpu.memref_slice %arg13[%mul3A_53, %dma_start3A_59] : memref<10240x128xf32, #tpu.memory_space<vmem_shared>> -> memref<640x128xf32, #tpu.memory_space<vmem_shared>>
      tpu.enqueue_dma source(%dma_start3A_60 : memref<640x128xf32, #tpu.memory_space<vmem_shared>>) target(%dma_start3A_58 : memref<640x128xf32, #tpu.memory_space<hbm>>) target_semaphore(%run_scoped3A : memref<!tpu.dma_semaphore, #tpu.memory_space<semaphore_mem>>)
      %dma_wait3A_61 = arith.constant 0 : i32
      %dma_wait3A_62 = tpu.memref_slice %arg6[%arg0, %mul3A_55, %dma_wait3A_61] : memref<2x10240x128xf32, #tpu.memory_space<hbm>> -> memref<1x640x128xf32, #tpu.memory_space<hbm>>
      %dma_wait3A_63 = tpu.memref_squeeze %dma_wait3A_62 : memref<1x640x128xf32, #tpu.memory_space<hbm>> -> memref<640x128xf32, #tpu.memory_space<hbm>>
      %dma_wait3A_64 = arith.constant 0 : i32
      %dma_wait3A_65 = tpu.memref_slice %arg13[%mul3A_53, %dma_wait3A_64] : memref<10240x128xf32, #tpu.memory_space<vmem_shared>> -> memref<640x128xf32, #tpu.memory_space<vmem_shared>>
      tpu.wait_dma2 semaphore(%run_scoped3A : memref<!tpu.dma_semaphore, #tpu.memory_space<semaphore_mem>>) src(%dma_wait3A_65 : memref<640x128xf32, #tpu.memory_space<vmem_shared>>) dst(%dma_wait3A_63 : memref<640x128xf32, #tpu.memory_space<hbm>>)
      tpu.yield
    }) : () -> ()
    return
  }
}

#map = affine_map<(d0, d1) -> (0, 0)>
#map1 = affine_map<(d0, d1) -> (0, 0, 0)>
module attributes {stable_mosaic.version = 14 : i64} {
  func.func @_agg_body(%arg0: i32, %arg1: i32, %arg2: memref<20000x128xf32, #tpu.memory_space<hbm>>, %arg3: memref<2x2560x128xi32, #tpu.memory_space<hbm>>, %arg4: memref<2560x128xi32, #tpu.memory_space<hbm>>, %arg5: memref<640x128xf32, #tpu.memory_space<hbm>>, %arg6: memref<2x10240x128xf32, #tpu.memory_space<hbm>>, %arg7: memref<1x128xi32, #tpu.memory_space<vmem>>, %arg8: memref<1x128xi32, #tpu.memory_space<vmem>>, %arg9: memref<1x128xi32, #tpu.memory_space<vmem>>, %arg10: memref<1x128xi32, #tpu.memory_space<vmem>>, %arg11: memref<128x128xf32, #tpu.memory_space<vmem>>, %arg12: memref<128x128xf32, #tpu.memory_space<vmem>>, %arg13: memref<10240x128xf32, #tpu.memory_space<vmem_shared>>, %arg14: memref<!tpu.dma_semaphore, #tpu.memory_space<semaphore_mem>>, %arg15: memref<!tpu.dma_semaphore, #tpu.memory_space<semaphore_mem>>, %arg16: memref<!tpu.dma_semaphore, #tpu.memory_space<semaphore_mem>>, %arg17: memref<!tpu.dma_semaphore, #tpu.memory_space<semaphore_mem>>, %arg18: memref<!tpu.dma_semaphore, #tpu.memory_space<semaphore_mem>>) attributes {dimension_semantics = [#tpu.dimension_semantics<core_parallel>, #tpu.dimension_semantics<subcore_parallel>], iteration_bounds = array<i64: 2, 16>, scalar_prefetch = 0 : i64, scratch_operands = 12 : i64, tpu.core_type = #tpu.core_type<sc_vector_subcore>, window_params = [{transform_indices = #map}, {transform_indices = #map1}, {transform_indices = #map}, {transform_indices = #map}, {transform_indices = #map1}]} {
    %mul3A = arith.constant 640 : i32
    %mul3A_0 = arith.muli %arg1, %mul3A : i32
    "tpu.region"() ({
      %run_scoped3A = tpu.sem_alloc : memref<!tpu.dma_semaphore, #tpu.memory_space<semaphore_mem>>
      %dma_start3A_56 = arith.constant 0 : i32
      %dma_start3A_57 = tpu.memref_slice %arg13[%mul3A_0, %dma_start3A_56] : memref<10240x128xf32, #tpu.memory_space<vmem_shared>> -> memref<640x128xf32, #tpu.memory_space<vmem_shared>>
      tpu.enqueue_dma source(%arg5 : memref<640x128xf32, #tpu.memory_space<hbm>>) target(%dma_start3A_57 : memref<640x128xf32, #tpu.memory_space<vmem_shared>>) target_semaphore(%run_scoped3A : memref<!tpu.dma_semaphore, #tpu.memory_space<semaphore_mem>>)
      %dma_wait3A_58 = arith.constant 0 : i32
      %dma_wait3A_59 = tpu.memref_slice %arg13[%mul3A_0, %dma_wait3A_58] : memref<10240x128xf32, #tpu.memory_space<vmem_shared>> -> memref<640x128xf32, #tpu.memory_space<vmem_shared>>
      tpu.wait_dma2 semaphore(%run_scoped3A : memref<!tpu.dma_semaphore, #tpu.memory_space<semaphore_mem>>) src(%arg5 : memref<640x128xf32, #tpu.memory_space<hbm>>) dst(%dma_wait3A_59 : memref<640x128xf32, #tpu.memory_space<vmem_shared>>)
      tpu.yield
    }) : () -> ()
    %barrier3A = arith.constant 0 : index
    tpu.barrier barrier_id(%barrier3A)
    %mul3A_1 = arith.constant 160 : i32
    %mul3A_2 = arith.muli %arg1, %mul3A_1 : i32
    %add3A = arith.constant 0 : i32
    %add3A_3 = arith.addi %mul3A_2, %add3A : i32
    %dma_start3A = arith.constant 0 : i32
    %dma_start3A_4 = tpu.memref_slice %arg3[%arg0, %add3A_3, %dma_start3A] : memref<2x2560x128xi32, #tpu.memory_space<hbm>> -> memref<1x1x128xi32, #tpu.memory_space<hbm>>
    %dma_start3A_5 = tpu.memref_squeeze %dma_start3A_4 : memref<1x1x128xi32, #tpu.memory_space<hbm>> -> memref<1x128xi32, #tpu.memory_space<hbm>>
    %dma_start3A_6 = arith.constant 0 : i32
    %dma_start3A_7 = tpu.memref_slice %arg3[%arg0, %add3A_3, %dma_start3A_6] : memref<2x2560x128xi32, #tpu.memory_space<hbm>> -> memref<1x1x128xi32, #tpu.memory_space<hbm>>
    %dma_start3A_8 = tpu.memref_squeeze %dma_start3A_7 : memref<1x1x128xi32, #tpu.memory_space<hbm>> -> memref<1x128xi32, #tpu.memory_space<hbm>>
    tpu.enqueue_dma source(%dma_start3A_8 : memref<1x128xi32, #tpu.memory_space<hbm>>) target(%arg7 : memref<1x128xi32, #tpu.memory_space<vmem>>) target_semaphore(%arg15 : memref<!tpu.dma_semaphore, #tpu.memory_space<semaphore_mem>>)
    %add3A_9 = arith.constant 0 : i32
    %add3A_10 = arith.addi %mul3A_2, %add3A_9 : i32
    %dma_start3A_11 = arith.constant 0 : i32
    %dma_start3A_12 = tpu.memref_slice %arg4[%add3A_10, %dma_start3A_11] : memref<2560x128xi32, #tpu.memory_space<hbm>> -> memref<1x128xi32, #tpu.memory_space<hbm>>
    %dma_start3A_13 = arith.constant 0 : i32
    %dma_start3A_14 = tpu.memref_slice %arg4[%add3A_10, %dma_start3A_13] : memref<2560x128xi32, #tpu.memory_space<hbm>> -> memref<1x128xi32, #tpu.memory_space<hbm>>
    tpu.enqueue_dma source(%dma_start3A_14 : memref<1x128xi32, #tpu.memory_space<hbm>>) target(%arg9 : memref<1x128xi32, #tpu.memory_space<vmem>>) target_semaphore(%arg17 : memref<!tpu.dma_semaphore, #tpu.memory_space<semaphore_mem>>)
    %add3A_15 = arith.constant 1 : i32
    %add3A_16 = arith.addi %mul3A_2, %add3A_15 : i32
    %dma_start3A_17 = arith.constant 0 : i32
    %dma_start3A_18 = tpu.memref_slice %arg3[%arg0, %add3A_16, %dma_start3A_17] : memref<2x2560x128xi32, #tpu.memory_space<hbm>> -> memref<1x1x128xi32, #tpu.memory_space<hbm>>
    %dma_start3A_19 = tpu.memref_squeeze %dma_start3A_18 : memref<1x1x128xi32, #tpu.memory_space<hbm>> -> memref<1x128xi32, #tpu.memory_space<hbm>>
    %dma_start3A_20 = arith.constant 0 : i32
    %dma_start3A_21 = tpu.memref_slice %arg3[%arg0, %add3A_16, %dma_start3A_20] : memref<2x2560x128xi32, #tpu.memory_space<hbm>> -> memref<1x1x128xi32, #tpu.memory_space<hbm>>
    %dma_start3A_22 = tpu.memref_squeeze %dma_start3A_21 : memref<1x1x128xi32, #tpu.memory_space<hbm>> -> memref<1x128xi32, #tpu.memory_space<hbm>>
    tpu.enqueue_dma source(%dma_start3A_22 : memref<1x128xi32, #tpu.memory_space<hbm>>) target(%arg8 : memref<1x128xi32, #tpu.memory_space<vmem>>) target_semaphore(%arg16 : memref<!tpu.dma_semaphore, #tpu.memory_space<semaphore_mem>>)
    %add3A_23 = arith.constant 1 : i32
    %add3A_24 = arith.addi %mul3A_2, %add3A_23 : i32
    %dma_start3A_25 = arith.constant 0 : i32
    %dma_start3A_26 = tpu.memref_slice %arg4[%add3A_24, %dma_start3A_25] : memref<2560x128xi32, #tpu.memory_space<hbm>> -> memref<1x128xi32, #tpu.memory_space<hbm>>
    %dma_start3A_27 = arith.constant 0 : i32
    %dma_start3A_28 = tpu.memref_slice %arg4[%add3A_24, %dma_start3A_27] : memref<2560x128xi32, #tpu.memory_space<hbm>> -> memref<1x128xi32, #tpu.memory_space<hbm>>
    tpu.enqueue_dma source(%dma_start3A_28 : memref<1x128xi32, #tpu.memory_space<hbm>>) target(%arg10 : memref<1x128xi32, #tpu.memory_space<vmem>>) target_semaphore(%arg18 : memref<!tpu.dma_semaphore, #tpu.memory_space<semaphore_mem>>)
    %dma_wait3A = arith.constant 0 : i32
    %dma_wait3A_29 = tpu.memref_slice %arg3[%arg0, %mul3A_2, %dma_wait3A] : memref<2x2560x128xi32, #tpu.memory_space<hbm>> -> memref<1x1x128xi32, #tpu.memory_space<hbm>>
    %dma_wait3A_30 = tpu.memref_squeeze %dma_wait3A_29 : memref<1x1x128xi32, #tpu.memory_space<hbm>> -> memref<1x128xi32, #tpu.memory_space<hbm>>
    %dma_wait3A_31 = arith.constant 0 : i32
    %dma_wait3A_32 = tpu.memref_slice %arg3[%arg0, %mul3A_2, %dma_wait3A_31] : memref<2x2560x128xi32, #tpu.memory_space<hbm>> -> memref<1x1x128xi32, #tpu.memory_space<hbm>>
    %dma_wait3A_33 = tpu.memref_squeeze %dma_wait3A_32 : memref<1x1x128xi32, #tpu.memory_space<hbm>> -> memref<1x128xi32, #tpu.memory_space<hbm>>
    tpu.wait_dma2 semaphore(%arg15 : memref<!tpu.dma_semaphore, #tpu.memory_space<semaphore_mem>>) src(%dma_wait3A_33 : memref<1x128xi32, #tpu.memory_space<hbm>>) dst(%arg7 : memref<1x128xi32, #tpu.memory_space<vmem>>)
    %dma_wait3A_34 = arith.constant 0 : i32
    %dma_wait3A_35 = tpu.memref_slice %arg4[%mul3A_2, %dma_wait3A_34] : memref<2560x128xi32, #tpu.memory_space<hbm>> -> memref<1x128xi32, #tpu.memory_space<hbm>>
    %dma_wait3A_36 = arith.constant 0 : i32
    %dma_wait3A_37 = tpu.memref_slice %arg4[%mul3A_2, %dma_wait3A_36] : memref<2560x128xi32, #tpu.memory_space<hbm>> -> memref<1x128xi32, #tpu.memory_space<hbm>>
    tpu.wait_dma2 semaphore(%arg17 : memref<!tpu.dma_semaphore, #tpu.memory_space<semaphore_mem>>) src(%dma_wait3A_37 : memref<1x128xi32, #tpu.memory_space<hbm>>) dst(%arg9 : memref<1x128xi32, #tpu.memory_space<vmem>>)
    %dma_start3A_38 = arith.constant 0 : i32
    %dma_start3A_39 = arith.constant 0 : i32
    %dma_start3A_40 = tpu.memref_slice %arg7[%dma_start3A_38, %dma_start3A_39] : memref<1x128xi32, #tpu.memory_space<vmem>> -> memref<1x128xi32, #tpu.memory_space<vmem>>
    %dma_start3A_41 = tpu.memref_squeeze %dma_start3A_40 : memref<1x128xi32, #tpu.memory_space<vmem>> -> memref<128xi32, #tpu.memory_space<vmem>>
    %dma_start3A_42 = arith.constant 0 : i32
    %dma_start3A_43 = arith.constant 0 : i32
    %dma_start3A_44 = tpu.memref_slice %arg2[%dma_start3A_42, %dma_start3A_43] : memref<20000x128xf32, #tpu.memory_space<hbm>> -> memref<20000x128xf32, #tpu.memory_space<hbm>>
    tpu.enqueue_indirect_dma source(%dma_start3A_44 : memref<20000x128xf32, #tpu.memory_space<hbm>>) target(%arg11 : memref<128x128xf32, #tpu.memory_space<vmem>>) offsets(%dma_start3A_41 : memref<128xi32, #tpu.memory_space<vmem>>) semaphore(%arg14 : memref<!tpu.dma_semaphore, #tpu.memory_space<semaphore_mem>>)
    %scan3A = arith.constant 0 : i32
    %scan3A_45 = arith.constant 0 : i32
    %scan3A_46 = arith.constant 80 : i32
    %scan3A_47 = arith.addi %scan3A_45, %scan3A_46 : i32
    %scan3A_48 = arith.constant 1 : i32
    %scan3A_49 = scf.for %scan3A_56 = %scan3A_45 to %scan3A_47 step %scan3A_48 iter_args(%scan3A_57 = %scan3A) -> (i32)  : i32 {
      %mul3A_58 = arith.constant 2 : i32
      %mul3A_59 = arith.muli %scan3A_56, %mul3A_58 : i32
      %add3A_60 = arith.constant 0 : i32
      %add3A_61 = arith.addi %mul3A_59, %add3A_60 : i32
      %dma_wait3A_62 = arith.constant 0 : i32
      %dma_wait3A_63 = arith.constant 0 : i32
      %dma_wait3A_64 = tpu.memref_slice %arg7[%dma_wait3A_62, %dma_wait3A_63] : memref<1x128xi32, #tpu.memory_space<vmem>> -> memref<1x128xi32, #tpu.memory_space<vmem>>
      %dma_wait3A_65 = tpu.memref_squeeze %dma_wait3A_64 : memref<1x128xi32, #tpu.memory_space<vmem>> -> memref<128xi32, #tpu.memory_space<vmem>>
      %dma_wait3A_66 = arith.constant 0 : i32
      %dma_wait3A_67 = arith.constant 0 : i32
      %dma_wait3A_68 = tpu.memref_slice %arg2[%dma_wait3A_66, %dma_wait3A_67] : memref<20000x128xf32, #tpu.memory_space<hbm>> -> memref<20000x128xf32, #tpu.memory_space<hbm>>
      tpu.wait_indirect_dma semaphore(%arg14 : memref<!tpu.dma_semaphore, #tpu.memory_space<semaphore_mem>>) src(%dma_wait3A_68 : memref<20000x128xf32, #tpu.memory_space<hbm>>) dst(%arg11 : memref<128x128xf32, #tpu.memory_space<vmem>>)
      %add3A_69 = arith.constant 1 : i32
      %add3A_70 = arith.addi %add3A_61, %add3A_69 : i32
      %lt3A = arith.constant 160 : i32
      %lt3A_71 = arith.cmpi slt, %add3A_70, %lt3A : i32
      %convert_element_type3A = arith.extui %lt3A_71 : i1 to i32
      %cond3A = arith.constant 0 : i32
      %cond3A_72 = arith.cmpi ne, %convert_element_type3A, %cond3A : i32
      scf.if %cond3A_72 {
        %dma_wait3A_107 = arith.constant 0 : i32
        %dma_wait3A_108 = tpu.memref_slice %arg3[%arg0, %mul3A_2, %dma_wait3A_107] : memref<2x2560x128xi32, #tpu.memory_space<hbm>> -> memref<1x1x128xi32, #tpu.memory_space<hbm>>
        %dma_wait3A_109 = tpu.memref_squeeze %dma_wait3A_108 : memref<1x1x128xi32, #tpu.memory_space<hbm>> -> memref<1x128xi32, #tpu.memory_space<hbm>>
        %dma_wait3A_110 = arith.constant 0 : i32
        %dma_wait3A_111 = tpu.memref_slice %arg3[%arg0, %mul3A_2, %dma_wait3A_110] : memref<2x2560x128xi32, #tpu.memory_space<hbm>> -> memref<1x1x128xi32, #tpu.memory_space<hbm>>
        %dma_wait3A_112 = tpu.memref_squeeze %dma_wait3A_111 : memref<1x1x128xi32, #tpu.memory_space<hbm>> -> memref<1x128xi32, #tpu.memory_space<hbm>>
        tpu.wait_dma2 semaphore(%arg16 : memref<!tpu.dma_semaphore, #tpu.memory_space<semaphore_mem>>) src(%dma_wait3A_112 : memref<1x128xi32, #tpu.memory_space<hbm>>) dst(%arg8 : memref<1x128xi32, #tpu.memory_space<vmem>>)
        %dma_wait3A_113 = arith.constant 0 : i32
        %dma_wait3A_114 = tpu.memref_slice %arg4[%mul3A_2, %dma_wait3A_113] : memref<2560x128xi32, #tpu.memory_space<hbm>> -> memref<1x128xi32, #tpu.memory_space<hbm>>
        %dma_wait3A_115 = arith.constant 0 : i32
        %dma_wait3A_116 = tpu.memref_slice %arg4[%mul3A_2, %dma_wait3A_115] : memref<2560x128xi32, #tpu.memory_space<hbm>> -> memref<1x128xi32, #tpu.memory_space<hbm>>
        tpu.wait_dma2 semaphore(%arg18 : memref<!tpu.dma_semaphore, #tpu.memory_space<semaphore_mem>>) src(%dma_wait3A_116 : memref<1x128xi32, #tpu.memory_space<hbm>>) dst(%arg10 : memref<1x128xi32, #tpu.memory_space<vmem>>)
        %dma_start3A_117 = arith.constant 0 : i32
        %dma_start3A_118 = arith.constant 0 : i32
        %dma_start3A_119 = tpu.memref_slice %arg8[%dma_start3A_117, %dma_start3A_118] : memref<1x128xi32, #tpu.memory_space<vmem>> -> memref<1x128xi32, #tpu.memory_space<vmem>>
        %dma_start3A_120 = tpu.memref_squeeze %dma_start3A_119 : memref<1x128xi32, #tpu.memory_space<vmem>> -> memref<128xi32, #tpu.memory_space<vmem>>
        %dma_start3A_121 = arith.constant 0 : i32
        %dma_start3A_122 = arith.constant 0 : i32
        %dma_start3A_123 = tpu.memref_slice %arg2[%dma_start3A_121, %dma_start3A_122] : memref<20000x128xf32, #tpu.memory_space<hbm>> -> memref<20000x128xf32, #tpu.memory_space<hbm>>
        tpu.enqueue_indirect_dma source(%dma_start3A_123 : memref<20000x128xf32, #tpu.memory_space<hbm>>) target(%arg12 : memref<128x128xf32, #tpu.memory_space<vmem>>) offsets(%dma_start3A_120 : memref<128xi32, #tpu.memory_space<vmem>>) semaphore(%arg14 : memref<!tpu.dma_semaphore, #tpu.memory_space<semaphore_mem>>)
      } else {
      }
      %run_scoped3A = arith.constant 0 : i32
      "tpu.region"() ({
        %run_scoped3A_107 = tpu.sem_alloc : memref<!tpu.dma_semaphore, #tpu.memory_space<semaphore_mem>>
        %dma_start3A_108 = arith.constant 0 : i32
        %dma_start3A_109 = tpu.memref_slice %arg9[%run_scoped3A, %dma_start3A_108] : memref<1x128xi32, #tpu.memory_space<vmem>> -> memref<1x128xi32, #tpu.memory_space<vmem>>
        %dma_start3A_110 = tpu.memref_squeeze %dma_start3A_109 : memref<1x128xi32, #tpu.memory_space<vmem>> -> memref<128xi32, #tpu.memory_space<vmem>>
        %dma_start3A_111 = arith.constant 0 : i32
        %dma_start3A_112 = arith.constant 0 : i32
        %dma_start3A_113 = tpu.memref_slice %arg13[%dma_start3A_111, %dma_start3A_112] : memref<10240x128xf32, #tpu.memory_space<vmem_shared>> -> memref<10240x128xf32, #tpu.memory_space<vmem_shared>>
        tpu.enqueue_indirect_dma source(%arg11 : memref<128x128xf32, #tpu.memory_space<vmem>>) target(%dma_start3A_113 : memref<10240x128xf32, #tpu.memory_space<vmem_shared>>) offsets(%dma_start3A_110 : memref<128xi32, #tpu.memory_space<vmem>>) semaphore(%run_scoped3A_107 : memref<!tpu.dma_semaphore, #tpu.memory_space<semaphore_mem>>) {add = true}
        %dma_wait3A_114 = arith.constant 0 : i32
        %dma_wait3A_115 = tpu.memref_slice %arg9[%run_scoped3A, %dma_wait3A_114] : memref<1x128xi32, #tpu.memory_space<vmem>> -> memref<1x128xi32, #tpu.memory_space<vmem>>
        %dma_wait3A_116 = tpu.memref_squeeze %dma_wait3A_115 : memref<1x128xi32, #tpu.memory_space<vmem>> -> memref<128xi32, #tpu.memory_space<vmem>>
        %dma_wait3A_117 = arith.constant 0 : i32
        %dma_wait3A_118 = arith.constant 0 : i32
        %dma_wait3A_119 = tpu.memref_slice %arg13[%dma_wait3A_117, %dma_wait3A_118] : memref<10240x128xf32, #tpu.memory_space<vmem_shared>> -> memref<10240x128xf32, #tpu.memory_space<vmem_shared>>
        tpu.wait_indirect_dma semaphore(%run_scoped3A_107 : memref<!tpu.dma_semaphore, #tpu.memory_space<semaphore_mem>>) src(%arg11 : memref<128x128xf32, #tpu.memory_space<vmem>>) dst(%dma_wait3A_119 : memref<10240x128xf32, #tpu.memory_space<vmem_shared>>)
        tpu.yield
      }) : () -> ()
      %add3A_73 = arith.constant 2 : i32
      %add3A_74 = arith.addi %add3A_61, %add3A_73 : i32
      %lt3A_75 = arith.constant 160 : i32
      %lt3A_76 = arith.cmpi slt, %add3A_74, %lt3A_75 : i32
      %convert_element_type3A_77 = arith.extui %lt3A_76 : i1 to i32
      %cond3A_78 = arith.constant 0 : i32
      %cond3A_79 = arith.cmpi ne, %convert_element_type3A_77, %cond3A_78 : i32
      scf.if %cond3A_79 {
        %add3A_107 = arith.constant 2 : i32
        %add3A_108 = arith.addi %add3A_61, %add3A_107 : i32
        %add3A_109 = arith.addi %mul3A_2, %add3A_108 : i32
        %dma_start3A_110 = arith.constant 0 : i32
        %dma_start3A_111 = tpu.memref_slice %arg3[%arg0, %add3A_109, %dma_start3A_110] : memref<2x2560x128xi32, #tpu.memory_space<hbm>> -> memref<1x1x128xi32, #tpu.memory_space<hbm>>
        %dma_start3A_112 = tpu.memref_squeeze %dma_start3A_111 : memref<1x1x128xi32, #tpu.memory_space<hbm>> -> memref<1x128xi32, #tpu.memory_space<hbm>>
        %dma_start3A_113 = arith.constant 0 : i32
        %dma_start3A_114 = tpu.memref_slice %arg3[%arg0, %add3A_109, %dma_start3A_113] : memref<2x2560x128xi32, #tpu.memory_space<hbm>> -> memref<1x1x128xi32, #tpu.memory_space<hbm>>
        %dma_start3A_115 = tpu.memref_squeeze %dma_start3A_114 : memref<1x1x128xi32, #tpu.memory_space<hbm>> -> memref<1x128xi32, #tpu.memory_space<hbm>>
        tpu.enqueue_dma source(%dma_start3A_115 : memref<1x128xi32, #tpu.memory_space<hbm>>) target(%arg7 : memref<1x128xi32, #tpu.memory_space<vmem>>) target_semaphore(%arg15 : memref<!tpu.dma_semaphore, #tpu.memory_space<semaphore_mem>>)
        %add3A_116 = arith.addi %mul3A_2, %add3A_108 : i32
        %dma_start3A_117 = arith.constant 0 : i32
        %dma_start3A_118 = tpu.memref_slice %arg4[%add3A_116, %dma_start3A_117] : memref<2560x128xi32, #tpu.memory_space<hbm>> -> memref<1x128xi32, #tpu.memory_space<hbm>>
        %dma_start3A_119 = arith.constant 0 : i32
        %dma_start3A_120 = tpu.memref_slice %arg4[%add3A_116, %dma_start3A_119] : memref<2560x128xi32, #tpu.memory_space<hbm>> -> memref<1x128xi32, #tpu.memory_space<hbm>>
        tpu.enqueue_dma source(%dma_start3A_120 : memref<1x128xi32, #tpu.memory_space<hbm>>) target(%arg9 : memref<1x128xi32, #tpu.memory_space<vmem>>) target_semaphore(%arg17 : memref<!tpu.dma_semaphore, #tpu.memory_space<semaphore_mem>>)
      } else {
      }
      %mul3A_80 = arith.constant 2 : i32
      %mul3A_81 = arith.muli %scan3A_56, %mul3A_80 : i32
      %add3A_82 = arith.constant 1 : i32
      %add3A_83 = arith.addi %mul3A_81, %add3A_82 : i32
      %dma_wait3A_84 = arith.constant 0 : i32
      %dma_wait3A_85 = arith.constant 0 : i32
      %dma_wait3A_86 = tpu.memref_slice %arg8[%dma_wait3A_84, %dma_wait3A_85] : memref<1x128xi32, #tpu.memory_space<vmem>> -> memref<1x128xi32, #tpu.memory_space<vmem>>
      %dma_wait3A_87 = tpu.memref_squeeze %dma_wait3A_86 : memref<1x128xi32, #tpu.memory_space<vmem>> -> memref<128xi32, #tpu.memory_space<vmem>>
      %dma_wait3A_88 = arith.constant 0 : i32
      %dma_wait3A_89 = arith.constant 0 : i32
      %dma_wait3A_90 = tpu.memref_slice %arg2[%dma_wait3A_88, %dma_wait3A_89] : memref<20000x128xf32, #tpu.memory_space<hbm>> -> memref<20000x128xf32, #tpu.memory_space<hbm>>
      tpu.wait_indirect_dma semaphore(%arg14 : memref<!tpu.dma_semaphore, #tpu.memory_space<semaphore_mem>>) src(%dma_wait3A_90 : memref<20000x128xf32, #tpu.memory_space<hbm>>) dst(%arg12 : memref<128x128xf32, #tpu.memory_space<vmem>>)
      %add3A_91 = arith.constant 1 : i32
      %add3A_92 = arith.addi %add3A_83, %add3A_91 : i32
      %lt3A_93 = arith.constant 160 : i32
      %lt3A_94 = arith.cmpi slt, %add3A_92, %lt3A_93 : i32
      %convert_element_type3A_95 = arith.extui %lt3A_94 : i1 to i32
      %cond3A_96 = arith.constant 0 : i32
      %cond3A_97 = arith.cmpi ne, %convert_element_type3A_95, %cond3A_96 : i32
      scf.if %cond3A_97 {
        %dma_wait3A_107 = arith.constant 0 : i32
        %dma_wait3A_108 = tpu.memref_slice %arg3[%arg0, %mul3A_2, %dma_wait3A_107] : memref<2x2560x128xi32, #tpu.memory_space<hbm>> -> memref<1x1x128xi32, #tpu.memory_space<hbm>>
        %dma_wait3A_109 = tpu.memref_squeeze %dma_wait3A_108 : memref<1x1x128xi32, #tpu.memory_space<hbm>> -> memref<1x128xi32, #tpu.memory_space<hbm>>
        %dma_wait3A_110 = arith.constant 0 : i32
        %dma_wait3A_111 = tpu.memref_slice %arg3[%arg0, %mul3A_2, %dma_wait3A_110] : memref<2x2560x128xi32, #tpu.memory_space<hbm>> -> memref<1x1x128xi32, #tpu.memory_space<hbm>>
        %dma_wait3A_112 = tpu.memref_squeeze %dma_wait3A_111 : memref<1x1x128xi32, #tpu.memory_space<hbm>> -> memref<1x128xi32, #tpu.memory_space<hbm>>
        tpu.wait_dma2 semaphore(%arg15 : memref<!tpu.dma_semaphore, #tpu.memory_space<semaphore_mem>>) src(%dma_wait3A_112 : memref<1x128xi32, #tpu.memory_space<hbm>>) dst(%arg7 : memref<1x128xi32, #tpu.memory_space<vmem>>)
        %dma_wait3A_113 = arith.constant 0 : i32
        %dma_wait3A_114 = tpu.memref_slice %arg4[%mul3A_2, %dma_wait3A_113] : memref<2560x128xi32, #tpu.memory_space<hbm>> -> memref<1x128xi32, #tpu.memory_space<hbm>>
        %dma_wait3A_115 = arith.constant 0 : i32
        %dma_wait3A_116 = tpu.memref_slice %arg4[%mul3A_2, %dma_wait3A_115] : memref<2560x128xi32, #tpu.memory_space<hbm>> -> memref<1x128xi32, #tpu.memory_space<hbm>>
        tpu.wait_dma2 semaphore(%arg17 : memref<!tpu.dma_semaphore, #tpu.memory_space<semaphore_mem>>) src(%dma_wait3A_116 : memref<1x128xi32, #tpu.memory_space<hbm>>) dst(%arg9 : memref<1x128xi32, #tpu.memory_space<vmem>>)
        %dma_start3A_117 = arith.constant 0 : i32
        %dma_start3A_118 = arith.constant 0 : i32
        %dma_start3A_119 = tpu.memref_slice %arg7[%dma_start3A_117, %dma_start3A_118] : memref<1x128xi32, #tpu.memory_space<vmem>> -> memref<1x128xi32, #tpu.memory_space<vmem>>
        %dma_start3A_120 = tpu.memref_squeeze %dma_start3A_119 : memref<1x128xi32, #tpu.memory_space<vmem>> -> memref<128xi32, #tpu.memory_space<vmem>>
        %dma_start3A_121 = arith.constant 0 : i32
        %dma_start3A_122 = arith.constant 0 : i32
        %dma_start3A_123 = tpu.memref_slice %arg2[%dma_start3A_121, %dma_start3A_122] : memref<20000x128xf32, #tpu.memory_space<hbm>> -> memref<20000x128xf32, #tpu.memory_space<hbm>>
        tpu.enqueue_indirect_dma source(%dma_start3A_123 : memref<20000x128xf32, #tpu.memory_space<hbm>>) target(%arg11 : memref<128x128xf32, #tpu.memory_space<vmem>>) offsets(%dma_start3A_120 : memref<128xi32, #tpu.memory_space<vmem>>) semaphore(%arg14 : memref<!tpu.dma_semaphore, #tpu.memory_space<semaphore_mem>>)
      } else {
      }
      %run_scoped3A_98 = arith.constant 0 : i32
      "tpu.region"() ({
        %run_scoped3A_107 = tpu.sem_alloc : memref<!tpu.dma_semaphore, #tpu.memory_space<semaphore_mem>>
        %dma_start3A_108 = arith.constant 0 : i32
        %dma_start3A_109 = tpu.memref_slice %arg10[%run_scoped3A_98, %dma_start3A_108] : memref<1x128xi32, #tpu.memory_space<vmem>> -> memref<1x128xi32, #tpu.memory_space<vmem>>
        %dma_start3A_110 = tpu.memref_squeeze %dma_start3A_109 : memref<1x128xi32, #tpu.memory_space<vmem>> -> memref<128xi32, #tpu.memory_space<vmem>>
        %dma_start3A_111 = arith.constant 0 : i32
        %dma_start3A_112 = arith.constant 0 : i32
        %dma_start3A_113 = tpu.memref_slice %arg13[%dma_start3A_111, %dma_start3A_112] : memref<10240x128xf32, #tpu.memory_space<vmem_shared>> -> memref<10240x128xf32, #tpu.memory_space<vmem_shared>>
        tpu.enqueue_indirect_dma source(%arg12 : memref<128x128xf32, #tpu.memory_space<vmem>>) target(%dma_start3A_113 : memref<10240x128xf32, #tpu.memory_space<vmem_shared>>) offsets(%dma_start3A_110 : memref<128xi32, #tpu.memory_space<vmem>>) semaphore(%run_scoped3A_107 : memref<!tpu.dma_semaphore, #tpu.memory_space<semaphore_mem>>) {add = true}
        %dma_wait3A_114 = arith.constant 0 : i32
        %dma_wait3A_115 = tpu.memref_slice %arg10[%run_scoped3A_98, %dma_wait3A_114] : memref<1x128xi32, #tpu.memory_space<vmem>> -> memref<1x128xi32, #tpu.memory_space<vmem>>
        %dma_wait3A_116 = tpu.memref_squeeze %dma_wait3A_115 : memref<1x128xi32, #tpu.memory_space<vmem>> -> memref<128xi32, #tpu.memory_space<vmem>>
        %dma_wait3A_117 = arith.constant 0 : i32
        %dma_wait3A_118 = arith.constant 0 : i32
        %dma_wait3A_119 = tpu.memref_slice %arg13[%dma_wait3A_117, %dma_wait3A_118] : memref<10240x128xf32, #tpu.memory_space<vmem_shared>> -> memref<10240x128xf32, #tpu.memory_space<vmem_shared>>
        tpu.wait_indirect_dma semaphore(%run_scoped3A_107 : memref<!tpu.dma_semaphore, #tpu.memory_space<semaphore_mem>>) src(%arg12 : memref<128x128xf32, #tpu.memory_space<vmem>>) dst(%dma_wait3A_119 : memref<10240x128xf32, #tpu.memory_space<vmem_shared>>)
        tpu.yield
      }) : () -> ()
      %add3A_99 = arith.constant 2 : i32
      %add3A_100 = arith.addi %add3A_83, %add3A_99 : i32
      %lt3A_101 = arith.constant 160 : i32
      %lt3A_102 = arith.cmpi slt, %add3A_100, %lt3A_101 : i32
      %convert_element_type3A_103 = arith.extui %lt3A_102 : i1 to i32
      %cond3A_104 = arith.constant 0 : i32
      %cond3A_105 = arith.cmpi ne, %convert_element_type3A_103, %cond3A_104 : i32
      scf.if %cond3A_105 {
        %add3A_107 = arith.constant 2 : i32
        %add3A_108 = arith.addi %add3A_83, %add3A_107 : i32
        %add3A_109 = arith.addi %mul3A_2, %add3A_108 : i32
        %dma_start3A_110 = arith.constant 0 : i32
        %dma_start3A_111 = tpu.memref_slice %arg3[%arg0, %add3A_109, %dma_start3A_110] : memref<2x2560x128xi32, #tpu.memory_space<hbm>> -> memref<1x1x128xi32, #tpu.memory_space<hbm>>
        %dma_start3A_112 = tpu.memref_squeeze %dma_start3A_111 : memref<1x1x128xi32, #tpu.memory_space<hbm>> -> memref<1x128xi32, #tpu.memory_space<hbm>>
        %dma_start3A_113 = arith.constant 0 : i32
        %dma_start3A_114 = tpu.memref_slice %arg3[%arg0, %add3A_109, %dma_start3A_113] : memref<2x2560x128xi32, #tpu.memory_space<hbm>> -> memref<1x1x128xi32, #tpu.memory_space<hbm>>
        %dma_start3A_115 = tpu.memref_squeeze %dma_start3A_114 : memref<1x1x128xi32, #tpu.memory_space<hbm>> -> memref<1x128xi32, #tpu.memory_space<hbm>>
        tpu.enqueue_dma source(%dma_start3A_115 : memref<1x128xi32, #tpu.memory_space<hbm>>) target(%arg8 : memref<1x128xi32, #tpu.memory_space<vmem>>) target_semaphore(%arg16 : memref<!tpu.dma_semaphore, #tpu.memory_space<semaphore_mem>>)
        %add3A_116 = arith.addi %mul3A_2, %add3A_108 : i32
        %dma_start3A_117 = arith.constant 0 : i32
        %dma_start3A_118 = tpu.memref_slice %arg4[%add3A_116, %dma_start3A_117] : memref<2560x128xi32, #tpu.memory_space<hbm>> -> memref<1x128xi32, #tpu.memory_space<hbm>>
        %dma_start3A_119 = arith.constant 0 : i32
        %dma_start3A_120 = tpu.memref_slice %arg4[%add3A_116, %dma_start3A_119] : memref<2560x128xi32, #tpu.memory_space<hbm>> -> memref<1x128xi32, #tpu.memory_space<hbm>>
        tpu.enqueue_dma source(%dma_start3A_120 : memref<1x128xi32, #tpu.memory_space<hbm>>) target(%arg10 : memref<1x128xi32, #tpu.memory_space<vmem>>) target_semaphore(%arg18 : memref<!tpu.dma_semaphore, #tpu.memory_space<semaphore_mem>>)
      } else {
      }
      %scan3A_106 = arith.constant 0 : i32
      scf.yield %scan3A_106 : i32
    }
    %scan3A_50 = arith.constant 80 : i32
    %barrier3A_51 = arith.constant 0 : index
    tpu.barrier barrier_id(%barrier3A_51)
    %mul3A_52 = arith.constant 640 : i32
    %mul3A_53 = arith.muli %arg1, %mul3A_52 : i32
    %mul3A_54 = arith.constant 640 : i32
    %mul3A_55 = arith.muli %arg1, %mul3A_54 : i32
    "tpu.region"() ({
      %run_scoped3A = tpu.sem_alloc : memref<!tpu.dma_semaphore, #tpu.memory_space<semaphore_mem>>
      %dma_start3A_56 = arith.constant 0 : i32
      %dma_start3A_57 = tpu.memref_slice %arg6[%arg0, %mul3A_55, %dma_start3A_56] : memref<2x10240x128xf32, #tpu.memory_space<hbm>> -> memref<1x640x128xf32, #tpu.memory_space<hbm>>
      %dma_start3A_58 = tpu.memref_squeeze %dma_start3A_57 : memref<1x640x128xf32, #tpu.memory_space<hbm>> -> memref<640x128xf32, #tpu.memory_space<hbm>>
      %dma_start3A_59 = arith.constant 0 : i32
      %dma_start3A_60 = tpu.memref_slice %arg13[%mul3A_53, %dma_start3A_59] : memref<10240x128xf32, #tpu.memory_space<vmem_shared>> -> memref<640x128xf32, #tpu.memory_space<vmem_shared>>
      tpu.enqueue_dma source(%dma_start3A_60 : memref<640x128xf32, #tpu.memory_space<vmem_shared>>) target(%dma_start3A_58 : memref<640x128xf32, #tpu.memory_space<hbm>>) target_semaphore(%run_scoped3A : memref<!tpu.dma_semaphore, #tpu.memory_space<semaphore_mem>>)
      %dma_wait3A_61 = arith.constant 0 : i32
      %dma_wait3A_62 = tpu.memref_slice %arg6[%arg0, %mul3A_55, %dma_wait3A_61] : memref<2x10240x128xf32, #tpu.memory_space<hbm>> -> memref<1x640x128xf32, #tpu.memory_space<hbm>>
      %dma_wait3A_63 = tpu.memref_squeeze %dma_wait3A_62 : memref<1x640x128xf32, #tpu.memory_space<hbm>> -> memref<640x128xf32, #tpu.memory_space<hbm>>
      %dma_wait3A_64 = arith.constant 0 : i32
      %dma_wait3A_65 = tpu.memref_slice %arg13[%mul3A_53, %dma_wait3A_64] : memref<10240x128xf32, #tpu.memory_space<vmem_shared>> -> memref<640x128xf32, #tpu.memory_space<vmem_shared>>
      tpu.wait_dma2 semaphore(%run_scoped3A : memref<!tpu.dma_semaphore, #tpu.memory_space<semaphore_mem>>) src(%dma_wait3A_65 : memref<640x128xf32, #tpu.memory_space<vmem_shared>>) dst(%dma_wait3A_63 : memref<640x128xf32, #tpu.memory_space<hbm>>)
      tpu.yield
    }) : () -> ()
    return
  }
}

module attributes {stable_mosaic.version = 14 : i64} {
  func.func @_mlp_body(%arg0: i32, %arg1: memref<2000x128xf32, #tpu.memory_space<vmem>>, %arg2: memref<128x256xf32, #tpu.memory_space<vmem>>, %arg3: memref<1x256xf32, #tpu.memory_space<vmem>>, %arg4: memref<256x256xf32, #tpu.memory_space<vmem>>, %arg5: memref<1x256xf32, #tpu.memory_space<vmem>>, %arg6: memref<2x2000x128xf32, #tpu.memory_space<vmem>>) attributes {dimension_semantics = [#tpu.dimension_semantics<arbitrary>], iteration_bounds = array<i64: 5>, scalar_prefetch = 0 : i64, scratch_operands = 0 : i64, tpu.core_type = #tpu.core_type<tc>, window_params = [{transform_indices = @transform_0, window_bounds = array<i64: 2000, 128>}, {pipeline_mode = #tpu.pipeline_mode<synchronous>, transform_indices = @transform_1, window_bounds = array<i64: 128, 256>}, {pipeline_mode = #tpu.pipeline_mode<synchronous>, transform_indices = @transform_2, window_bounds = array<i64: 1, 256>}, {pipeline_mode = #tpu.pipeline_mode<synchronous>, transform_indices = @transform_3, window_bounds = array<i64: 256, 256>}, {pipeline_mode = #tpu.pipeline_mode<synchronous>, transform_indices = @transform_4, window_bounds = array<i64: 1, 256>}, {transform_indices = @transform_5, window_bounds = array<i64: 2, 2000, 128>}]} {
    %get3A = arith.constant 0 : index
    %get3A_0 = arith.constant 0 : index
    %get3A_1 = vector.load %arg1[%get3A, %get3A_0] : memref<2000x128xf32, #tpu.memory_space<vmem>>, vector<2000x128xf32>
    %get3A_2 = arith.constant 0 : index
    %get3A_3 = arith.constant 0 : index
    %get3A_4 = vector.load %arg2[%get3A_2, %get3A_3] : memref<128x256xf32, #tpu.memory_space<vmem>>, vector<128x256xf32>
    %dot_general3A = arith.constant dense<0.000000e+00> : vector<2000x256xf32>
    %dot_general3A_5 = tpu.matmul %get3A_1, %get3A_4, %dot_general3A {dimension_numbers = #tpu.dot_dimension_numbers<[1], [0], [0], [1], [0, 0, 1, 1], [], []>, transpose_lhs_hint = false} : vector<2000x128xf32>, vector<128x256xf32>, vector<2000x256xf32> -> vector<2000x256xf32>
    %get3A_6 = arith.constant 0 : index
    %get3A_7 = arith.constant 0 : index
    %get3A_8 = vector.load %arg3[%get3A_6, %get3A_7] : memref<1x256xf32, #tpu.memory_space<vmem>>, vector<1x256xf32>
    %add3A = vector.broadcast %get3A_8 : vector<1x256xf32> to vector<2000x256xf32>
    %add3A_9 = arith.addf %dot_general3A_5, %add3A : vector<2000x256xf32>
    %max3A = arith.constant 0.000000e+00 : f32
    %max3A_10 = vector.broadcast %max3A : f32 to vector<2000x256xf32>
    %max3A_11 = arith.maximumf %add3A_9, %max3A_10 : vector<2000x256xf32>
    %get3A_12 = arith.constant 0 : index
    %get3A_13 = arith.constant 0 : index
    %get3A_14 = vector.load %arg4[%get3A_12, %get3A_13] : memref<256x256xf32, #tpu.memory_space<vmem>>, vector<256x256xf32>
    %dot_general3A_15 = arith.constant dense<0.000000e+00> : vector<2000x256xf32>
    %dot_general3A_16 = tpu.matmul %max3A_11, %get3A_14, %dot_general3A_15 {dimension_numbers = #tpu.dot_dimension_numbers<[1], [0], [0], [1], [0, 0, 1, 1], [], []>, transpose_lhs_hint = false} : vector<2000x256xf32>, vector<256x256xf32>, vector<2000x256xf32> -> vector<2000x256xf32>
    %get3A_17 = arith.constant 0 : index
    %get3A_18 = arith.constant 0 : index
    %get3A_19 = vector.load %arg5[%get3A_17, %get3A_18] : memref<1x256xf32, #tpu.memory_space<vmem>>, vector<1x256xf32>
    %add3A_20 = vector.broadcast %get3A_19 : vector<1x256xf32> to vector<2000x256xf32>
    %add3A_21 = arith.addf %dot_general3A_16, %add3A_20 : vector<2000x256xf32>
    %tanh3A = math.tanh %add3A_21 : vector<2000x256xf32>
    %slice3A = vector.extract_strided_slice %tanh3A {offsets = [0, 0], sizes = [2000, 128], strides = [1, 1]} : vector<2000x256xf32> to vector<2000x128xf32>
    %swap3A = arith.constant 0 : index
    %swap3A_22 = arith.constant 0 : index
    %swap3A_23 = arith.constant 0 : index
    %swap3A_24 = vector.load %arg6[%swap3A, %swap3A_22, %swap3A_23] : memref<2x2000x128xf32, #tpu.memory_space<vmem>>, vector<1x2000x128xf32>
    %swap3A_25 = vector.shape_cast %swap3A_24 : vector<1x2000x128xf32> to vector<2000x128xf32>
    %swap3A_26 = vector.shape_cast %slice3A : vector<2000x128xf32> to vector<1x2000x128xf32>
    tpu.vector_store %arg6[%swap3A, %swap3A_22, %swap3A_23], %swap3A_26 {strides = array<i32>} : memref<2x2000x128xf32, #tpu.memory_space<vmem>>, vector<1x2000x128xf32>,
    %slice3A_27 = vector.extract_strided_slice %tanh3A {offsets = [0, 128], sizes = [2000, 128], strides = [1, 1]} : vector<2000x256xf32> to vector<2000x128xf32>
    %swap3A_28 = arith.constant 1 : index
    %swap3A_29 = arith.constant 0 : index
    %swap3A_30 = arith.constant 0 : index
    %swap3A_31 = vector.load %arg6[%swap3A_28, %swap3A_29, %swap3A_30] : memref<2x2000x128xf32, #tpu.memory_space<vmem>>, vector<1x2000x128xf32>
    %swap3A_32 = vector.shape_cast %swap3A_31 : vector<1x2000x128xf32> to vector<2000x128xf32>
    %swap3A_33 = vector.shape_cast %slice3A_27 : vector<2000x128xf32> to vector<1x2000x128xf32>
    tpu.vector_store %arg6[%swap3A_28, %swap3A_29, %swap3A_30], %swap3A_33 {strides = array<i32>} : memref<2x2000x128xf32, #tpu.memory_space<vmem>>, vector<1x2000x128xf32>,
    return
  }
  func.func @transform_0(%arg0: i32) -> (i32, i32) {
    %c0_i32 = arith.constant 0 : i32
    %c0_i32_0 = arith.constant 0 : i32
    return %arg0, %c0_i32 : i32, i32
  }
  func.func @transform_1(%arg0: i32) -> (i32, i32) {
    %c0_i32 = arith.constant 0 : i32
    %c0_i32_0 = arith.constant 0 : i32
    %c0_i32_1 = arith.constant 0 : i32
    return %c0_i32, %c0_i32_0 : i32, i32
  }
  func.func @transform_2(%arg0: i32) -> (i32, i32) {
    %c0_i32 = arith.constant 0 : i32
    %c0_i32_0 = arith.constant 0 : i32
    %c0_i32_1 = arith.constant 0 : i32
    return %c0_i32, %c0_i32_0 : i32, i32
  }
  func.func @transform_3(%arg0: i32) -> (i32, i32) {
    %c0_i32 = arith.constant 0 : i32
    %c0_i32_0 = arith.constant 0 : i32
    %c0_i32_1 = arith.constant 0 : i32
    return %c0_i32, %c0_i32_0 : i32, i32
  }
  func.func @transform_4(%arg0: i32) -> (i32, i32) {
    %c0_i32 = arith.constant 0 : i32
    %c0_i32_0 = arith.constant 0 : i32
    %c0_i32_1 = arith.constant 0 : i32
    return %c0_i32, %c0_i32_0 : i32, i32
  }
  func.func @transform_5(%arg0: i32) -> (i32, i32, i32) {
    %c0_i32 = arith.constant 0 : i32
    %c0_i32_0 = arith.constant 0 : i32
    %c0_i32_1 = arith.constant 0 : i32
    return %c0_i32, %arg0, %c0_i32_0 : i32, i32, i32
  }
}

module attributes {stable_mosaic.version = 14 : i64} {
  func.func @_layer_body(%arg0: i32, %arg1: memref<2x2000x128xf32, #tpu.memory_space<vmem>>, %arg2: memref<2x2000x128xf32, #tpu.memory_space<vmem>>, %arg3: memref<2000x128xf32, #tpu.memory_space<vmem>>, %arg4: memref<256x256xf32, #tpu.memory_space<vmem>>, %arg5: memref<256x256xf32, #tpu.memory_space<vmem>>, %arg6: memref<1x256xf32, #tpu.memory_space<vmem>>, %arg7: memref<2x2000x128xf32, #tpu.memory_space<vmem>>) attributes {dimension_semantics = [#tpu.dimension_semantics<arbitrary>], iteration_bounds = array<i64: 5>, scalar_prefetch = 0 : i64, scratch_operands = 0 : i64, tpu.core_type = #tpu.core_type<tc>, window_params = [{transform_indices = @transform_0, window_bounds = array<i64: 2, 2000, 128>}, {transform_indices = @transform_1, window_bounds = array<i64: 2, 2000, 128>}, {transform_indices = @transform_2, window_bounds = array<i64: 2000, 128>}, {pipeline_mode = #tpu.pipeline_mode<synchronous>, transform_indices = @transform_3, window_bounds = array<i64: 256, 256>}, {pipeline_mode = #tpu.pipeline_mode<synchronous>, transform_indices = @transform_4, window_bounds = array<i64: 256, 256>}, {pipeline_mode = #tpu.pipeline_mode<synchronous>, transform_indices = @transform_5, window_bounds = array<i64: 1, 256>}, {transform_indices = @transform_6, window_bounds = array<i64: 2, 2000, 128>}]} {
    %get3A = arith.constant 0 : index
    %get3A_0 = arith.constant 0 : index
    %get3A_1 = vector.load %arg3[%get3A, %get3A_0] : memref<2000x128xf32, #tpu.memory_space<vmem>>, vector<2000x128xf32>
    %get3A_2 = arith.constant 0 : index
    %get3A_3 = arith.constant 0 : index
    %get3A_4 = arith.constant 0 : index
    %get3A_5 = vector.load %arg1[%get3A_2, %get3A_3, %get3A_4] : memref<2x2000x128xf32, #tpu.memory_space<vmem>>, vector<1x2000x128xf32>
    %get3A_6 = vector.shape_cast %get3A_5 : vector<1x2000x128xf32> to vector<2000x128xf32>
    %mul3A = arith.mulf %get3A_6, %get3A_1 : vector<2000x128xf32>
    %get3A_7 = arith.constant 1 : index
    %get3A_8 = arith.constant 0 : index
    %get3A_9 = arith.constant 0 : index
    %get3A_10 = vector.load %arg1[%get3A_7, %get3A_8, %get3A_9] : memref<2x2000x128xf32, #tpu.memory_space<vmem>>, vector<1x2000x128xf32>
    %get3A_11 = vector.shape_cast %get3A_10 : vector<1x2000x128xf32> to vector<2000x128xf32>
    %mul3A_12 = arith.mulf %get3A_11, %get3A_1 : vector<2000x128xf32>
    %get3A_13 = arith.constant 0 : index
    %get3A_14 = arith.constant 0 : index
    %get3A_15 = vector.load %arg4[%get3A_13, %get3A_14] : memref<256x256xf32, #tpu.memory_space<vmem>>, vector<128x256xf32>
    %dot_general3A = arith.constant dense<0.000000e+00> : vector<2000x256xf32>
    %dot_general3A_16 = tpu.matmul %mul3A, %get3A_15, %dot_general3A {dimension_numbers = #tpu.dot_dimension_numbers<[1], [0], [0], [1], [0, 0, 1, 1], [], []>, transpose_lhs_hint = false} : vector<2000x128xf32>, vector<128x256xf32>, vector<2000x256xf32> -> vector<2000x256xf32>
    %get3A_17 = arith.constant 128 : index
    %get3A_18 = arith.constant 0 : index
    %get3A_19 = vector.load %arg4[%get3A_17, %get3A_18] : memref<256x256xf32, #tpu.memory_space<vmem>>, vector<128x256xf32>
    %dot_general3A_20 = arith.constant dense<0.000000e+00> : vector<2000x256xf32>
    %dot_general3A_21 = tpu.matmul %mul3A_12, %get3A_19, %dot_general3A_20 {dimension_numbers = #tpu.dot_dimension_numbers<[1], [0], [0], [1], [0, 0, 1, 1], [], []>, transpose_lhs_hint = false} : vector<2000x128xf32>, vector<128x256xf32>, vector<2000x256xf32> -> vector<2000x256xf32>
    %add3A = arith.addf %dot_general3A_16, %dot_general3A_21 : vector<2000x256xf32>
    %get3A_22 = arith.constant 0 : index
    %get3A_23 = arith.constant 0 : index
    %get3A_24 = arith.constant 0 : index
    %get3A_25 = vector.load %arg2[%get3A_22, %get3A_23, %get3A_24] : memref<2x2000x128xf32, #tpu.memory_space<vmem>>, vector<1x2000x128xf32>
    %get3A_26 = vector.shape_cast %get3A_25 : vector<1x2000x128xf32> to vector<2000x128xf32>
    %get3A_27 = arith.constant 0 : index
    %get3A_28 = arith.constant 0 : index
    %get3A_29 = vector.load %arg5[%get3A_27, %get3A_28] : memref<256x256xf32, #tpu.memory_space<vmem>>, vector<128x256xf32>
    %dot_general3A_30 = arith.constant dense<0.000000e+00> : vector<2000x256xf32>
    %dot_general3A_31 = tpu.matmul %get3A_26, %get3A_29, %dot_general3A_30 {dimension_numbers = #tpu.dot_dimension_numbers<[1], [0], [0], [1], [0, 0, 1, 1], [], []>, transpose_lhs_hint = false} : vector<2000x128xf32>, vector<128x256xf32>, vector<2000x256xf32> -> vector<2000x256xf32>
    %add3A_32 = arith.addf %add3A, %dot_general3A_31 : vector<2000x256xf32>
    %get3A_33 = arith.constant 1 : index
    %get3A_34 = arith.constant 0 : index
    %get3A_35 = arith.constant 0 : index
    %get3A_36 = vector.load %arg2[%get3A_33, %get3A_34, %get3A_35] : memref<2x2000x128xf32, #tpu.memory_space<vmem>>, vector<1x2000x128xf32>
    %get3A_37 = vector.shape_cast %get3A_36 : vector<1x2000x128xf32> to vector<2000x128xf32>
    %get3A_38 = arith.constant 128 : index
    %get3A_39 = arith.constant 0 : index
    %get3A_40 = vector.load %arg5[%get3A_38, %get3A_39] : memref<256x256xf32, #tpu.memory_space<vmem>>, vector<128x256xf32>
    %dot_general3A_41 = arith.constant dense<0.000000e+00> : vector<2000x256xf32>
    %dot_general3A_42 = tpu.matmul %get3A_37, %get3A_40, %dot_general3A_41 {dimension_numbers = #tpu.dot_dimension_numbers<[1], [0], [0], [1], [0, 0, 1, 1], [], []>, transpose_lhs_hint = false} : vector<2000x128xf32>, vector<128x256xf32>, vector<2000x256xf32> -> vector<2000x256xf32>
    %add3A_43 = arith.addf %add3A_32, %dot_general3A_42 : vector<2000x256xf32>
    %get3A_44 = arith.constant 0 : index
    %get3A_45 = arith.constant 0 : index
    %get3A_46 = vector.load %arg6[%get3A_44, %get3A_45] : memref<1x256xf32, #tpu.memory_space<vmem>>, vector<1x256xf32>
    %add3A_47 = vector.broadcast %get3A_46 : vector<1x256xf32> to vector<2000x256xf32>
    %add3A_48 = arith.addf %add3A_43, %add3A_47 : vector<2000x256xf32>
    %max3A = arith.constant 0.000000e+00 : f32
    %max3A_49 = vector.broadcast %max3A : f32 to vector<2000x256xf32>
    %max3A_50 = arith.maximumf %add3A_48, %max3A_49 : vector<2000x256xf32>
    %slice3A = vector.extract_strided_slice %max3A_50 {offsets = [0, 0], sizes = [2000, 128], strides = [1, 1]} : vector<2000x256xf32> to vector<2000x128xf32>
    %swap3A = arith.constant 0 : index
    %swap3A_51 = arith.constant 0 : index
    %swap3A_52 = arith.constant 0 : index
    %swap3A_53 = vector.load %arg7[%swap3A, %swap3A_51, %swap3A_52] : memref<2x2000x128xf32, #tpu.memory_space<vmem>>, vector<1x2000x128xf32>
    %swap3A_54 = vector.shape_cast %swap3A_53 : vector<1x2000x128xf32> to vector<2000x128xf32>
    %swap3A_55 = vector.shape_cast %slice3A : vector<2000x128xf32> to vector<1x2000x128xf32>
    tpu.vector_store %arg7[%swap3A, %swap3A_51, %swap3A_52], %swap3A_55 {strides = array<i32>} : memref<2x2000x128xf32, #tpu.memory_space<vmem>>, vector<1x2000x128xf32>,
    %slice3A_56 = vector.extract_strided_slice %max3A_50 {offsets = [0, 128], sizes = [2000, 128], strides = [1, 1]} : vector<2000x256xf32> to vector<2000x128xf32>
    %swap3A_57 = arith.constant 1 : index
    %swap3A_58 = arith.constant 0 : index
    %swap3A_59 = arith.constant 0 : index
    %swap3A_60 = vector.load %arg7[%swap3A_57, %swap3A_58, %swap3A_59] : memref<2x2000x128xf32, #tpu.memory_space<vmem>>, vector<1x2000x128xf32>
    %swap3A_61 = vector.shape_cast %swap3A_60 : vector<1x2000x128xf32> to vector<2000x128xf32>
    %swap3A_62 = vector.shape_cast %slice3A_56 : vector<2000x128xf32> to vector<1x2000x128xf32>
    tpu.vector_store %arg7[%swap3A_57, %swap3A_58, %swap3A_59], %swap3A_62 {strides = array<i32>} : memref<2x2000x128xf32, #tpu.memory_space<vmem>>, vector<1x2000x128xf32>,
    return
  }
  func.func @transform_0(%arg0: i32) -> (i32, i32, i32) {
    %c0_i32 = arith.constant 0 : i32
    %c0_i32_0 = arith.constant 0 : i32
    %c0_i32_1 = arith.constant 0 : i32
    return %c0_i32, %arg0, %c0_i32_0 : i32, i32, i32
  }
  func.func @transform_1(%arg0: i32) -> (i32, i32, i32) {
    %c0_i32 = arith.constant 0 : i32
    %c0_i32_0 = arith.constant 0 : i32
    %c0_i32_1 = arith.constant 0 : i32
    return %c0_i32, %arg0, %c0_i32_0 : i32, i32, i32
  }
  func.func @transform_2(%arg0: i32) -> (i32, i32) {
    %c0_i32 = arith.constant 0 : i32
    %c0_i32_0 = arith.constant 0 : i32
    return %arg0, %c0_i32 : i32, i32
  }
  func.func @transform_3(%arg0: i32) -> (i32, i32) {
    %c0_i32 = arith.constant 0 : i32
    %c0_i32_0 = arith.constant 0 : i32
    %c0_i32_1 = arith.constant 0 : i32
    return %c0_i32, %c0_i32_0 : i32, i32
  }
  func.func @transform_4(%arg0: i32) -> (i32, i32) {
    %c0_i32 = arith.constant 0 : i32
    %c0_i32_0 = arith.constant 0 : i32
    %c0_i32_1 = arith.constant 0 : i32
    return %c0_i32, %c0_i32_0 : i32, i32
  }
  func.func @transform_5(%arg0: i32) -> (i32, i32) {
    %c0_i32 = arith.constant 0 : i32
    %c0_i32_0 = arith.constant 0 : i32
    %c0_i32_1 = arith.constant 0 : i32
    return %c0_i32, %c0_i32_0 : i32, i32
  }
  func.func @transform_6(%arg0: i32) -> (i32, i32, i32) {
    %c0_i32 = arith.constant 0 : i32
    %c0_i32_0 = arith.constant 0 : i32
    %c0_i32_1 = arith.constant 0 : i32
    return %c0_i32, %arg0, %c0_i32_0 : i32, i32, i32
  }
}

module attributes {stable_mosaic.version = 14 : i64} {
  func.func @_layer_body(%arg0: i32, %arg1: memref<2x2000x128xf32, #tpu.memory_space<vmem>>, %arg2: memref<2x2000x128xf32, #tpu.memory_space<vmem>>, %arg3: memref<2000x128xf32, #tpu.memory_space<vmem>>, %arg4: memref<256x256xf32, #tpu.memory_space<vmem>>, %arg5: memref<256x256xf32, #tpu.memory_space<vmem>>, %arg6: memref<1x256xf32, #tpu.memory_space<vmem>>, %arg7: memref<2000x256xf32, #tpu.memory_space<vmem>>) attributes {dimension_semantics = [#tpu.dimension_semantics<arbitrary>], iteration_bounds = array<i64: 5>, scalar_prefetch = 0 : i64, scratch_operands = 0 : i64, tpu.core_type = #tpu.core_type<tc>, window_params = [{transform_indices = @transform_0, window_bounds = array<i64: 2, 2000, 128>}, {transform_indices = @transform_1, window_bounds = array<i64: 2, 2000, 128>}, {transform_indices = @transform_2, window_bounds = array<i64: 2000, 128>}, {pipeline_mode = #tpu.pipeline_mode<synchronous>, transform_indices = @transform_3, window_bounds = array<i64: 256, 256>}, {pipeline_mode = #tpu.pipeline_mode<synchronous>, transform_indices = @transform_4, window_bounds = array<i64: 256, 256>}, {pipeline_mode = #tpu.pipeline_mode<synchronous>, transform_indices = @transform_5, window_bounds = array<i64: 1, 256>}, {transform_indices = @transform_6, window_bounds = array<i64: 2000, 256>}]} {
    %get3A = arith.constant 0 : index
    %get3A_0 = arith.constant 0 : index
    %get3A_1 = vector.load %arg3[%get3A, %get3A_0] : memref<2000x128xf32, #tpu.memory_space<vmem>>, vector<2000x128xf32>
    %get3A_2 = arith.constant 0 : index
    %get3A_3 = arith.constant 0 : index
    %get3A_4 = arith.constant 0 : index
    %get3A_5 = vector.load %arg1[%get3A_2, %get3A_3, %get3A_4] : memref<2x2000x128xf32, #tpu.memory_space<vmem>>, vector<1x2000x128xf32>
    %get3A_6 = vector.shape_cast %get3A_5 : vector<1x2000x128xf32> to vector<2000x128xf32>
    %mul3A = arith.mulf %get3A_6, %get3A_1 : vector<2000x128xf32>
    %get3A_7 = arith.constant 1 : index
    %get3A_8 = arith.constant 0 : index
    %get3A_9 = arith.constant 0 : index
    %get3A_10 = vector.load %arg1[%get3A_7, %get3A_8, %get3A_9] : memref<2x2000x128xf32, #tpu.memory_space<vmem>>, vector<1x2000x128xf32>
    %get3A_11 = vector.shape_cast %get3A_10 : vector<1x2000x128xf32> to vector<2000x128xf32>
    %mul3A_12 = arith.mulf %get3A_11, %get3A_1 : vector<2000x128xf32>
    %get3A_13 = arith.constant 0 : index
    %get3A_14 = arith.constant 0 : index
    %get3A_15 = vector.load %arg4[%get3A_13, %get3A_14] : memref<256x256xf32, #tpu.memory_space<vmem>>, vector<128x256xf32>
    %dot_general3A = arith.constant dense<0.000000e+00> : vector<2000x256xf32>
    %dot_general3A_16 = tpu.matmul %mul3A, %get3A_15, %dot_general3A {dimension_numbers = #tpu.dot_dimension_numbers<[1], [0], [0], [1], [0, 0, 1, 1], [], []>, transpose_lhs_hint = false} : vector<2000x128xf32>, vector<128x256xf32>, vector<2000x256xf32> -> vector<2000x256xf32>
    %get3A_17 = arith.constant 128 : index
    %get3A_18 = arith.constant 0 : index
    %get3A_19 = vector.load %arg4[%get3A_17, %get3A_18] : memref<256x256xf32, #tpu.memory_space<vmem>>, vector<128x256xf32>
    %dot_general3A_20 = arith.constant dense<0.000000e+00> : vector<2000x256xf32>
    %dot_general3A_21 = tpu.matmul %mul3A_12, %get3A_19, %dot_general3A_20 {dimension_numbers = #tpu.dot_dimension_numbers<[1], [0], [0], [1], [0, 0, 1, 1], [], []>, transpose_lhs_hint = false} : vector<2000x128xf32>, vector<128x256xf32>, vector<2000x256xf32> -> vector<2000x256xf32>
    %add3A = arith.addf %dot_general3A_16, %dot_general3A_21 : vector<2000x256xf32>
    %get3A_22 = arith.constant 0 : index
    %get3A_23 = arith.constant 0 : index
    %get3A_24 = arith.constant 0 : index
    %get3A_25 = vector.load %arg2[%get3A_22, %get3A_23, %get3A_24] : memref<2x2000x128xf32, #tpu.memory_space<vmem>>, vector<1x2000x128xf32>
    %get3A_26 = vector.shape_cast %get3A_25 : vector<1x2000x128xf32> to vector<2000x128xf32>
    %get3A_27 = arith.constant 0 : index
    %get3A_28 = arith.constant 0 : index
    %get3A_29 = vector.load %arg5[%get3A_27, %get3A_28] : memref<256x256xf32, #tpu.memory_space<vmem>>, vector<128x256xf32>
    %dot_general3A_30 = arith.constant dense<0.000000e+00> : vector<2000x256xf32>
    %dot_general3A_31 = tpu.matmul %get3A_26, %get3A_29, %dot_general3A_30 {dimension_numbers = #tpu.dot_dimension_numbers<[1], [0], [0], [1], [0, 0, 1, 1], [], []>, transpose_lhs_hint = false} : vector<2000x128xf32>, vector<128x256xf32>, vector<2000x256xf32> -> vector<2000x256xf32>
    %add3A_32 = arith.addf %add3A, %dot_general3A_31 : vector<2000x256xf32>
    %get3A_33 = arith.constant 1 : index
    %get3A_34 = arith.constant 0 : index
    %get3A_35 = arith.constant 0 : index
    %get3A_36 = vector.load %arg2[%get3A_33, %get3A_34, %get3A_35] : memref<2x2000x128xf32, #tpu.memory_space<vmem>>, vector<1x2000x128xf32>
    %get3A_37 = vector.shape_cast %get3A_36 : vector<1x2000x128xf32> to vector<2000x128xf32>
    %get3A_38 = arith.constant 128 : index
    %get3A_39 = arith.constant 0 : index
    %get3A_40 = vector.load %arg5[%get3A_38, %get3A_39] : memref<256x256xf32, #tpu.memory_space<vmem>>, vector<128x256xf32>
    %dot_general3A_41 = arith.constant dense<0.000000e+00> : vector<2000x256xf32>
    %dot_general3A_42 = tpu.matmul %get3A_37, %get3A_40, %dot_general3A_41 {dimension_numbers = #tpu.dot_dimension_numbers<[1], [0], [0], [1], [0, 0, 1, 1], [], []>, transpose_lhs_hint = false} : vector<2000x128xf32>, vector<128x256xf32>, vector<2000x256xf32> -> vector<2000x256xf32>
    %add3A_43 = arith.addf %add3A_32, %dot_general3A_42 : vector<2000x256xf32>
    %get3A_44 = arith.constant 0 : index
    %get3A_45 = arith.constant 0 : index
    %get3A_46 = vector.load %arg6[%get3A_44, %get3A_45] : memref<1x256xf32, #tpu.memory_space<vmem>>, vector<1x256xf32>
    %add3A_47 = vector.broadcast %get3A_46 : vector<1x256xf32> to vector<2000x256xf32>
    %add3A_48 = arith.addf %add3A_43, %add3A_47 : vector<2000x256xf32>
    %swap3A = arith.constant 0 : index
    %swap3A_49 = arith.constant 0 : index
    %swap3A_50 = vector.load %arg7[%swap3A, %swap3A_49] : memref<2000x256xf32, #tpu.memory_space<vmem>>, vector<2000x256xf32>
    tpu.vector_store %arg7[%swap3A, %swap3A_49], %add3A_48 {strides = array<i32>} : memref<2000x256xf32, #tpu.memory_space<vmem>>, vector<2000x256xf32>,
    return
  }
  func.func @transform_0(%arg0: i32) -> (i32, i32, i32) {
    %c0_i32 = arith.constant 0 : i32
    %c0_i32_0 = arith.constant 0 : i32
    %c0_i32_1 = arith.constant 0 : i32
    return %c0_i32, %arg0, %c0_i32_0 : i32, i32, i32
  }
  func.func @transform_1(%arg0: i32) -> (i32, i32, i32) {
    %c0_i32 = arith.constant 0 : i32
    %c0_i32_0 = arith.constant 0 : i32
    %c0_i32_1 = arith.constant 0 : i32
    return %c0_i32, %arg0, %c0_i32_0 : i32, i32, i32
  }
  func.func @transform_2(%arg0: i32) -> (i32, i32) {
    %c0_i32 = arith.constant 0 : i32
    %c0_i32_0 = arith.constant 0 : i32
    return %arg0, %c0_i32 : i32, i32
  }
  func.func @transform_3(%arg0: i32) -> (i32, i32) {
    %c0_i32 = arith.constant 0 : i32
    %c0_i32_0 = arith.constant 0 : i32
    %c0_i32_1 = arith.constant 0 : i32
    return %c0_i32, %c0_i32_0 : i32, i32
  }
  func.func @transform_4(%arg0: i32) -> (i32, i32) {
    %c0_i32 = arith.constant 0 : i32
    %c0_i32_0 = arith.constant 0 : i32
    %c0_i32_1 = arith.constant 0 : i32
    return %c0_i32, %c0_i32_0 : i32, i32
  }
  func.func @transform_5(%arg0: i32) -> (i32, i32) {
    %c0_i32 = arith.constant 0 : i32
    %c0_i32_0 = arith.constant 0 : i32
    %c0_i32_1 = arith.constant 0 : i32
    return %c0_i32, %c0_i32_0 : i32, i32
  }
  func.func @transform_6(%arg0: i32) -> (i32, i32) {
    %c0_i32 = arith.constant 0 : i32
    %c0_i32_0 = arith.constant 0 : i32
    return %arg0, %c0_i32 : i32, i32
  }
}

</mosaic_0001>

<sc_bundles>
// kernel: kernel.10.cloned.1.call-start
scs
__scs_entry_jumppad:
0x0: {  	(pc) =	sbr.rel $0x88, $3  }
0x1: {  	(tag) =	ssettag $0x0;
	lr =	simm.s32 $0x1  }
0x2: {  	[smem:$0x3F98] =	sst lr;
	_ =	strace $0xD0000000  }
0x3: {  	_ = 	snop  }
0x4: {  	_ = 	snop  }
0x5: {  	_ = 	snop  }
0x6: {  	_ = 	snop  }
0x7: {  	_ = 	snop  }
__scs_overlays_trampoline_lowered:
0x8: {  	[smem:$0x3FA7] =	sst s0  }
0x9: {  	[smem:$0x3FA8] =	sst s1  }
0xa: {  	[smem:$0x3FA9] =	sst s2  }
0xb: {  	[smem:$0x3FAA] =	sst s3  }
0xc: {  	[smem:$0x3FAB] =	sst s4  }
0xd: {  	[smem:$0x3FAC] =	sst s5  }
0xe: {  	[smem:$0x3FAD] =	sst s6  }
0xf: {  	[smem:$0x3FAE] =	sst s7  }
0x10: {  	[smem:$0x3FAF] =	sst s8  }
0x11: {  	[smem:$0x3FB0] =	sst s9;
	s0 =	simm.s32 @!p0 $0x0  }
0x12: {  	s1 =	sld [smem:$0x3F96];
	s0 =	simm.s32 @p0 $0x1  }
0x13: {  	[smem:$0x3FB1] =	sst s0;
	s0 =	simm.s32 @!p1 $0x0  }
0x14: {  	s2 =	sld [smem:$0x3F95];
	s0 =	simm.s32 @p1 $0x1  }
0x15: {  	[smem:$0x3FB2] =	sst s0;
	s0 =	simm.s32 @!p2 $0x0  }
0x16: {  	s3 =	sld [smem:$0x3FDB];
	s0 =	simm.s32 @p2 $0x1  }
0x17: {  	s4 =	simm.s32 $0x1BF5;
	[smem:$0x3FB4] =	sst s0  }
0x18: {  	s0 =	sld [smem:$0x3F97];
	_ =	swait.ge [sflag:s4], $0x0  }
0x19: {  	s7 =	sld [smem:$0x3F98]  }
0x1a: {  	s8 =	sadd.s32 $0xFFFFE003, lr  }
0x1b: {  	s9 =	sadd.s32 $0xFFFFFEF7, lr;
	s5 =	simm.s32 $0xFFFFFFFF;
	p2 =	slt.u32 s8, $0xFFFFF086  }
0x1c: {  	p1 =	slt.u32 s9, $0xF7A;
	s5 =	simm.s32 @!p2 $0x0  }
0x1d: {  	s5 =	simm.s32 @p1 $0x1;
	p0 =	seq.s32 s7, s2  }
0x1e: {  	s7 =	smul.u32 @!p0 $0xF7A, s2;
	p2 =	seq.s32 @!p0 s5, $0x0  }
0x1f: {  	s9 =	smul.u32 $0xF7A, s1;
	s8 =	simm.s32 @!p0 $0x1BF5;
	p2 =	por !p2, p0  }
0x20: {  	[sflag:s8] =	ssyncset.s32 @!p0 $0xFFFFF086;
	s6 =	sadd.s32 @!p0 s3, s7;
	s7 =	simm.s32 @!p0 $0x108  }
0x21: {  	s3 =	sadd.s32 s3, s9;
	s6 =	sadd.s32 @!p0 $0x88, s6;
	s7 =	simm.s32 @p2 $0x1082  }
0x22: {  	[simem:s7], [sflag:s8] =	dma.local @!p0 [hbm:s6], $0xF7A  }
0x23: {  	s9 =	sor.u32 $0xD0000000, s2;
	s6 =	simm.s32 $0x108;
	_ =	swait.ge @!p0 [sflag:s8], $0x0  }
0x24: {  	s3 =	sadd.s32 $0x88, s3;
	s6 =	simm.s32 @!p1 $0x1082;
	[sflag:s4] =	ssyncset.s32 $0xFFFFF086  }
0x25: {  	[simem:s6], [sflag:s4] =	dma.local [hbm:s3], $0xF7A  }
0x26: {  	[smem:$0x3F98] =	sst s1;
	(tag) =	ssettag s2;
	_ =	strace s9  }
0x27: {  	s1 =	sld [smem:$0x3FA8]  }
0x28: {  	s2 =	sld [smem:$0x3FA9]  }
0x29: {  	s4 =	sld [smem:$0x3FAB]  }
0x2a: {  	p0 =	seq.s32 s5, $0x0;
	s5 =	sld [smem:$0x3FAC]  }
0x2b: {  	s6 =	sld [smem:$0x3FAD]  }
0x2c: {  	s7 =	sld [smem:$0x3FAE]  }
0x2d: {  	s3 =	simm.s32 $0x108;
	s8 =	sld [smem:$0x3FAF]  }
0x2e: {  	s3 =	simm.s32 @!p0 $0x1082;
	s9 =	sld [smem:$0x3FB0]  }
0x2f: {  	lr =	sadd.s32 s0, s3;
	s0 =	sld [smem:$0x3FA7]  }
0x30: {  	s3 =	sld [smem:$0x3FAA]  }
0x31: {  	[smem:$0x3FB3] =	sst s10  }
0x32: {  	s10 =	sld [smem:$0x3FB1];
	_ =	sdelay $0x3  }
0x33: {  	p0 =	seq.s32 s10, $0x1;
	s10 =	sld [smem:$0x3FB3];
	_ =	sdelay $0x3  }
0x34: {  	[smem:$0x3FB3] =	sst s10  }
0x35: {  	s10 =	sld [smem:$0x3FB2];
	_ =	sdelay $0x3  }
0x36: {  	p1 =	seq.s32 s10, $0x1;
	s10 =	sld [smem:$0x3FB3];
	_ =	sdelay $0x3  }
0x37: {  	[smem:$0x3FB3] =	sst s10  }
0x38: {  	s10 =	sld [smem:$0x3FB4]  }
0x39: {  	_ = 	snop;
	(pc) =	sbr.ind lr, $3  }
0x3a: {  	_ = 	snop  }
0x3b: {  	_ = 	snop  }
0x3c: {  	p2 =	seq.s32 s10, $0x1;
	s10 =	sld [smem:$0x3FB3]  }
0x3d: {  	_ =	shalt  }
0x3e: {  	_ =	shalt  }
0x3f: {  	_ =	shalt  }
0x40: {  	_ =	shalt  }
0x41: {  	_ =	shalt  }
0x42: {  	_ =	shalt  }
0x43: {  	_ =	shalt  }
0x44: {  	_ =	shalt  }
0x45: {  	_ =	shalt  }
0x46: {  	_ =	shalt  }
0x47: {  	_ =	shalt  }
0x48: {  	_ =	shalt  }
0x49: {  	_ =	shalt  }
0x4a: {  	_ =	shalt  }
0x4b: {  	_ =	shalt  }
0x4c: {  	_ =	shalt  }
0x4d: {  	_ =	shalt  }
0x4e: {  	_ =	shalt  }
0x4f: {  	_ =	shalt  }
0x50: {  	_ =	shalt  }
0x51: {  	_ =	shalt  }
0x52: {  	_ =	shalt  }
0x53: {  	_ =	shalt  }
0x54: {  	_ =	shalt  }
0x55: {  	_ =	shalt  }
0x56: {  	_ =	shalt  }
0x57: {  	_ =	shalt  }
0x58: {  	_ =	shalt  }
0x59: {  	_ =	shalt  }
0x5a: {  	_ =	shalt  }
0x5b: {  	_ =	shalt  }
0x5c: {  	_ =	shalt  }
0x5d: {  	_ =	shalt  }
0x5e: {  	_ =	shalt  }
0x5f: {  	_ =	shalt  }
0x60: {  	_ =	shalt  }
0x61: {  	_ =	shalt  }
0x62: {  	_ =	shalt  }
0x63: {  	_ =	shalt  }
0x64: {  	_ =	shalt  }
0x65: {  	_ =	shalt  }
0x66: {  	_ =	shalt  }
0x67: {  	_ =	shalt  }
0x68: {  	_ =	shalt  }
0x69: {  	_ =	shalt  }
0x6a: {  	_ =	shalt  }
0x6b: {  	_ =	shalt  }
0x6c: {  	_ =	shalt  }
0x6d: {  	_ =	shalt  }
0x6e: {  	_ =	shalt  }
0x6f: {  	_ =	shalt  }
0x70: {  	_ =	shalt  }
0x71: {  	_ =	shalt  }
0x72: {  	_ =	shalt  }
0x73: {  	_ =	shalt  }
0x74: {  	_ =	shalt  }
0x75: {  	_ =	shalt  }
0x76: {  	_ =	shalt  }
0x77: {  	_ =	shalt  }
0x78: {  	_ =	shalt  }
0x79: {  	_ =	shalt  }
0x7a: {  	_ =	shalt  }
0x7b: {  	_ =	shalt  }
0x7c: {  	_ =	shalt  }
0x7d: {  	_ =	shalt  }
0x7e: {  	_ =	shalt  }
0x7f: {  	_ =	shalt  }
0x80: {  	_ =	shalt  }
0x81: {  	_ =	shalt  }
0x82: {  	_ =	shalt  }
0x83: {  	_ =	shalt  }
0x84: {  	_ =	shalt  }
0x85: {  	_ =	shalt  }
0x86: {  	_ =	shalt  }
0x87: {  	_ =	shalt  }
.Lfunc_end0:
.L_simem_size_0:
called_computation_lowered:
.L_overlay_start_0:
0x88: {  	s2 =	sld [smem:$0x3FD9]  }
0x89: {  	s3 =	sld [smem:$0x3FFE];
	_ =	sdelay $0x1  }
0x8a: {  	s1 =	srdreg.scid  }
0x8b: {  	s0 =	sand.u32 $0x1, s1  }
0x8c: {  	s16 =	sshll.u32 s0, $0xA;
	s2 =	sadd.s32 s3, s2  }
0x8d: {  	s2 =	sadd.s32 s2, s16  }
0x8e: {  	[smem:$0x3FBF] =	sst s2  }
0x8f: {  	_ = 	snop  }
0x90: {  	(tm) =	ssettm $0x1  }
0x91: {  	s17 =	sld [smem:$0x3FFB];
	_ =	sdelay $0x3  }
0x92: {  	_ =	strace s17  }
0x93: {  	s2 =	sld [smem:$0x3FFC];
	_ =	sdelay $0x3  }
0x94: {  	_ =	strace s2  }
0x95: {  	s2 =	sld [smem:$0x3FFD];
	_ =	sdelay $0x3  }
0x96: {  	_ =	strace s2  }
0x97: {  	_ =	strace $0x8FFFFFFF  }
0x98: {  	s18 =	sld [smem:$0x3FDB];
	_ =	sdelay $0x1  }
0x99: {  	s19 =	simm.s32 $_scs_section_size  }
0x9a: {  	s4 =	simm.s32 $_size__tile_overlayer_lowered;
	s5 =	simm.s32 $_tile_overlayer_lowered  }
0x9b: {  	s22 =	simm.s32 $0x1BFF;
	s21 =	sshll.u32 s5, $0x1;
	s2 =	sadd.s32 s19, s18  }
0x9c: {  	s6 =	simm.s32 $0x0;
	s20 =	sshll.u32 s4, $0x1;
	s4 =	sadd.s32 s21, s2  }
0x9d: {  	[timem:s6], [sflag:s22] =	dma.local [hbm:s4], s20  }
0x9e: {  	_ =	swait.ge [sflag:s22], s20  }
0x9f: {  	s3 =	ssub.s32 $0x0, s20;
	[sflag:s22] =	ssyncset.done $0x0  }
0xa0: {  	[sflag:s22] =	ssyncadd.s32 s3;
	_ =	sdelay $0x1  }
0xa1: {  	s23 =	simm.s32 $0x1B8B  }
0xa2: {  	_ =	swait.ge [sflag:s23], $0x1  }
0xa3: {  	[sflag:s23] =	ssyncset.done $0x0  }
0xa4: {  	s25 =	simm.s32 $0x1B8E;
	s24 =	sld [smem:$0x3FFE];
	[sflag:s23] =	ssyncadd.s32 $0xFFFFFFFF  }
0xa5: {  	s26 =	simm.s32 $execute0_lowered;
	[smem:$0x3FD2] =	sst s25  }
0xa6: {  	s4 =	sshll.u32 s26, $0x1;
	_ =	strace $0x80000046;
	[dreg:$0x1] =	wrdreg $0xFFFFFFFF  }
0xa7: {  	s28 =	simm.s32 $_size_execute0_lowered;
	s2 =	sadd.s32 s2, s4;
	[dreg:$0x0] =	wrdreg $0x0  }
0xa8: {  	s4 =	sshll.u32 s28, $0x1;
	[dreg:$0x2] =	wrdreg s2  }
0xa9: {  	[dreg:$0x3] =	wrdreg s4  }
0xaa: {  	[dreg:$0x4] =	wrdreg $0xC0  }
0xab: {  	_ =	task [dreg:s6], $0x5FFFF  }
0xac: {  	[dreg:$0x1] =	wrdreg $0xFFFFFFFF  }
0xad: {  	[dreg:$0x0] =	wrdreg $0x60  }
0xae: {  	[dreg:$0x2] =	wrdreg s24  }
0xaf: {  	[dreg:$0x3] =	wrdreg $0x3800  }
0xb0: {  	[dreg:$0x4] =	wrdreg $0x9  }
0xb1: {  	_ =	task.clear_ibuf [dreg:s6], $0x5FFFF;
	_ =	strace $0x90000046  }
0xb2: {  	s29 =	simm.s32 $0x9;
	_ =	strace $0x80000048  }
0xb3: {  	_ =	swait.ge [sflag:s29], $0x1  }
0xb4: {  	[sflag:s29] =	ssyncadd.s32 $0xFFFFFFFF  }
0xb5: {  	_ =	strace $0x90000048  }
0xb6: {  	_ =	sfence  }
0xb7: {  	s30 =	sld [smem:$0x0];
	_ =	sdelay $0x2  }
0xb8: {  	s31 =	sshll.u32 s1, $0xD;
	s1 =	sshrl.u32 s1, $0x2  }
0xb9: {  	s3 =	sand.u32 $0x4000, s31;
	s1 =	sadd.s32 s1, s30  }
0xba: {  	s0 =	sor.u32 s3, s0;
	s1 =	sshll.u32 s1, $0x11  }
0xbb: {  	s0 =	sor.u32 s1, s0  }
0xbc: {  	s0 =	sadd.s32 $0x8F2B, s0  }
0xbd: {  	[sflag:s0] =	ssyncadd.remote.s32 $0x1  }
0xbe: {  	_ =	sfence.sel $0xFFFF  }
0xbf: {  	[dreg:$0x0] =	wrdreg $0xFFFFFFFF;
	(pc) =	sbr.abs _section_cstart, $3  }
0xc0: {  	[dreg:$0x1] =	wrdreg $0xFFFFFFFF  }
0xc1: {  	_ =	task.clear_ibuf [dreg:s6], $0x2FFFF;
	_ =	strace $0x9FFFFFFF  }
0xc2: {  	(tm) =	ssettm $0x7FFFFFFF  }
0xc3: {  	_ =	shalt  }
tec
execute0_lowered:
.L_overlay_start_1:
0x0: {  	(tag) =	ssettag $0x1  }
0x1: {  	s4 =	rddreg [dreg:$0x0]  }
0x2: {  	s2 =	rddreg [dreg:$0x1]  }
0x3: {  	s0 =	rddreg [dreg:$0x2]  }
0x4: {  	s1 =	stileid.u32;
	s5 =	srdreg.scid  }
0x5: {  	s3 =	simm.s32 $0x0;
	s6 =	smul.u32 $0x280, s1;
	s11 =	sand.u32 $0x1, s5  }
0x6: {  	[smem:$0x7FF] =	sst s3;
	s30 =	smul.u32 $0xA00, s1;
	s7 =	ssub.s32 $0x2, s11  }
0x7: {  	_ =	strace $0x80000047;
	p0 =	sne.s32 s11, $0x0;
	s11 =	simm.s32 $0x0  }
0x8: {  	s8 =	sshrl.u32 s6, $0x3;
	s9 =	sshrl.u32 s7, $0x1;
	s10 =	sadd.s32 s30, s4  }
0x9: {  	s31 =	sadd.s32 s8, s4;
	s7 =	ssub.s32 s7, s9;
	s4 =	sadd.s32 s6, s2  }
0xa: {  	s8 =	simm.s32 $0x100;
	s9 =	simm.s32 $0x1;
	s5 =	sadd.s32 $0x17800, s31  }
0xb: {  	v0 =	vimm.f32 $0.0e+00;
	v1 =	vimm.f32 $1.000000000e+00;
	s6 =	smax.u32 s7, $0x1;
	s7 =	sadd.s32 $0x3800, s10;
	s10 =	simm.s32 $0x80  }
.LBB2_1:
0xc: {  	s12 =	simm.s32 $0x10;
	[tilespmem:s8+$0x0] =	vst v0;
	s14 =	sand.u32 $0x70, s3;
	s13 =	simm.s32 $0x100  }
.LBB2_2:
0xd: {  	p1 =	sne.s32 s12, $0x270  }
0xe: {  	[tilespmem:s14+$0x80] =	vst v1;
	s13 =	sadd.s32 $0x10, s13;
	s14 =	smov.u32 s12;
	s12 =	sadd.s32 $0x10, s12  }
.Ltmp0:
0xf: {  	(pc) =	sbr.rel @p1 .LBB2_2-.Ltmp0, $2  }
0x10: {  	_ =	sdelay $0x2  }
0x11: {  	s14 =	sand.u32 $0x70, s14;
	[tilespmem:s13+$0x0] =	vst v0  }
0x12: {  	[tilespmem:s14+$0x80] =	vst v1  }
0x13: {  	[spmem:s4] =	stream.linear.scatter [tilespmem:s8], [sflag:$0x1], $0x280, $0x38;
	[tilespmem:$0x600] =	vst v63  }
0x14: {  	_ =	swait.ge [sflag:s9], $0x280  }
0x15: {  	[sflag:s9] =	ssyncset.done $0x0  }
0x16: {  	[sflag:s9] =	ssyncadd.s32 $0xFFFFFD80  }
0x17: {  	s12 =	sadd.s32 $0x0, s7;
	[bflag:$0x0] =	sbarrier.arrive $0xFFFF  }
0x18: {  	[tilespmem:s3], [sflag:$0x1] =	stream.linear.gather [hbm4b:s12+s3], $0x80, $0x38;
	[tilespmem:$0x600] =	vst v63  }
0x19: {  	_ =	swait.ge [sflag:s9], $0x80  }
0x1a: {  	[sflag:s9] =	ssyncset.done $0x0  }
0x1b: {  	[sflag:s9] =	ssyncadd.s32 $0xFFFFFF80  }
0x1c: {  	[spmem:s2] =	stream.indirect.scatter.add.f32 [tilespmem:s10], [sflag:$0x1], $0x1, s3, s10, $0xb8;
	[tilespmem:$0x600] =	vst v63  }
0x1d: {  	_ =	swait.ge [sflag:s9], $0x80  }
0x1e: {  	s13 =	simm.s32 $0x20;
	s12 =	simm.s32 $0x10;
	[sflag:s9] =	ssyncset.done $0x0  }
.LBB2_4:
0x1f: {  	s14 =	sadd.s32 s12, s7  }
0x20: {  	[sflag:s9] =	ssyncadd.s32 $0xFFFFFF80;
	s12 =	smov.u32 s13;
	s15 =	sadd.s32 $0x10, s13  }
0x21: {  	[tilespmem:s3], [sflag:$0x1] =	stream.linear.gather [hbm4b:s14+s3], $0x80, $0x38;
	[tilespmem:$0x600] =	vst v63  }
0x22: {  	p1 =	sne.s32 s13, $0x9F0;
	_ =	swait.ge [sflag:s9], $0x80  }
.Ltmp1:
0x23: {  	[sflag:s9] =	ssyncset.done $0x0;
	(pc) =	sbr.rel @p1 .LBB2_4-.Ltmp1, $4  }
0x24: {  	[sflag:s9] =	ssyncadd.s32 $0xFFFFFF80  }
0x25: {  	[spmem:s2] =	stream.indirect.scatter.add.f32 [tilespmem:s10], [sflag:$0x1], $0x1, s3, s10, $0xb8;
	[tilespmem:$0x600] =	vst v63  }
0x26: {  	_ =	swait.ge [sflag:s9], $0x80  }
0x27: {  	s13 =	smov.u32 s15;
	[sflag:s9] =	ssyncset.done $0x0  }
0x28: {  	s12 =	sadd.s32 s12, s7;
	[sflag:s9] =	ssyncadd.s32 $0xFFFFFF80  }
0x29: {  	[tilespmem:s3], [sflag:$0x1] =	stream.linear.gather [hbm4b:s12+s3], $0x80, $0x38;
	[tilespmem:$0x600] =	vst v63  }
0x2a: {  	_ =	swait.ge [sflag:s9], $0x80  }
0x2b: {  	[sflag:s9] =	ssyncset.done $0x0  }
0x2c: {  	[sflag:s9] =	ssyncadd.s32 $0xFFFFFF80  }
0x2d: {  	[spmem:s2] =	stream.indirect.scatter.add.f32 [tilespmem:s10], [sflag:$0x1], $0x1, s3, s10, $0xb8;
	[tilespmem:$0x600] =	vst v63  }
0x2e: {  	_ =	swait.ge [sflag:s9], $0x80  }
0x2f: {  	[sflag:s9] =	ssyncset.done $0x0  }
0x30: {  	[sflag:s9] =	ssyncadd.s32 $0xFFFFFF80  }
0x31: {  	[bflag:$0x0] =	sbarrier.arrive $0xFFFF  }
0x32: {  	[tilespmem:s8], [sflag:$0x1] =	stream.linear.gather [spmem:s4], $0x280, $0x38;
	[tilespmem:$0x600] =	vst v63  }
0x33: {  	_ =	swait.ge [sflag:s9], $0x280  }
0x34: {  	[sflag:s9] =	ssyncset.done $0x0  }
0x35: {  	s13 =	simm.s32 $0x40;
	s12 =	simm.s32 $0x0;
	[sflag:s9] =	ssyncadd.s32 $0xFFFFFD80  }
.LBB2_6:
0x36: {  	p1 =	sne.s32 s13, $0x9C0;
	v2 =	vld [tilespmem:s12+$0x100];
	_ =	sdelay $0x4  }
0x37: {  	v2 =	vmax.f32 v2, $1.000000000e+00  }
0x38: {  	(erf) = vrcp.f32 v2;
	_ =	sdelay $0x5  }
.Ltmp2:
0x39: {  	(pc) =	sbr.rel @p1 .LBB2_6-.Ltmp2, $3  }
0x3a: {  	_ =	sdelay $0x1  }
0x3b: {  	v2 =	vpop (erf)  }
0x3c: {  	[tilespmem:s12+$0x100] =	vst v2;
	s12 =	sshra.s32 s13, $0x2;
	s13 =	sadd.s32 $0x40, s13  }
0x3d: {  	v2 =	vld [tilespmem:s12+$0x100];
	_ =	sdelay $0x4  }
0x3e: {  	v2 =	vmax.f32 v2, $1.000000000e+00  }
0x3f: {  	(erf) = vrcp.f32 v2;
	_ =	sdelay $0x8  }
0x40: {  	s11 =	sadd.s32 $0x1, s11;
	v2 =	vpop (erf)  }
0x41: {  	s13 =	simm.s32 @!p0 $0x100;
	p1 =	sne.s32 s11, s6;
	[tilespmem:s12+$0x100] =	vst v2;
	s12 =	simm.s32 @!p0 $0x0  }
0x42: {  	[hbm4b:s5+s12] =	stream.linear.scatter @!p0 [tilespmem:s13], [sflag:$0x1], $0x280, $0x38;
	[tilespmem:$0x600] =	vst v63  }
.Ltmp3:
0x43: {  	_ = 	snop;
	(pc) =	sbr.rel @p1 .LBB2_1-.Ltmp3, $4  }
0x44: {  	s12 =	simm.s32 @!p0 $0x1  }
0x45: {  	_ =	swait.ge @!p0 [sflag:s12], $0x280  }
0x46: {  	[sflag:s12] =	ssyncset.done @!p0 $0x0  }
0x47: {  	[sflag:s12] =	ssyncadd.s32 @!p0 $0xFFFFFD80  }
0x48: {  	_ =	sfence.sel $0x180000  }
0x49: {  	[bflag:$0x0] =	sbarrier.arrive $0xFFFF  }
0x4a: {  	p0 =	sne.s32 s1, $0x0;
	_ =	strace $0x90000047  }
0x4b: {  	s0 =	sadd.s32 @!p0 $0x100000, s0;
	[bflag:$0x2] =	sbarrier.arrive $0xFFFF  }
0x4c: {  	[sflag:s0] =	ssyncadd.tile.s32 @!p0 $0x1;
	_ =	shalt  }
.Lfunc_end2:
_tile_overlayer_lowered:
.L_overlay_start_2:
0x4d: {  	(tag) =	ssettag $0x2  }
0x4e: {  	s0 =	rddreg [dreg:$0x0];
	s2 =	stileid.u32  }
0x4f: {  	s1 =	rddreg [dreg:$0x1];
	p0 =	sne.s32 s2, $0x0  }
0x50: {  	s3 =	rddreg [dreg:$0x2];
	[bflag:$0x3] =	sbarrier.arrive $0xFFFF;
	s2 =	simm.s32 @!p0 $0x1C01  }
0x51: {  	[timem:s3], [sflag:s2] =	dma.local @!p0 [hbm:s0], s1  }
0x52: {  	s0 =	simm.s32 @!p0 $0x1  }
0x53: {  	_ =	swait.ge @!p0 [sflag:s0], s1  }
0x54: {  	s1 =	ssub.s32 @!p0 $0x0, s1;
	[sflag:s0] =	ssyncset.done @!p0 $0x0  }
0x55: {  	[sflag:s0] =	ssyncadd.s32 @!p0 s1  }
0x56: {  	[bflag:$0x3] =	sbarrier.arrive $0xFFFF  }
0x57: {  	_ =	shalt  }

// kernel: kernel.13.cloned.1.call-start
scs
__scs_entry_jumppad:
0x0: {  	(pc) =	sbr.rel $0x88, $3  }
0x1: {  	(tag) =	ssettag $0x0;
	lr =	simm.s32 $0x1  }
0x2: {  	[smem:$0x3F98] =	sst lr;
	_ =	strace $0xD0000000  }
0x3: {  	_ = 	snop  }
0x4: {  	_ = 	snop  }
0x5: {  	_ = 	snop  }
0x6: {  	_ = 	snop  }
0x7: {  	_ = 	snop  }
__scs_overlays_trampoline_lowered:
0x8: {  	[smem:$0x3FA7] =	sst s0  }
0x9: {  	[smem:$0x3FA8] =	sst s1  }
0xa: {  	[smem:$0x3FA9] =	sst s2  }
0xb: {  	[smem:$0x3FAA] =	sst s3  }
0xc: {  	[smem:$0x3FAB] =	sst s4  }
0xd: {  	[smem:$0x3FAC] =	sst s5  }
0xe: {  	[smem:$0x3FAD] =	sst s6  }
0xf: {  	[smem:$0x3FAE] =	sst s7  }
0x10: {  	[smem:$0x3FAF] =	sst s8  }
0x11: {  	[smem:$0x3FB0] =	sst s9;
	s0 =	simm.s32 @!p0 $0x0  }
0x12: {  	s1 =	sld [smem:$0x3F96];
	s0 =	simm.s32 @p0 $0x1  }
0x13: {  	[smem:$0x3FB1] =	sst s0;
	s0 =	simm.s32 @!p1 $0x0  }
0x14: {  	s2 =	sld [smem:$0x3F95];
	s0 =	simm.s32 @p1 $0x1  }
0x15: {  	[smem:$0x3FB2] =	sst s0;
	s0 =	simm.s32 @!p2 $0x0  }
0x16: {  	s3 =	sld [smem:$0x3FDB];
	s0 =	simm.s32 @p2 $0x1  }
0x17: {  	s4 =	simm.s32 $0x1BF5;
	[smem:$0x3FB4] =	sst s0  }
0x18: {  	s0 =	sld [smem:$0x3F97];
	_ =	swait.ge [sflag:s4], $0x0  }
0x19: {  	s7 =	sld [smem:$0x3F98]  }
0x1a: {  	s8 =	sadd.s32 $0xFFFFE003, lr  }
0x1b: {  	s9 =	sadd.s32 $0xFFFFFEF7, lr;
	s5 =	simm.s32 $0xFFFFFFFF;
	p2 =	slt.u32 s8, $0xFFFFF086  }
0x1c: {  	p1 =	slt.u32 s9, $0xF7A;
	s5 =	simm.s32 @!p2 $0x0  }
0x1d: {  	s5 =	simm.s32 @p1 $0x1;
	p0 =	seq.s32 s7, s2  }
0x1e: {  	s7 =	smul.u32 @!p0 $0xF7A, s2;
	p2 =	seq.s32 @!p0 s5, $0x0  }
0x1f: {  	s9 =	smul.u32 $0xF7A, s1;
	s8 =	simm.s32 @!p0 $0x1BF5;
	p2 =	por !p2, p0  }
0x20: {  	[sflag:s8] =	ssyncset.s32 @!p0 $0xFFFFF086;
	s6 =	sadd.s32 @!p0 s3, s7;
	s7 =	simm.s32 @!p0 $0x108  }
0x21: {  	s3 =	sadd.s32 s3, s9;
	s6 =	sadd.s32 @!p0 $0x88, s6;
	s7 =	simm.s32 @p2 $0x1082  }
0x22: {  	[simem:s7], [sflag:s8] =	dma.local @!p0 [hbm:s6], $0xF7A  }
0x23: {  	s9 =	sor.u32 $0xD0000000, s2;
	s6 =	simm.s32 $0x108;
	_ =	swait.ge @!p0 [sflag:s8], $0x0  }
0x24: {  	s3 =	sadd.s32 $0x88, s3;
	s6 =	simm.s32 @!p1 $0x1082;
	[sflag:s4] =	ssyncset.s32 $0xFFFFF086  }
0x25: {  	[simem:s6], [sflag:s4] =	dma.local [hbm:s3], $0xF7A  }
0x26: {  	[smem:$0x3F98] =	sst s1;
	(tag) =	ssettag s2;
	_ =	strace s9  }
0x27: {  	s1 =	sld [smem:$0x3FA8]  }
0x28: {  	s2 =	sld [smem:$0x3FA9]  }
0x29: {  	s4 =	sld [smem:$0x3FAB]  }
0x2a: {  	p0 =	seq.s32 s5, $0x0;
	s5 =	sld [smem:$0x3FAC]  }
0x2b: {  	s6 =	sld [smem:$0x3FAD]  }
0x2c: {  	s7 =	sld [smem:$0x3FAE]  }
0x2d: {  	s3 =	simm.s32 $0x108;
	s8 =	sld [smem:$0x3FAF]  }
0x2e: {  	s3 =	simm.s32 @!p0 $0x1082;
	s9 =	sld [smem:$0x3FB0]  }
0x2f: {  	lr =	sadd.s32 s0, s3;
	s0 =	sld [smem:$0x3FA7]  }
0x30: {  	s3 =	sld [smem:$0x3FAA]  }
0x31: {  	[smem:$0x3FB3] =	sst s10  }
0x32: {  	s10 =	sld [smem:$0x3FB1];
	_ =	sdelay $0x3  }
0x33: {  	p0 =	seq.s32 s10, $0x1;
	s10 =	sld [smem:$0x3FB3];
	_ =	sdelay $0x3  }
0x34: {  	[smem:$0x3FB3] =	sst s10  }
0x35: {  	s10 =	sld [smem:$0x3FB2];
	_ =	sdelay $0x3  }
0x36: {  	p1 =	seq.s32 s10, $0x1;
	s10 =	sld [smem:$0x3FB3];
	_ =	sdelay $0x3  }
0x37: {  	[smem:$0x3FB3] =	sst s10  }
0x38: {  	s10 =	sld [smem:$0x3FB4]  }
0x39: {  	_ = 	snop;
	(pc) =	sbr.ind lr, $3  }
0x3a: {  	_ = 	snop  }
0x3b: {  	_ = 	snop  }
0x3c: {  	p2 =	seq.s32 s10, $0x1;
	s10 =	sld [smem:$0x3FB3]  }
0x3d: {  	_ =	shalt  }
0x3e: {  	_ =	shalt  }
0x3f: {  	_ =	shalt  }
0x40: {  	_ =	shalt  }
0x41: {  	_ =	shalt  }
0x42: {  	_ =	shalt  }
0x43: {  	_ =	shalt  }
0x44: {  	_ =	shalt  }
0x45: {  	_ =	shalt  }
0x46: {  	_ =	shalt  }
0x47: {  	_ =	shalt  }
0x48: {  	_ =	shalt  }
0x49: {  	_ =	shalt  }
0x4a: {  	_ =	shalt  }
0x4b: {  	_ =	shalt  }
0x4c: {  	_ =	shalt  }
0x4d: {  	_ =	shalt  }
0x4e: {  	_ =	shalt  }
0x4f: {  	_ =	shalt  }
0x50: {  	_ =	shalt  }
0x51: {  	_ =	shalt  }
0x52: {  	_ =	shalt  }
0x53: {  	_ =	shalt  }
0x54: {  	_ =	shalt  }
0x55: {  	_ =	shalt  }
0x56: {  	_ =	shalt  }
0x57: {  	_ =	shalt  }
0x58: {  	_ =	shalt  }
0x59: {  	_ =	shalt  }
0x5a: {  	_ =	shalt  }
0x5b: {  	_ =	shalt  }
0x5c: {  	_ =	shalt  }
0x5d: {  	_ =	shalt  }
0x5e: {  	_ =	shalt  }
0x5f: {  	_ =	shalt  }
0x60: {  	_ =	shalt  }
0x61: {  	_ =	shalt  }
0x62: {  	_ =	shalt  }
0x63: {  	_ =	shalt  }
0x64: {  	_ =	shalt  }
0x65: {  	_ =	shalt  }
0x66: {  	_ =	shalt  }
0x67: {  	_ =	shalt  }
0x68: {  	_ =	shalt  }
0x69: {  	_ =	shalt  }
0x6a: {  	_ =	shalt  }
0x6b: {  	_ =	shalt  }
0x6c: {  	_ =	shalt  }
0x6d: {  	_ =	shalt  }
0x6e: {  	_ =	shalt  }
0x6f: {  	_ =	shalt  }
0x70: {  	_ =	shalt  }
0x71: {  	_ =	shalt  }
0x72: {  	_ =	shalt  }
0x73: {  	_ =	shalt  }
0x74: {  	_ =	shalt  }
0x75: {  	_ =	shalt  }
0x76: {  	_ =	shalt  }
0x77: {  	_ =	shalt  }
0x78: {  	_ =	shalt  }
0x79: {  	_ =	shalt  }
0x7a: {  	_ =	shalt  }
0x7b: {  	_ =	shalt  }
0x7c: {  	_ =	shalt  }
0x7d: {  	_ =	shalt  }
0x7e: {  	_ =	shalt  }
0x7f: {  	_ =	shalt  }
0x80: {  	_ =	shalt  }
0x81: {  	_ =	shalt  }
0x82: {  	_ =	shalt  }
0x83: {  	_ =	shalt  }
0x84: {  	_ =	shalt  }
0x85: {  	_ =	shalt  }
0x86: {  	_ =	shalt  }
0x87: {  	_ =	shalt  }
.Lfunc_end0:
.L_simem_size_0:
called_computation.1_lowered:
.L_overlay_start_0:
0x88: {  	s2 =	sld [smem:$0x3FD9]  }
0x89: {  	s3 =	sld [smem:$0x3FFE];
	_ =	sdelay $0x1  }
0x8a: {  	s1 =	srdreg.scid  }
0x8b: {  	s0 =	sand.u32 $0x1, s1  }
0x8c: {  	s17 =	sshll.u32 s0, $0xA;
	s2 =	sadd.s32 s3, s2  }
0x8d: {  	s2 =	sadd.s32 s2, s17  }
0x8e: {  	[smem:$0x3FBF] =	sst s2  }
0x8f: {  	_ = 	snop  }
0x90: {  	s18 =	sld [smem:$0x3FD0];
	(tm) =	ssettm $0x1  }
0x91: {  	s19 =	sld [smem:$0x3FFB];
	_ =	sdelay $0x3  }
0x92: {  	_ =	strace s19  }
0x93: {  	s2 =	sld [smem:$0x3FFC];
	_ =	sdelay $0x3  }
0x94: {  	_ =	strace s2  }
0x95: {  	s2 =	sld [smem:$0x3FFD];
	_ =	sdelay $0x3  }
0x96: {  	_ =	strace s2  }
0x97: {  	_ =	strace $0x8FFFFFFF  }
0x98: {  	s20 =	sld [smem:$0x3FDB];
	_ =	sdelay $0x1  }
0x99: {  	s4 =	simm.s32 $_scs_section_size  }
0x9a: {  	s5 =	simm.s32 $_size__tile_overlayer_lowered;
	s6 =	simm.s32 $_tile_overlayer_lowered  }
0x9b: {  	s7 =	simm.s32 $0x1BFF;
	s21 =	sshll.u32 s6, $0x1;
	s4 =	sadd.s32 s4, s20  }
0x9c: {  	s22 =	simm.s32 $0x0;
	s5 =	sshll.u32 s5, $0x1;
	s6 =	sadd.s32 s21, s4  }
0x9d: {  	[timem:s22], [sflag:s7] =	dma.local [hbm:s6], s5  }
0x9e: {  	_ =	swait.ge [sflag:s7], s5  }
0x9f: {  	s5 =	ssub.s32 $0x0, s5;
	[sflag:s7] =	ssyncset.done $0x0  }
0xa0: {  	[sflag:s7] =	ssyncadd.s32 s5;
	_ =	sdelay $0x1  }
0xa1: {  	s23 =	simm.s32 $0x1B8B  }
0xa2: {  	_ =	swait.ge [sflag:s23], $0x1  }
0xa3: {  	[sflag:s23] =	ssyncset.done $0x0  }
0xa4: {  	[sflag:s23] =	ssyncadd.s32 $0xFFFFFFFF  }
0xa5: {  	s5 =	sld [smem:$0x0]  }
0xa6: {  	s6 =	sand.u32 $0xFFFFFFFE, s1  }
0xa7: {  	p0 =	sne.s32 s1, s6  }
0xa8: {  	s6 =	sshll.u32 @p0 s6, $0xE  }
0xa9: {  	s6 =	sadd.s32 @p0 $0x11B8D, s6;
	s7 =	sshll.u32 @p0 s5, $0x11  }
0xaa: {  	s6 =	sor.u32 @p0 s7, s6  }
0xab: {  	[sflag:s6] =	ssyncadd.remote.s32 @p0 $0x1;
	_ =	sdelay $0x1  }
0xac: {  	s6 =	simm.s32 @p0 $0x1B8D  }
0xad: {  	_ =	swait.eq @p0 [sflag:s6], $0x1  }
0xae: {  	[sflag:s6] =	ssyncadd.s32 @p0 $0xFFFFFFFF  }
0xaf: {  	s7 =	sshll.u32 @!p0 s1, $0xE  }
0xb0: {  	s7 =	sor.u32 @!p0 $0x4000, s7;
	s6 =	simm.s32 @!p0 $0x1B8D  }
0xb1: {  	s5 =	sshll.u32 @!p0 s5, $0x11;
	s7 =	sadd.s32 @!p0 $0x11B8D, s7;
	_ =	swait.eq @!p0 [sflag:s6], $0x1  }
0xb2: {  	s5 =	sor.u32 @!p0 s5, s7;
	[sflag:s6] =	ssyncadd.s32 @!p0 $0xFFFFFFFF  }
0xb3: {  	s25 =	simm.s32 $0x1B8E;
	s24 =	sld [smem:$0x3FFE];
	[sflag:s5] =	ssyncadd.remote.s32 @!p0 $0x1  }
0xb4: {  	s26 =	simm.s32 $execute0_lowered;
	[smem:$0x3FD2] =	sst s25  }
0xb5: {  	s6 =	sshll.u32 s26, $0x1;
	_ =	strace $0x80000049;
	[dreg:$0x1] =	wrdreg $0xFFFFFFFF  }
0xb6: {  	s28 =	simm.s32 $_size_execute0_lowered;
	s4 =	sadd.s32 s4, s6;
	[dreg:$0x0] =	wrdreg $0x0  }
0xb7: {  	s6 =	sshll.u32 s28, $0x1;
	[dreg:$0x2] =	wrdreg s4  }
0xb8: {  	[dreg:$0x3] =	wrdreg s6  }
0xb9: {  	[dreg:$0x4] =	wrdreg $0xC0  }
0xba: {  	_ =	task [dreg:s22], $0x5FFFF  }
0xbb: {  	[dreg:$0x1] =	wrdreg $0xFFFFFFFF  }
0xbc: {  	[dreg:$0x0] =	wrdreg $0x60  }
0xbd: {  	[dreg:$0x2] =	wrdreg s18  }
0xbe: {  	[dreg:$0x3] =	wrdreg s24  }
0xbf: {  	[dreg:$0x4] =	wrdreg $0x82000  }
0xc0: {  	[dreg:$0x5] =	wrdreg $0xA  }
0xc1: {  	_ =	task.clear_ibuf [dreg:s22], $0x6FFFF;
	_ =	strace $0x90000049  }
0xc2: {  	s29 =	simm.s32 $0xA;
	_ =	strace $0x8000004B  }
0xc3: {  	_ =	swait.ge [sflag:s29], $0x1  }
0xc4: {  	[sflag:s29] =	ssyncadd.s32 $0xFFFFFFFF  }
0xc5: {  	_ =	strace $0x9000004B  }
0xc6: {  	_ =	sfence  }
0xc7: {  	s30 =	sld [smem:$0x0];
	_ =	sdelay $0x2  }
0xc8: {  	s31 =	sshll.u32 s1, $0xD;
	s1 =	sshrl.u32 s1, $0x2  }
0xc9: {  	s4 =	sand.u32 $0x4000, s31;
	s1 =	sadd.s32 s1, s30  }
0xca: {  	s0 =	sor.u32 s4, s0;
	s1 =	sshll.u32 s1, $0x11  }
0xcb: {  	s0 =	sor.u32 s1, s0  }
0xcc: {  	s0 =	sadd.s32 $0x8F2B, s0  }
0xcd: {  	[sflag:s0] =	ssyncadd.remote.s32 $0x1  }
0xce: {  	_ =	sfence.sel $0xFFFF  }
0xcf: {  	[dreg:$0x0] =	wrdreg $0xFFFFFFFF;
	(pc) =	sbr.abs _section_cstart, $3  }
0xd0: {  	[dreg:$0x1] =	wrdreg $0xFFFFFFFF  }
0xd1: {  	_ =	task.clear_ibuf [dreg:s22], $0x2FFFF;
	_ =	strace $0x9FFFFFFF  }
0xd2: {  	(tm) =	ssettm $0x7FFFFFFF  }
0xd3: {  	_ =	shalt  }
tec
execute0_lowered:
.L_overlay_start_1:
0x0: {  	(tag) =	ssettag $0x1  }
0x1: {  	s1 =	rddreg [dreg:$0x0]  }
0x2: {  	s10 =	rddreg [dreg:$0x1]  }
0x3: {  	s2 =	rddreg [dreg:$0x2];
	s3 =	srdreg.scid  }
0x4: {  	s4 =	simm.s32 $0x0;
	s0 =	stileid.u32;
	s18 =	simm.s32 $0x6  }
0x5: {  	s19 =	simm.s32 $0x100;
	s28 =	simm.s32 $0x5;
	s29 =	simm.s32 $0x4200  }
0x6: {  	s30 =	simm.s32 $0x0;
	s8 =	sand.u32 $0x1, s3;
	s9 =	smul.u32 $0x14000, s0  }
0x7: {  	[smem:$0x7FF] =	sst s4;
	s5 =	sadd.s32 $0x17E00, s10;
	s11 =	smul.u32 $0x50000, s0  }
0x8: {  	s6 =	sadd.s32 $0xD800, s10;
	s20 =	sadd.s32 $0x2BE00, s10;
	s26 =	sshll.u32 s0, $0x6  }
0x9: {  	s7 =	smul.u32 $0x140000, s8;
	_ =	strace $0x8000004A;
	s13 =	ssub.s32 $0x2, s8  }
0xa: {  	[dreg:$0x4] =	wrdreg s20;
	s20 =	simm.s32 $0x80;
	s21 =	sshrl.u32 s13, $0x1  }
0xb: {  	s22 =	sshrl.u32 s11, $0x2;
	s9 =	sadd.s32 s9, s7;
	s7 =	smul.u32 $0x50000, s8  }
0xc: {  	s8 =	smul.u32 $0x5000, s0;
	s16 =	ssub.s32 s13, s21;
	s17 =	sadd.s32 s22, s2  }
0xd: {  	s21 =	simm.s32 $0x180;
	s22 =	simm.s32 $0x2;
	s12 =	sshrl.u32 s9, $0x3  }
0xe: {  	s16 =	smax.u32 s16, $0x1;
	s17 =	sshrl.u32 s17, $0x3;
	s15 =	sadd.s32 s12, s10  }
.Ltmp0:
0xf: {  	s23 =	sadd.s32 s8, s7;
	s25 =	sshrl.u32 s8, $0x3;
	(pc) =	sbr.rel .LBB2_1-.Ltmp0, $4  }
0x10: {  	s12 =	sor.u32 $0x1C06, s26;
	s26 =	simm.s32 $0x3;
	s24 =	sshrl.u32 s23, $0x3  }
0x11: {  	s11 =	sadd.s32 s6, s25;
	s15 =	sadd.s32 $0x2E600, s15;
	s10 =	sadd.s32 s5, s24  }
0x12: {  	s23 =	simm.s32 $0x4;
	s25 =	simm.s32 $0x1;
	s31 =	sadd.s32 $0x10, s10  }
0x13: {  	s14 =	sadd.s32 $0x10, s11;
	s24 =	simm.s32 $0x200;
	[dreg:$0x5] =	wrdreg s31  }
.LBB2_4:
0x14: {  	s30 =	sadd.s32 $0x1, s30  }
0x15: {  	p0 =	sne.s32 s30, s16  }
.Ltmp1:
0x16: {  	[bflag:$0x0] =	sbarrier.arrive $0xFFFF;
	(pc) =	sbr.rel @!p0 .LBB2_5-.Ltmp1, $4  }
0x17: {  	[hbm:s15], [sflag:s12] =	dma.local [spmem:s17], $0x2800  }
0x18: {  	_ =	swait.ge [sflag:s18], $0x2800  }
0x19: {  	[sflag:s18] =	ssyncset.done $0x0  }
0x1a: {  	[sflag:s18] =	ssyncadd.s32 $0xFFFFD800  }
.LBB2_1:
0x1b: {  	s0 =	rddreg [dreg:$0x4]  }
0x1c: {  	[spmem:s17], [sflag:s12] =	dma.local [hbm:s0], $0x2800  }
0x1d: {  	_ =	swait.ge [sflag:s18], $0x2800  }
0x1e: {  	[sflag:s18] =	ssyncset.done $0x0  }
0x1f: {  	[sflag:s18] =	ssyncadd.s32 $0xFFFFD800  }
0x20: {  	[bflag:$0x0] =	sbarrier.arrive $0xFFFF  }
0x21: {  	[tilespmem:s4], [sflag:$0x2] =	stream.linear.gather [hbm4b:s10+s4], $0x80, $0x38;
	[tilespmem:$0x1C200] =	vst v63  }
0x22: {  	_ = 	snop  }
0x23: {  	[tilespmem:s19], [sflag:$0x4] =	stream.linear.gather [hbm4b:s11+s4], $0x80, $0x38;
	[tilespmem:$0x1C200] =	vst v63  }
0x24: {  	s13 =	rddreg [dreg:$0x5]  }
0x25: {  	[tilespmem:s20], [sflag:$0x3] =	stream.linear.gather [hbm4b:s13+s4], $0x80, $0x38;
	[tilespmem:$0x1C200] =	vst v63  }
0x26: {  	_ = 	snop  }
0x27: {  	[tilespmem:s21], [sflag:$0x5] =	stream.linear.gather [hbm4b:s14+s4], $0x80, $0x38;
	[tilespmem:$0x1C200] =	vst v63  }
0x28: {  	_ =	swait.ge [sflag:s22], $0x80  }
0x29: {  	[sflag:s22] =	ssyncset.done $0x0  }
0x2a: {  	[sflag:s22] =	ssyncadd.s32 $0xFFFFFF80  }
0x2b: {  	_ =	swait.ge [sflag:s23], $0x80  }
0x2c: {  	[sflag:s23] =	ssyncset.done $0x0  }
0x2d: {  	s31 =	simm.s32 $0xFFFFB100;
	[sflag:s23] =	ssyncadd.s32 $0xFFFFFF80  }
0x2e: {  	[tilespmem:s24], [sflag:$0x1] =	stream.indirect.gather [hbm4b:s1+s20], $0x80, s4, s20, $0xb8;
	[tilespmem:$0x1C200] =	vst v63  }
.LBB2_2:
0x2f: {  	_ =	swait.ge [sflag:s25], $0x4000  }
0x30: {  	[sflag:s25] =	ssyncset.done $0x0  }
0x31: {  	[sflag:s25] =	ssyncadd.s32 $0xFFFFC000  }
0x32: {  	_ =	swait.ge [sflag:s26], $0x80  }
0x33: {  	[sflag:s26] =	ssyncset.done $0x0  }
0x34: {  	[sflag:s26] =	ssyncadd.s32 $0xFFFFFF80  }
0x35: {  	_ =	swait.ge [sflag:s28], $0x80  }
0x36: {  	[sflag:s28] =	ssyncset.done $0x0  }
0x37: {  	p0 =	seq.s32 s31, $0x0;
	[sflag:s28] =	ssyncadd.s32 $0xFFFFFF80  }
0x38: {  	[tilespmem:s29], [sflag:$0x1] =	stream.indirect.gather [hbm4b:s1+s20], $0x80, s20, s20, $0xb8;
	[tilespmem:$0x1C200] =	vst v63  }
0x39: {  	s0 =	sadd.s32 @!p0 $0x5000, s31  }
0x3a: {  	[spmem:s2] =	stream.indirect.scatter.add.f32 [tilespmem:s24], [sflag:$0x6], $0x80, s19, s20, $0xb8;
	[tilespmem:$0x1C200] =	vst v63  }
0x3b: {  	s3 =	sadd.s32 @!p0 s8, s0;
	_ =	swait.ge [sflag:s18], $0x4000  }
0x3c: {  	s9 =	simm.s32 @p0 $0x1;
	s3 =	sand.u32 @!p0 $0xFFC00, s3;
	[sflag:s18] =	ssyncset.done $0x0  }
0x3d: {  	s0 =	sand.u32 @!p0 $0x300, s0;
	s13 =	sadd.s32 @!p0 s7, s3;
	[sflag:s18] =	ssyncadd.s32 $0xFFFFC000  }
0x3e: {  	s13 =	sor.u32 @!p0 s0, s13;
	s0 =	sor.u32 @!p0 s0, s3;
	_ =	swait.ge @p0 [sflag:s9], $0x4000  }
0x3f: {  	s13 =	sshrl.u32 @!p0 s13, $0x3;
	s0 =	sshrl.u32 @!p0 s0, $0x3;
	[sflag:s9] =	ssyncset.done @p0 $0x0  }
0x40: {  	[sflag:s9] =	ssyncadd.s32 @p0 $0xFFFFC000;
	s9 =	sadd.s32 @!p0 s5, s13;
	s13 =	simm.s32 @!p0 $0x0  }
0x41: {  	[tilespmem:s13], [sflag:$0x2] =	stream.linear.gather @!p0 [hbm4b:s9+s13], $0x80, $0x38;
	[tilespmem:$0x1C200] =	vst v63  }
0x42: {  	s3 =	simm.s32 @!p0 $0x100;
	s0 =	sadd.s32 @!p0 s6, s0  }
0x43: {  	[tilespmem:s3], [sflag:$0x4] =	stream.linear.gather @!p0 [hbm4b:s0+s13], $0x80, $0x38;
	[tilespmem:$0x1C200] =	vst v63  }
0x44: {  	s0 =	simm.s32 @!p0 $0x1  }
0x45: {  	_ =	swait.ge @!p0 [sflag:s0], $0x4000  }
0x46: {  	[sflag:s0] =	ssyncset.done @!p0 $0x0  }
0x47: {  	[sflag:s0] =	ssyncadd.s32 @!p0 $0xFFFFC000;
	s0 =	simm.s32 @!p0 $0x2  }
0x48: {  	_ =	swait.ge @!p0 [sflag:s0], $0x80  }
0x49: {  	[sflag:s0] =	ssyncset.done @!p0 $0x0  }
0x4a: {  	[sflag:s0] =	ssyncadd.s32 @!p0 $0xFFFFFF80;
	s0 =	simm.s32 @!p0 $0x4  }
0x4b: {  	_ =	swait.ge @!p0 [sflag:s0], $0x80  }
0x4c: {  	[sflag:s0] =	ssyncset.done @!p0 $0x0  }
0x4d: {  	s3 =	simm.s32 @!p0 $0x200;
	[sflag:s0] =	ssyncadd.s32 @!p0 $0xFFFFFF80;
	s0 =	simm.s32 @!p0 $0x80  }
0x4e: {  	[tilespmem:s3], [sflag:$0x1] =	stream.indirect.gather @!p0 [hbm4b:s1+s0], $0x80, s13, s0, $0xb8;
	[tilespmem:$0x1C200] =	vst v63  }
.Ltmp2:
0x4f: {  	_ = 	snop;
	(pc) =	sbr.rel @p0 .LBB2_4-.Ltmp2, $4  }
0x50: {  	[spmem:s2] =	stream.indirect.scatter.add.f32 [tilespmem:s29], [sflag:$0x6], $0x80, s21, s20, $0xb8;
	[tilespmem:$0x1C200] =	vst v63  }
0x51: {  	_ =	swait.ge [sflag:s18], $0x4000  }
0x52: {  	[sflag:s18] =	ssyncset.done $0x0  }
0x53: {  	[sflag:s18] =	ssyncadd.s32 $0xFFFFC000  }
0x54: {  	s0 =	sadd.s32 $0x5080, s31  }
0x55: {  	s3 =	sadd.s32 s8, s0  }
0x56: {  	s3 =	sand.u32 $0xFFC00, s3  }
0x57: {  	s0 =	sand.u32 $0x380, s0;
	s9 =	sadd.s32 s7, s3  }
0x58: {  	s9 =	sor.u32 s0, s9  }
.Ltmp3:
0x59: {  	s0 =	sor.u32 s0, s3;
	s9 =	sshrl.u32 s9, $0x3;
	(pc) =	sbr.rel .LBB2_2-.Ltmp3, $4  }
0x5a: {  	s0 =	sshrl.u32 s0, $0x3;
	s9 =	sadd.s32 s5, s9  }
0x5b: {  	[tilespmem:s20], [sflag:$0x3] =	stream.linear.gather [hbm4b:s9+s4], $0x80, $0x38;
	[tilespmem:$0x1C200] =	vst v63  }
0x5c: {  	s31 =	sadd.s32 $0x100, s31;
	s0 =	sadd.s32 s6, s0  }
0x5d: {  	[tilespmem:s21], [sflag:$0x5] =	stream.linear.gather [hbm4b:s0+s4], $0x80, $0x38;
	[tilespmem:$0x1C200] =	vst v63  }
.LBB2_5:
0x5e: {  	_ =	sfence.sel $0x180000  }
0x5f: {  	[bflag:$0x0] =	sbarrier.arrive $0xFFFF  }
0x60: {  	_ =	strace $0x9000004A  }
0x61: {  	s0 =	stileid.u32;
	[bflag:$0x2] =	sbarrier.arrive $0xFFFF  }
0x62: {  	p0 =	sne.s32 s0, $0x0;
	s0 =	rddreg [dreg:$0x3]  }
0x63: {  	s0 =	sadd.s32 @!p0 $0x100000, s0  }
0x64: {  	[sflag:s0] =	ssyncadd.tile.s32 @!p0 $0x1;
	_ =	shalt  }
.Lfunc_end2:
_tile_overlayer_lowered:
.L_overlay_start_2:
0x65: {  	(tag) =	ssettag $0x2  }
0x66: {  	s0 =	rddreg [dreg:$0x0];
	s2 =	stileid.u32  }
0x67: {  	s1 =	rddreg [dreg:$0x1];
	p0 =	sne.s32 s2, $0x0  }
0x68: {  	s3 =	rddreg [dreg:$0x2];
	[bflag:$0x3] =	sbarrier.arrive $0xFFFF;
	s2 =	simm.s32 @!p0 $0x1C06  }
0x69: {  	[timem:s3], [sflag:s2] =	dma.local @!p0 [hbm:s0], s1  }
0x6a: {  	s0 =	simm.s32 @!p0 $0x6  }
0x6b: {  	_ =	swait.ge @!p0 [sflag:s0], s1  }
0x6c: {  	s1 =	ssub.s32 @!p0 $0x0, s1;
	[sflag:s0] =	ssyncset.done @!p0 $0x0  }
0x6d: {  	[sflag:s0] =	ssyncadd.s32 @!p0 s1  }
0x6e: {  	[bflag:$0x3] =	sbarrier.arrive $0xFFFF  }
0x6f: {  	_ =	shalt  }

// kernel: kernel.16.cloned.1.call-start
scs
__scs_entry_jumppad:
0x0: {  	(pc) =	sbr.rel $0x88, $3  }
0x1: {  	(tag) =	ssettag $0x0;
	lr =	simm.s32 $0x1  }
0x2: {  	[smem:$0x3F98] =	sst lr;
	_ =	strace $0xD0000000  }
0x3: {  	_ = 	snop  }
0x4: {  	_ = 	snop  }
0x5: {  	_ = 	snop  }
0x6: {  	_ = 	snop  }
0x7: {  	_ = 	snop  }
__scs_overlays_trampoline_lowered:
0x8: {  	[smem:$0x3FA7] =	sst s0  }
0x9: {  	[smem:$0x3FA8] =	sst s1  }
0xa: {  	[smem:$0x3FA9] =	sst s2  }
0xb: {  	[smem:$0x3FAA] =	sst s3  }
0xc: {  	[smem:$0x3FAB] =	sst s4  }
0xd: {  	[smem:$0x3FAC] =	sst s5  }
0xe: {  	[smem:$0x3FAD] =	sst s6  }
0xf: {  	[smem:$0x3FAE] =	sst s7  }
0x10: {  	[smem:$0x3FAF] =	sst s8  }
0x11: {  	[smem:$0x3FB0] =	sst s9;
	s0 =	simm.s32 @!p0 $0x0  }
0x12: {  	s1 =	sld [smem:$0x3F96];
	s0 =	simm.s32 @p0 $0x1  }
0x13: {  	[smem:$0x3FB1] =	sst s0;
	s0 =	simm.s32 @!p1 $0x0  }
0x14: {  	s2 =	sld [smem:$0x3F95];
	s0 =	simm.s32 @p1 $0x1  }
0x15: {  	[smem:$0x3FB2] =	sst s0;
	s0 =	simm.s32 @!p2 $0x0  }
0x16: {  	s3 =	sld [smem:$0x3FDB];
	s0 =	simm.s32 @p2 $0x1  }
0x17: {  	s4 =	simm.s32 $0x1BF5;
	[smem:$0x3FB4] =	sst s0  }
0x18: {  	s0 =	sld [smem:$0x3F97];
	_ =	swait.ge [sflag:s4], $0x0  }
0x19: {  	s7 =	sld [smem:$0x3F98]  }
0x1a: {  	s8 =	sadd.s32 $0xFFFFE003, lr  }
0x1b: {  	s9 =	sadd.s32 $0xFFFFFEF7, lr;
	s5 =	simm.s32 $0xFFFFFFFF;
	p2 =	slt.u32 s8, $0xFFFFF086  }
0x1c: {  	p1 =	slt.u32 s9, $0xF7A;
	s5 =	simm.s32 @!p2 $0x0  }
0x1d: {  	s5 =	simm.s32 @p1 $0x1;
	p0 =	seq.s32 s7, s2  }
0x1e: {  	s7 =	smul.u32 @!p0 $0xF7A, s2;
	p2 =	seq.s32 @!p0 s5, $0x0  }
0x1f: {  	s9 =	smul.u32 $0xF7A, s1;
	s8 =	simm.s32 @!p0 $0x1BF5;
	p2 =	por !p2, p0  }
0x20: {  	[sflag:s8] =	ssyncset.s32 @!p0 $0xFFFFF086;
	s6 =	sadd.s32 @!p0 s3, s7;
	s7 =	simm.s32 @!p0 $0x108  }
0x21: {  	s3 =	sadd.s32 s3, s9;
	s6 =	sadd.s32 @!p0 $0x88, s6;
	s7 =	simm.s32 @p2 $0x1082  }
0x22: {  	[simem:s7], [sflag:s8] =	dma.local @!p0 [hbm:s6], $0xF7A  }
0x23: {  	s9 =	sor.u32 $0xD0000000, s2;
	s6 =	simm.s32 $0x108;
	_ =	swait.ge @!p0 [sflag:s8], $0x0  }
0x24: {  	s3 =	sadd.s32 $0x88, s3;
	s6 =	simm.s32 @!p1 $0x1082;
	[sflag:s4] =	ssyncset.s32 $0xFFFFF086  }
0x25: {  	[simem:s6], [sflag:s4] =	dma.local [hbm:s3], $0xF7A  }
0x26: {  	[smem:$0x3F98] =	sst s1;
	(tag) =	ssettag s2;
	_ =	strace s9  }
0x27: {  	s1 =	sld [smem:$0x3FA8]  }
0x28: {  	s2 =	sld [smem:$0x3FA9]  }
0x29: {  	s4 =	sld [smem:$0x3FAB]  }
0x2a: {  	p0 =	seq.s32 s5, $0x0;
	s5 =	sld [smem:$0x3FAC]  }
0x2b: {  	s6 =	sld [smem:$0x3FAD]  }
0x2c: {  	s7 =	sld [smem:$0x3FAE]  }
0x2d: {  	s3 =	simm.s32 $0x108;
	s8 =	sld [smem:$0x3FAF]  }
0x2e: {  	s3 =	simm.s32 @!p0 $0x1082;
	s9 =	sld [smem:$0x3FB0]  }
0x2f: {  	lr =	sadd.s32 s0, s3;
	s0 =	sld [smem:$0x3FA7]  }
0x30: {  	s3 =	sld [smem:$0x3FAA]  }
0x31: {  	[smem:$0x3FB3] =	sst s10  }
0x32: {  	s10 =	sld [smem:$0x3FB1];
	_ =	sdelay $0x3  }
0x33: {  	p0 =	seq.s32 s10, $0x1;
	s10 =	sld [smem:$0x3FB3];
	_ =	sdelay $0x3  }
0x34: {  	[smem:$0x3FB3] =	sst s10  }
0x35: {  	s10 =	sld [smem:$0x3FB2];
	_ =	sdelay $0x3  }
0x36: {  	p1 =	seq.s32 s10, $0x1;
	s10 =	sld [smem:$0x3FB3];
	_ =	sdelay $0x3  }
0x37: {  	[smem:$0x3FB3] =	sst s10  }
0x38: {  	s10 =	sld [smem:$0x3FB4]  }
0x39: {  	_ = 	snop;
	(pc) =	sbr.ind lr, $3  }
0x3a: {  	_ = 	snop  }
0x3b: {  	_ = 	snop  }
0x3c: {  	p2 =	seq.s32 s10, $0x1;
	s10 =	sld [smem:$0x3FB3]  }
0x3d: {  	_ =	shalt  }
0x3e: {  	_ =	shalt  }
0x3f: {  	_ =	shalt  }
0x40: {  	_ =	shalt  }
0x41: {  	_ =	shalt  }
0x42: {  	_ =	shalt  }
0x43: {  	_ =	shalt  }
0x44: {  	_ =	shalt  }
0x45: {  	_ =	shalt  }
0x46: {  	_ =	shalt  }
0x47: {  	_ =	shalt  }
0x48: {  	_ =	shalt  }
0x49: {  	_ =	shalt  }
0x4a: {  	_ =	shalt  }
0x4b: {  	_ =	shalt  }
0x4c: {  	_ =	shalt  }
0x4d: {  	_ =	shalt  }
0x4e: {  	_ =	shalt  }
0x4f: {  	_ =	shalt  }
0x50: {  	_ =	shalt  }
0x51: {  	_ =	shalt  }
0x52: {  	_ =	shalt  }
0x53: {  	_ =	shalt  }
0x54: {  	_ =	shalt  }
0x55: {  	_ =	shalt  }
0x56: {  	_ =	shalt  }
0x57: {  	_ =	shalt  }
0x58: {  	_ =	shalt  }
0x59: {  	_ =	shalt  }
0x5a: {  	_ =	shalt  }
0x5b: {  	_ =	shalt  }
0x5c: {  	_ =	shalt  }
0x5d: {  	_ =	shalt  }
0x5e: {  	_ =	shalt  }
0x5f: {  	_ =	shalt  }
0x60: {  	_ =	shalt  }
0x61: {  	_ =	shalt  }
0x62: {  	_ =	shalt  }
0x63: {  	_ =	shalt  }
0x64: {  	_ =	shalt  }
0x65: {  	_ =	shalt  }
0x66: {  	_ =	shalt  }
0x67: {  	_ =	shalt  }
0x68: {  	_ =	shalt  }
0x69: {  	_ =	shalt  }
0x6a: {  	_ =	shalt  }
0x6b: {  	_ =	shalt  }
0x6c: {  	_ =	shalt  }
0x6d: {  	_ =	shalt  }
0x6e: {  	_ =	shalt  }
0x6f: {  	_ =	shalt  }
0x70: {  	_ =	shalt  }
0x71: {  	_ =	shalt  }
0x72: {  	_ =	shalt  }
0x73: {  	_ =	shalt  }
0x74: {  	_ =	shalt  }
0x75: {  	_ =	shalt  }
0x76: {  	_ =	shalt  }
0x77: {  	_ =	shalt  }
0x78: {  	_ =	shalt  }
0x79: {  	_ =	shalt  }
0x7a: {  	_ =	shalt  }
0x7b: {  	_ =	shalt  }
0x7c: {  	_ =	shalt  }
0x7d: {  	_ =	shalt  }
0x7e: {  	_ =	shalt  }
0x7f: {  	_ =	shalt  }
0x80: {  	_ =	shalt  }
0x81: {  	_ =	shalt  }
0x82: {  	_ =	shalt  }
0x83: {  	_ =	shalt  }
0x84: {  	_ =	shalt  }
0x85: {  	_ =	shalt  }
0x86: {  	_ =	shalt  }
0x87: {  	_ =	shalt  }
.Lfunc_end0:
.L_simem_size_0:
called_computation.2_lowered:
.L_overlay_start_0:
0x88: {  	s2 =	sld [smem:$0x3FD9]  }
0x89: {  	s3 =	sld [smem:$0x3FFE];
	_ =	sdelay $0x1  }
0x8a: {  	s1 =	srdreg.scid  }
0x8b: {  	s0 =	sand.u32 $0x1, s1  }
0x8c: {  	s17 =	sshll.u32 s0, $0xA;
	s2 =	sadd.s32 s3, s2  }
0x8d: {  	s2 =	sadd.s32 s2, s17  }
0x8e: {  	[smem:$0x3FBF] =	sst s2  }
0x8f: {  	_ = 	snop  }
0x90: {  	s2 =	sld [smem:$0x3FD0];
	(tm) =	ssettm $0x1  }
0x91: {  	s18 =	sld [smem:$0x3FFB];
	_ =	sdelay $0x3  }
0x92: {  	_ =	strace s18  }
0x93: {  	s3 =	sld [smem:$0x3FFC];
	_ =	sdelay $0x3  }
0x94: {  	_ =	strace s3  }
0x95: {  	s3 =	sld [smem:$0x3FFD];
	_ =	sdelay $0x3  }
0x96: {  	_ =	strace s3  }
0x97: {  	_ =	strace $0x8FFFFFFF  }
0x98: {  	s19 =	sld [smem:$0x3FDB];
	_ =	sdelay $0x1  }
0x99: {  	s4 =	simm.s32 $_scs_section_size  }
0x9a: {  	s5 =	simm.s32 $_size__tile_overlayer_lowered;
	s6 =	simm.s32 $_tile_overlayer_lowered  }
0x9b: {  	s22 =	simm.s32 $0x1BFF;
	s21 =	sshll.u32 s6, $0x1;
	s3 =	sadd.s32 s4, s19  }
0x9c: {  	s7 =	simm.s32 $0x0;
	s20 =	sshll.u32 s5, $0x1;
	s5 =	sadd.s32 s21, s3  }
0x9d: {  	[timem:s7], [sflag:s22] =	dma.local [hbm:s5], s20  }
0x9e: {  	_ =	swait.ge [sflag:s22], s20  }
0x9f: {  	s4 =	ssub.s32 $0x0, s20;
	[sflag:s22] =	ssyncset.done $0x0  }
0xa0: {  	[sflag:s22] =	ssyncadd.s32 s4;
	_ =	sdelay $0x1  }
0xa1: {  	s23 =	simm.s32 $0x1B8B  }
0xa2: {  	_ =	swait.ge [sflag:s23], $0x1  }
0xa3: {  	[sflag:s23] =	ssyncset.done $0x0  }
0xa4: {  	s25 =	simm.s32 $0x1B8E;
	s24 =	sld [smem:$0x3FFE];
	[sflag:s23] =	ssyncadd.s32 $0xFFFFFFFF  }
0xa5: {  	s26 =	simm.s32 $execute0_lowered;
	[smem:$0x3FD2] =	sst s25  }
0xa6: {  	s5 =	sshll.u32 s26, $0x1;
	_ =	strace $0x8000004C;
	[dreg:$0x1] =	wrdreg $0xFFFFFFFF  }
0xa7: {  	s28 =	simm.s32 $_size_execute0_lowered;
	s3 =	sadd.s32 s3, s5;
	[dreg:$0x0] =	wrdreg $0x0  }
0xa8: {  	s5 =	sshll.u32 s28, $0x1;
	[dreg:$0x2] =	wrdreg s3  }
0xa9: {  	[dreg:$0x3] =	wrdreg s5  }
0xaa: {  	[dreg:$0x4] =	wrdreg $0xC0  }
0xab: {  	_ =	task [dreg:s7], $0x5FFFF  }
0xac: {  	[dreg:$0x1] =	wrdreg $0xFFFFFFFF  }
0xad: {  	[dreg:$0x0] =	wrdreg $0x60  }
0xae: {  	[dreg:$0x2] =	wrdreg s2  }
0xaf: {  	[dreg:$0x3] =	wrdreg s24  }
0xb0: {  	[dreg:$0x4] =	wrdreg $0x82000  }
0xb1: {  	[dreg:$0x5] =	wrdreg $0x9  }
0xb2: {  	_ =	task.clear_ibuf [dreg:s7], $0x6FFFF;
	_ =	strace $0x9000004C  }
0xb3: {  	s29 =	simm.s32 $0x9;
	_ =	strace $0x8000004E  }
0xb4: {  	_ =	swait.ge [sflag:s29], $0x1  }
0xb5: {  	[sflag:s29] =	ssyncadd.s32 $0xFFFFFFFF  }
0xb6: {  	_ =	strace $0x9000004E  }
0xb7: {  	_ =	sfence  }
0xb8: {  	s30 =	sld [smem:$0x0];
	_ =	sdelay $0x2  }
0xb9: {  	s31 =	sshll.u32 s1, $0xD;
	s1 =	sshrl.u32 s1, $0x2  }
0xba: {  	s3 =	sand.u32 $0x4000, s31;
	s1 =	sadd.s32 s1, s30  }
0xbb: {  	s0 =	sor.u32 s3, s0;
	s1 =	sshll.u32 s1, $0x11  }
0xbc: {  	s0 =	sor.u32 s1, s0  }
0xbd: {  	s0 =	sadd.s32 $0x8F2B, s0  }
0xbe: {  	[sflag:s0] =	ssyncadd.remote.s32 $0x1  }
0xbf: {  	_ =	sfence.sel $0xFFFF  }
0xc0: {  	[dreg:$0x0] =	wrdreg $0xFFFFFFFF;
	(pc) =	sbr.abs _section_cstart, $3  }
0xc1: {  	[dreg:$0x1] =	wrdreg $0xFFFFFFFF  }
0xc2: {  	_ =	task.clear_ibuf [dreg:s7], $0x2FFFF;
	_ =	strace $0x9FFFFFFF  }
0xc3: {  	(tm) =	ssettm $0x7FFFFFFF  }
tec
execute0_lowered:
.L_overlay_start_1:
0x0: {  	(tag) =	ssettag $0x1  }
0x1: {  	s1 =	rddreg [dreg:$0x0]  }
0x2: {  	s10 =	rddreg [dreg:$0x1]  }
0x3: {  	s2 =	rddreg [dreg:$0x2];
	s3 =	srdreg.scid  }
0x4: {  	s4 =	simm.s32 $0x0;
	s0 =	stileid.u32;
	s18 =	simm.s32 $0x6  }
0x5: {  	s19 =	simm.s32 $0x100;
	s28 =	simm.s32 $0x5;
	s29 =	simm.s32 $0x4200  }
0x6: {  	s30 =	simm.s32 $0x0;
	s8 =	sand.u32 $0x1, s3;
	s9 =	smul.u32 $0x14000, s0  }
0x7: {  	[smem:$0x7FF] =	sst s4;
	s5 =	sadd.s32 $0x17E00, s10;
	s11 =	smul.u32 $0x50000, s0  }
0x8: {  	s6 =	sadd.s32 $0xD800, s10;
	s20 =	sadd.s32 $0x2BE00, s10;
	s26 =	sshll.u32 s0, $0x6  }
0x9: {  	s7 =	smul.u32 $0x140000, s8;
	_ =	strace $0x8000004D;
	s13 =	ssub.s32 $0x2, s8  }
0xa: {  	[dreg:$0x4] =	wrdreg s20;
	s20 =	simm.s32 $0x80;
	s21 =	sshrl.u32 s13, $0x1  }
0xb: {  	s22 =	sshrl.u32 s11, $0x2;
	s9 =	sadd.s32 s9, s7;
	s7 =	smul.u32 $0x50000, s8  }
0xc: {  	s8 =	smul.u32 $0x5000, s0;
	s16 =	ssub.s32 s13, s21;
	s17 =	sadd.s32 s22, s2  }
0xd: {  	s21 =	simm.s32 $0x180;
	s22 =	simm.s32 $0x2;
	s12 =	sshrl.u32 s9, $0x3  }
0xe: {  	s16 =	smax.u32 s16, $0x1;
	s17 =	sshrl.u32 s17, $0x3;
	s15 =	sadd.s32 s12, s10  }
.Ltmp0:
0xf: {  	s23 =	sadd.s32 s8, s7;
	s25 =	sshrl.u32 s8, $0x3;
	(pc) =	sbr.rel .LBB2_1-.Ltmp0, $4  }
0x10: {  	s12 =	sor.u32 $0x1C06, s26;
	s26 =	simm.s32 $0x3;
	s24 =	sshrl.u32 s23, $0x3  }
0x11: {  	s11 =	sadd.s32 s6, s25;
	s15 =	sadd.s32 $0x2E600, s15;
	s10 =	sadd.s32 s5, s24  }
0x12: {  	s23 =	simm.s32 $0x4;
	s25 =	simm.s32 $0x1;
	s31 =	sadd.s32 $0x10, s10  }
0x13: {  	s14 =	sadd.s32 $0x10, s11;
	s24 =	simm.s32 $0x200;
	[dreg:$0x5] =	wrdreg s31  }
.LBB2_4:
0x14: {  	s30 =	sadd.s32 $0x1, s30  }
0x15: {  	p0 =	sne.s32 s30, s16  }
.Ltmp1:
0x16: {  	[bflag:$0x0] =	sbarrier.arrive $0xFFFF;
	(pc) =	sbr.rel @!p0 .LBB2_5-.Ltmp1, $4  }
0x17: {  	[hbm:s15], [sflag:s12] =	dma.local [spmem:s17], $0x2800  }
0x18: {  	_ =	swait.ge [sflag:s18], $0x2800  }
0x19: {  	[sflag:s18] =	ssyncset.done $0x0  }
0x1a: {  	[sflag:s18] =	ssyncadd.s32 $0xFFFFD800  }
.LBB2_1:
0x1b: {  	s0 =	rddreg [dreg:$0x4]  }
0x1c: {  	[spmem:s17], [sflag:s12] =	dma.local [hbm:s0], $0x2800  }
0x1d: {  	_ =	swait.ge [sflag:s18], $0x2800  }
0x1e: {  	[sflag:s18] =	ssyncset.done $0x0  }
0x1f: {  	[sflag:s18] =	ssyncadd.s32 $0xFFFFD800  }
0x20: {  	[bflag:$0x0] =	sbarrier.arrive $0xFFFF  }
0x21: {  	[tilespmem:s4], [sflag:$0x2] =	stream.linear.gather [hbm4b:s10+s4], $0x80, $0x38;
	[tilespmem:$0x1C200] =	vst v63  }
0x22: {  	_ = 	snop  }
0x23: {  	[tilespmem:s19], [sflag:$0x4] =	stream.linear.gather [hbm4b:s11+s4], $0x80, $0x38;
	[tilespmem:$0x1C200] =	vst v63  }
0x24: {  	s13 =	rddreg [dreg:$0x5]  }
0x25: {  	[tilespmem:s20], [sflag:$0x3] =	stream.linear.gather [hbm4b:s13+s4], $0x80, $0x38;
	[tilespmem:$0x1C200] =	vst v63  }
0x26: {  	_ = 	snop  }
0x27: {  	[tilespmem:s21], [sflag:$0x5] =	stream.linear.gather [hbm4b:s14+s4], $0x80, $0x38;
	[tilespmem:$0x1C200] =	vst v63  }
0x28: {  	_ =	swait.ge [sflag:s22], $0x80  }
0x29: {  	[sflag:s22] =	ssyncset.done $0x0  }
0x2a: {  	[sflag:s22] =	ssyncadd.s32 $0xFFFFFF80  }
0x2b: {  	_ =	swait.ge [sflag:s23], $0x80  }
0x2c: {  	[sflag:s23] =	ssyncset.done $0x0  }
0x2d: {  	s31 =	simm.s32 $0xFFFFB100;
	[sflag:s23] =	ssyncadd.s32 $0xFFFFFF80  }
0x2e: {  	[tilespmem:s24], [sflag:$0x1] =	stream.indirect.gather [hbm4b:s1+s20], $0x80, s4, s20, $0xb8;
	[tilespmem:$0x1C200] =	vst v63  }
.LBB2_2:
0x2f: {  	_ =	swait.ge [sflag:s25], $0x4000  }
0x30: {  	[sflag:s25] =	ssyncset.done $0x0  }
0x31: {  	[sflag:s25] =	ssyncadd.s32 $0xFFFFC000  }
0x32: {  	_ =	swait.ge [sflag:s26], $0x80  }
0x33: {  	[sflag:s26] =	ssyncset.done $0x0  }
0x34: {  	[sflag:s26] =	ssyncadd.s32 $0xFFFFFF80  }
0x35: {  	_ =	swait.ge [sflag:s28], $0x80  }
0x36: {  	[sflag:s28] =	ssyncset.done $0x0  }
0x37: {  	p0 =	seq.s32 s31, $0x0;
	[sflag:s28] =	ssyncadd.s32 $0xFFFFFF80  }
0x38: {  	[tilespmem:s29], [sflag:$0x1] =	stream.indirect.gather [hbm4b:s1+s20], $0x80, s20, s20, $0xb8;
	[tilespmem:$0x1C200] =	vst v63  }
0x39: {  	s0 =	sadd.s32 @!p0 $0x5000, s31  }
0x3a: {  	[spmem:s2] =	stream.indirect.scatter.add.f32 [tilespmem:s24], [sflag:$0x6], $0x80, s19, s20, $0xb8;
	[tilespmem:$0x1C200] =	vst v63  }
0x3b: {  	s3 =	sadd.s32 @!p0 s8, s0;
	_ =	swait.ge [sflag:s18], $0x4000  }
0x3c: {  	s9 =	simm.s32 @p0 $0x1;
	s3 =	sand.u32 @!p0 $0xFFC00, s3;
	[sflag:s18] =	ssyncset.done $0x0  }
0x3d: {  	s0 =	sand.u32 @!p0 $0x300, s0;
	s13 =	sadd.s32 @!p0 s7, s3;
	[sflag:s18] =	ssyncadd.s32 $0xFFFFC000  }
0x3e: {  	s13 =	sor.u32 @!p0 s0, s13;
	s0 =	sor.u32 @!p0 s0, s3;
	_ =	swait.ge @p0 [sflag:s9], $0x4000  }
0x3f: {  	s13 =	sshrl.u32 @!p0 s13, $0x3;
	s0 =	sshrl.u32 @!p0 s0, $0x3;
	[sflag:s9] =	ssyncset.done @p0 $0x0  }
0x40: {  	[sflag:s9] =	ssyncadd.s32 @p0 $0xFFFFC000;
	s9 =	sadd.s32 @!p0 s5, s13;
	s13 =	simm.s32 @!p0 $0x0  }
0x41: {  	[tilespmem:s13], [sflag:$0x2] =	stream.linear.gather @!p0 [hbm4b:s9+s13], $0x80, $0x38;
	[tilespmem:$0x1C200] =	vst v63  }
0x42: {  	s3 =	simm.s32 @!p0 $0x100;
	s0 =	sadd.s32 @!p0 s6, s0  }
0x43: {  	[tilespmem:s3], [sflag:$0x4] =	stream.linear.gather @!p0 [hbm4b:s0+s13], $0x80, $0x38;
	[tilespmem:$0x1C200] =	vst v63  }
0x44: {  	s0 =	simm.s32 @!p0 $0x1  }
0x45: {  	_ =	swait.ge @!p0 [sflag:s0], $0x4000  }
0x46: {  	[sflag:s0] =	ssyncset.done @!p0 $0x0  }
0x47: {  	[sflag:s0] =	ssyncadd.s32 @!p0 $0xFFFFC000;
	s0 =	simm.s32 @!p0 $0x2  }
0x48: {  	_ =	swait.ge @!p0 [sflag:s0], $0x80  }
0x49: {  	[sflag:s0] =	ssyncset.done @!p0 $0x0  }
0x4a: {  	[sflag:s0] =	ssyncadd.s32 @!p0 $0xFFFFFF80;
	s0 =	simm.s32 @!p0 $0x4  }
0x4b: {  	_ =	swait.ge @!p0 [sflag:s0], $0x80  }
0x4c: {  	[sflag:s0] =	ssyncset.done @!p0 $0x0  }
0x4d: {  	s3 =	simm.s32 @!p0 $0x200;
	[sflag:s0] =	ssyncadd.s32 @!p0 $0xFFFFFF80;
	s0 =	simm.s32 @!p0 $0x80  }
0x4e: {  	[tilespmem:s3], [sflag:$0x1] =	stream.indirect.gather @!p0 [hbm4b:s1+s0], $0x80, s13, s0, $0xb8;
	[tilespmem:$0x1C200] =	vst v63  }
.Ltmp2:
0x4f: {  	_ = 	snop;
	(pc) =	sbr.rel @p0 .LBB2_4-.Ltmp2, $4  }
0x50: {  	[spmem:s2] =	stream.indirect.scatter.add.f32 [tilespmem:s29], [sflag:$0x6], $0x80, s21, s20, $0xb8;
	[tilespmem:$0x1C200] =	vst v63  }
0x51: {  	_ =	swait.ge [sflag:s18], $0x4000  }
0x52: {  	[sflag:s18] =	ssyncset.done $0x0  }
0x53: {  	[sflag:s18] =	ssyncadd.s32 $0xFFFFC000  }
0x54: {  	s0 =	sadd.s32 $0x5080, s31  }
0x55: {  	s3 =	sadd.s32 s8, s0  }
0x56: {  	s3 =	sand.u32 $0xFFC00, s3  }
0x57: {  	s0 =	sand.u32 $0x380, s0;
	s9 =	sadd.s32 s7, s3  }
0x58: {  	s9 =	sor.u32 s0, s9  }
.Ltmp3:
0x59: {  	s0 =	sor.u32 s0, s3;
	s9 =	sshrl.u32 s9, $0x3;
	(pc) =	sbr.rel .LBB2_2-.Ltmp3, $4  }
0x5a: {  	s0 =	sshrl.u32 s0, $0x3;
	s9 =	sadd.s32 s5, s9  }
0x5b: {  	[tilespmem:s20], [sflag:$0x3] =	stream.linear.gather [hbm4b:s9+s4], $0x80, $0x38;
	[tilespmem:$0x1C200] =	vst v63  }
0x5c: {  	s31 =	sadd.s32 $0x100, s31;
	s0 =	sadd.s32 s6, s0  }
0x5d: {  	[tilespmem:s21], [sflag:$0x5] =	stream.linear.gather [hbm4b:s0+s4], $0x80, $0x38;
	[tilespmem:$0x1C200] =	vst v63  }
.LBB2_5:
0x5e: {  	_ =	sfence.sel $0x180000  }
0x5f: {  	[bflag:$0x0] =	sbarrier.arrive $0xFFFF  }
0x60: {  	_ =	strace $0x9000004D  }
0x61: {  	s0 =	stileid.u32;
	[bflag:$0x2] =	sbarrier.arrive $0xFFFF  }
0x62: {  	p0 =	sne.s32 s0, $0x0;
	s0 =	rddreg [dreg:$0x3]  }
0x63: {  	s0 =	sadd.s32 @!p0 $0x100000, s0  }
0x64: {  	[sflag:s0] =	ssyncadd.tile.s32 @!p0 $0x1;
	_ =	shalt  }
.Lfunc_end2:
_tile_overlayer_lowered:
.L_overlay_start_2:
0x65: {  	(tag) =	ssettag $0x2  }
0x66: {  	s0 =	rddreg [dreg:$0x0];
	s2 =	stileid.u32  }
0x67: {  	s1 =	rddreg [dreg:$0x1];
	p0 =	sne.s32 s2, $0x0  }
0x68: {  	s3 =	rddreg [dreg:$0x2];
	[bflag:$0x3] =	sbarrier.arrive $0xFFFF;
	s2 =	simm.s32 @!p0 $0x1C06  }
0x69: {  	[timem:s3], [sflag:s2] =	dma.local @!p0 [hbm:s0], s1  }
0x6a: {  	s0 =	simm.s32 @!p0 $0x6  }
0x6b: {  	_ =	swait.ge @!p0 [sflag:s0], s1  }
0x6c: {  	s1 =	ssub.s32 @!p0 $0x0, s1;
	[sflag:s0] =	ssyncset.done @!p0 $0x0  }
0x6d: {  	[sflag:s0] =	ssyncadd.s32 @!p0 s1  }
0x6e: {  	[bflag:$0x3] =	sbarrier.arrive $0xFFFF  }
0x6f: {  	_ =	shalt  }

// kernel: kernel.19.cloned.1.call-start
scs
__scs_entry_jumppad:
0x0: {  	(pc) =	sbr.rel $0x88, $3  }
0x1: {  	(tag) =	ssettag $0x0;
	lr =	simm.s32 $0x1  }
0x2: {  	[smem:$0x3F98] =	sst lr;
	_ =	strace $0xD0000000  }
0x3: {  	_ = 	snop  }
0x4: {  	_ = 	snop  }
0x5: {  	_ = 	snop  }
0x6: {  	_ = 	snop  }
0x7: {  	_ = 	snop  }
__scs_overlays_trampoline_lowered:
0x8: {  	[smem:$0x3FA7] =	sst s0  }
0x9: {  	[smem:$0x3FA8] =	sst s1  }
0xa: {  	[smem:$0x3FA9] =	sst s2  }
0xb: {  	[smem:$0x3FAA] =	sst s3  }
0xc: {  	[smem:$0x3FAB] =	sst s4  }
0xd: {  	[smem:$0x3FAC] =	sst s5  }
0xe: {  	[smem:$0x3FAD] =	sst s6  }
0xf: {  	[smem:$0x3FAE] =	sst s7  }
0x10: {  	[smem:$0x3FAF] =	sst s8  }
0x11: {  	[smem:$0x3FB0] =	sst s9;
	s0 =	simm.s32 @!p0 $0x0  }
0x12: {  	s1 =	sld [smem:$0x3F96];
	s0 =	simm.s32 @p0 $0x1  }
0x13: {  	[smem:$0x3FB1] =	sst s0;
	s0 =	simm.s32 @!p1 $0x0  }
0x14: {  	s2 =	sld [smem:$0x3F95];
	s0 =	simm.s32 @p1 $0x1  }
0x15: {  	[smem:$0x3FB2] =	sst s0;
	s0 =	simm.s32 @!p2 $0x0  }
0x16: {  	s3 =	sld [smem:$0x3FDB];
	s0 =	simm.s32 @p2 $0x1  }
0x17: {  	s4 =	simm.s32 $0x1BF5;
	[smem:$0x3FB4] =	sst s0  }
0x18: {  	s0 =	sld [smem:$0x3F97];
	_ =	swait.ge [sflag:s4], $0x0  }
0x19: {  	s7 =	sld [smem:$0x3F98]  }
0x1a: {  	s8 =	sadd.s32 $0xFFFFE003, lr  }
0x1b: {  	s9 =	sadd.s32 $0xFFFFFEF7, lr;
	s5 =	simm.s32 $0xFFFFFFFF;
	p2 =	slt.u32 s8, $0xFFFFF086  }
0x1c: {  	p1 =	slt.u32 s9, $0xF7A;
	s5 =	simm.s32 @!p2 $0x0  }
0x1d: {  	s5 =	simm.s32 @p1 $0x1;
	p0 =	seq.s32 s7, s2  }
0x1e: {  	s7 =	smul.u32 @!p0 $0xF7A, s2;
	p2 =	seq.s32 @!p0 s5, $0x0  }
0x1f: {  	s9 =	smul.u32 $0xF7A, s1;
	s8 =	simm.s32 @!p0 $0x1BF5;
	p2 =	por !p2, p0  }
0x20: {  	[sflag:s8] =	ssyncset.s32 @!p0 $0xFFFFF086;
	s6 =	sadd.s32 @!p0 s3, s7;
	s7 =	simm.s32 @!p0 $0x108  }
0x21: {  	s3 =	sadd.s32 s3, s9;
	s6 =	sadd.s32 @!p0 $0x88, s6;
	s7 =	simm.s32 @p2 $0x1082  }
0x22: {  	[simem:s7], [sflag:s8] =	dma.local @!p0 [hbm:s6], $0xF7A  }
0x23: {  	s9 =	sor.u32 $0xD0000000, s2;
	s6 =	simm.s32 $0x108;
	_ =	swait.ge @!p0 [sflag:s8], $0x0  }
0x24: {  	s3 =	sadd.s32 $0x88, s3;
	s6 =	simm.s32 @!p1 $0x1082;
	[sflag:s4] =	ssyncset.s32 $0xFFFFF086  }
0x25: {  	[simem:s6], [sflag:s4] =	dma.local [hbm:s3], $0xF7A  }
0x26: {  	[smem:$0x3F98] =	sst s1;
	(tag) =	ssettag s2;
	_ =	strace s9  }
0x27: {  	s1 =	sld [smem:$0x3FA8]  }
0x28: {  	s2 =	sld [smem:$0x3FA9]  }
0x29: {  	s4 =	sld [smem:$0x3FAB]  }
0x2a: {  	p0 =	seq.s32 s5, $0x0;
	s5 =	sld [smem:$0x3FAC]  }
0x2b: {  	s6 =	sld [smem:$0x3FAD]  }
0x2c: {  	s7 =	sld [smem:$0x3FAE]  }
0x2d: {  	s3 =	simm.s32 $0x108;
	s8 =	sld [smem:$0x3FAF]  }
0x2e: {  	s3 =	simm.s32 @!p0 $0x1082;
	s9 =	sld [smem:$0x3FB0]  }
0x2f: {  	lr =	sadd.s32 s0, s3;
	s0 =	sld [smem:$0x3FA7]  }
0x30: {  	s3 =	sld [smem:$0x3FAA]  }
0x31: {  	[smem:$0x3FB3] =	sst s10  }
0x32: {  	s10 =	sld [smem:$0x3FB1];
	_ =	sdelay $0x3  }
0x33: {  	p0 =	seq.s32 s10, $0x1;
	s10 =	sld [smem:$0x3FB3];
	_ =	sdelay $0x3  }
0x34: {  	[smem:$0x3FB3] =	sst s10  }
0x35: {  	s10 =	sld [smem:$0x3FB2];
	_ =	sdelay $0x3  }
0x36: {  	p1 =	seq.s32 s10, $0x1;
	s10 =	sld [smem:$0x3FB3];
	_ =	sdelay $0x3  }
0x37: {  	[smem:$0x3FB3] =	sst s10  }
0x38: {  	s10 =	sld [smem:$0x3FB4]  }
0x39: {  	_ = 	snop;
	(pc) =	sbr.ind lr, $3  }
0x3a: {  	_ = 	snop  }
0x3b: {  	_ = 	snop  }
0x3c: {  	p2 =	seq.s32 s10, $0x1;
	s10 =	sld [smem:$0x3FB3]  }
0x3d: {  	_ =	shalt  }
0x3e: {  	_ =	shalt  }
0x3f: {  	_ =	shalt  }
0x40: {  	_ =	shalt  }
0x41: {  	_ =	shalt  }
0x42: {  	_ =	shalt  }
0x43: {  	_ =	shalt  }
0x44: {  	_ =	shalt  }
0x45: {  	_ =	shalt  }
0x46: {  	_ =	shalt  }
0x47: {  	_ =	shalt  }
0x48: {  	_ =	shalt  }
0x49: {  	_ =	shalt  }
0x4a: {  	_ =	shalt  }
0x4b: {  	_ =	shalt  }
0x4c: {  	_ =	shalt  }
0x4d: {  	_ =	shalt  }
0x4e: {  	_ =	shalt  }
0x4f: {  	_ =	shalt  }
0x50: {  	_ =	shalt  }
0x51: {  	_ =	shalt  }
0x52: {  	_ =	shalt  }
0x53: {  	_ =	shalt  }
0x54: {  	_ =	shalt  }
0x55: {  	_ =	shalt  }
0x56: {  	_ =	shalt  }
0x57: {  	_ =	shalt  }
0x58: {  	_ =	shalt  }
0x59: {  	_ =	shalt  }
0x5a: {  	_ =	shalt  }
0x5b: {  	_ =	shalt  }
0x5c: {  	_ =	shalt  }
0x5d: {  	_ =	shalt  }
0x5e: {  	_ =	shalt  }
0x5f: {  	_ =	shalt  }
0x60: {  	_ =	shalt  }
0x61: {  	_ =	shalt  }
0x62: {  	_ =	shalt  }
0x63: {  	_ =	shalt  }
0x64: {  	_ =	shalt  }
0x65: {  	_ =	shalt  }
0x66: {  	_ =	shalt  }
0x67: {  	_ =	shalt  }
0x68: {  	_ =	shalt  }
0x69: {  	_ =	shalt  }
0x6a: {  	_ =	shalt  }
0x6b: {  	_ =	shalt  }
0x6c: {  	_ =	shalt  }
0x6d: {  	_ =	shalt  }
0x6e: {  	_ =	shalt  }
0x6f: {  	_ =	shalt  }
0x70: {  	_ =	shalt  }
0x71: {  	_ =	shalt  }
0x72: {  	_ =	shalt  }
0x73: {  	_ =	shalt  }
0x74: {  	_ =	shalt  }
0x75: {  	_ =	shalt  }
0x76: {  	_ =	shalt  }
0x77: {  	_ =	shalt  }
0x78: {  	_ =	shalt  }
0x79: {  	_ =	shalt  }
0x7a: {  	_ =	shalt  }
0x7b: {  	_ =	shalt  }
0x7c: {  	_ =	shalt  }
0x7d: {  	_ =	shalt  }
0x7e: {  	_ =	shalt  }
0x7f: {  	_ =	shalt  }
0x80: {  	_ =	shalt  }
0x81: {  	_ =	shalt  }
0x82: {  	_ =	shalt  }
0x83: {  	_ =	shalt  }
0x84: {  	_ =	shalt  }
0x85: {  	_ =	shalt  }
0x86: {  	_ =	shalt  }
0x87: {  	_ =	shalt  }
.Lfunc_end0:
.L_simem_size_0:
called_computation.3_lowered:
.L_overlay_start_0:
0x88: {  	s2 =	sld [smem:$0x3FD9]  }
0x89: {  	s3 =	sld [smem:$0x3FFE];
	_ =	sdelay $0x1  }
0x8a: {  	s1 =	srdreg.scid  }
0x8b: {  	s0 =	sand.u32 $0x1, s1  }
0x8c: {  	s17 =	sshll.u32 s0, $0xA;
	s2 =	sadd.s32 s3, s2  }
0x8d: {  	s2 =	sadd.s32 s2, s17  }
0x8e: {  	[smem:$0x3FBF] =	sst s2  }
0x8f: {  	_ = 	snop  }
0x90: {  	s2 =	sld [smem:$0x3FD0];
	(tm) =	ssettm $0x1  }
0x91: {  	s18 =	sld [smem:$0x3FFB];
	_ =	sdelay $0x3  }
0x92: {  	_ =	strace s18  }
0x93: {  	s3 =	sld [smem:$0x3FFC];
	_ =	sdelay $0x3  }
0x94: {  	_ =	strace s3  }
0x95: {  	s3 =	sld [smem:$0x3FFD];
	_ =	sdelay $0x3  }
0x96: {  	_ =	strace s3  }
0x97: {  	_ =	strace $0x8FFFFFFF  }
0x98: {  	s19 =	sld [smem:$0x3FDB];
	_ =	sdelay $0x1  }
0x99: {  	s4 =	simm.s32 $_scs_section_size  }
0x9a: {  	s5 =	simm.s32 $_size__tile_overlayer_lowered;
	s6 =	simm.s32 $_tile_overlayer_lowered  }
0x9b: {  	s22 =	simm.s32 $0x1BFF;
	s21 =	sshll.u32 s6, $0x1;
	s3 =	sadd.s32 s4, s19  }
0x9c: {  	s7 =	simm.s32 $0x0;
	s20 =	sshll.u32 s5, $0x1;
	s5 =	sadd.s32 s21, s3  }
0x9d: {  	[timem:s7], [sflag:s22] =	dma.local [hbm:s5], s20  }
0x9e: {  	_ =	swait.ge [sflag:s22], s20  }
0x9f: {  	s4 =	ssub.s32 $0x0, s20;
	[sflag:s22] =	ssyncset.done $0x0  }
0xa0: {  	[sflag:s22] =	ssyncadd.s32 s4;
	_ =	sdelay $0x1  }
0xa1: {  	s23 =	simm.s32 $0x1B8B  }
0xa2: {  	_ =	swait.ge [sflag:s23], $0x1  }
0xa3: {  	[sflag:s23] =	ssyncset.done $0x0  }
0xa4: {  	s25 =	simm.s32 $0x1B8E;
	s24 =	sld [smem:$0x3FFE];
	[sflag:s23] =	ssyncadd.s32 $0xFFFFFFFF  }
0xa5: {  	s26 =	simm.s32 $execute0_lowered;
	[smem:$0x3FD2] =	sst s25  }
0xa6: {  	s5 =	sshll.u32 s26, $0x1;
	_ =	strace $0x8000004F;
	[dreg:$0x1] =	wrdreg $0xFFFFFFFF  }
0xa7: {  	s28 =	simm.s32 $_size_execute0_lowered;
	s3 =	sadd.s32 s3, s5;
	[dreg:$0x0] =	wrdreg $0x0  }
0xa8: {  	s5 =	sshll.u32 s28, $0x1;
	[dreg:$0x2] =	wrdreg s3  }
0xa9: {  	[dreg:$0x3] =	wrdreg s5  }
0xaa: {  	[dreg:$0x4] =	wrdreg $0xC0  }
0xab: {  	_ =	task [dreg:s7], $0x5FFFF  }
0xac: {  	[dreg:$0x1] =	wrdreg $0xFFFFFFFF  }
0xad: {  	[dreg:$0x0] =	wrdreg $0x60  }
0xae: {  	[dreg:$0x2] =	wrdreg s2  }
0xaf: {  	[dreg:$0x3] =	wrdreg s24  }
0xb0: {  	[dreg:$0x4] =	wrdreg $0x82000  }
0xb1: {  	[dreg:$0x5] =	wrdreg $0x9  }
0xb2: {  	_ =	task.clear_ibuf [dreg:s7], $0x6FFFF;
	_ =	strace $0x9000004F  }
0xb3: {  	s29 =	simm.s32 $0x9;
	_ =	strace $0x80000051  }
0xb4: {  	_ =	swait.ge [sflag:s29], $0x1  }
0xb5: {  	[sflag:s29] =	ssyncadd.s32 $0xFFFFFFFF  }
0xb6: {  	_ =	strace $0x90000051  }
0xb7: {  	_ =	sfence  }
0xb8: {  	s30 =	sld [smem:$0x0];
	_ =	sdelay $0x2  }
0xb9: {  	s31 =	sshll.u32 s1, $0xD;
	s1 =	sshrl.u32 s1, $0x2  }
0xba: {  	s3 =	sand.u32 $0x4000, s31;
	s1 =	sadd.s32 s1, s30  }
0xbb: {  	s0 =	sor.u32 s3, s0;
	s1 =	sshll.u32 s1, $0x11  }
0xbc: {  	s0 =	sor.u32 s1, s0  }
0xbd: {  	s0 =	sadd.s32 $0x8F2B, s0  }
0xbe: {  	[sflag:s0] =	ssyncadd.remote.s32 $0x1  }
0xbf: {  	_ =	sfence.sel $0xFFFF  }
0xc0: {  	[dreg:$0x0] =	wrdreg $0xFFFFFFFF;
	(pc) =	sbr.abs _section_cstart, $3  }
0xc1: {  	[dreg:$0x1] =	wrdreg $0xFFFFFFFF  }
0xc2: {  	_ =	task.clear_ibuf [dreg:s7], $0x2FFFF;
	_ =	strace $0x9FFFFFFF  }
0xc3: {  	(tm) =	ssettm $0x7FFFFFFF  }
tec
execute0_lowered:
.L_overlay_start_1:
0x0: {  	(tag) =	ssettag $0x1  }
0x1: {  	s1 =	rddreg [dreg:$0x0]  }
0x2: {  	s10 =	rddreg [dreg:$0x1]  }
0x3: {  	s2 =	rddreg [dreg:$0x2];
	s3 =	srdreg.scid  }
0x4: {  	s4 =	simm.s32 $0x0;
	s0 =	stileid.u32;
	s18 =	simm.s32 $0x6  }
0x5: {  	s19 =	simm.s32 $0x100;
	s28 =	simm.s32 $0x5;
	s29 =	simm.s32 $0x4200  }
0x6: {  	s30 =	simm.s32 $0x0;
	s8 =	sand.u32 $0x1, s3;
	s9 =	smul.u32 $0x14000, s0  }
0x7: {  	[smem:$0x7FF] =	sst s4;
	s5 =	sadd.s32 $0x17E00, s10;
	s11 =	smul.u32 $0x50000, s0  }
0x8: {  	s6 =	sadd.s32 $0xD800, s10;
	s20 =	sadd.s32 $0x2BE00, s10;
	s26 =	sshll.u32 s0, $0x6  }
0x9: {  	s7 =	smul.u32 $0x140000, s8;
	_ =	strace $0x80000050;
	s13 =	ssub.s32 $0x2, s8  }
0xa: {  	[dreg:$0x4] =	wrdreg s20;
	s20 =	simm.s32 $0x80;
	s21 =	sshrl.u32 s13, $0x1  }
0xb: {  	s22 =	sshrl.u32 s11, $0x2;
	s9 =	sadd.s32 s9, s7;
	s7 =	smul.u32 $0x50000, s8  }
0xc: {  	s8 =	smul.u32 $0x5000, s0;
	s16 =	ssub.s32 s13, s21;
	s17 =	sadd.s32 s22, s2  }
0xd: {  	s21 =	simm.s32 $0x180;
	s22 =	simm.s32 $0x2;
	s12 =	sshrl.u32 s9, $0x3  }
0xe: {  	s16 =	smax.u32 s16, $0x1;
	s17 =	sshrl.u32 s17, $0x3;
	s15 =	sadd.s32 s12, s10  }
.Ltmp0:
0xf: {  	s23 =	sadd.s32 s8, s7;
	s25 =	sshrl.u32 s8, $0x3;
	(pc) =	sbr.rel .LBB2_1-.Ltmp0, $4  }
0x10: {  	s12 =	sor.u32 $0x1C06, s26;
	s26 =	simm.s32 $0x3;
	s24 =	sshrl.u32 s23, $0x3  }
0x11: {  	s11 =	sadd.s32 s6, s25;
	s15 =	sadd.s32 $0x2E600, s15;
	s10 =	sadd.s32 s5, s24  }
0x12: {  	s23 =	simm.s32 $0x4;
	s25 =	simm.s32 $0x1;
	s31 =	sadd.s32 $0x10, s10  }
0x13: {  	s14 =	sadd.s32 $0x10, s11;
	s24 =	simm.s32 $0x200;
	[dreg:$0x5] =	wrdreg s31  }
.LBB2_4:
0x14: {  	s30 =	sadd.s32 $0x1, s30  }
0x15: {  	p0 =	sne.s32 s30, s16  }
.Ltmp1:
0x16: {  	[bflag:$0x0] =	sbarrier.arrive $0xFFFF;
	(pc) =	sbr.rel @!p0 .LBB2_5-.Ltmp1, $4  }
0x17: {  	[hbm:s15], [sflag:s12] =	dma.local [spmem:s17], $0x2800  }
0x18: {  	_ =	swait.ge [sflag:s18], $0x2800  }
0x19: {  	[sflag:s18] =	ssyncset.done $0x0  }
0x1a: {  	[sflag:s18] =	ssyncadd.s32 $0xFFFFD800  }
.LBB2_1:
0x1b: {  	s0 =	rddreg [dreg:$0x4]  }
0x1c: {  	[spmem:s17], [sflag:s12] =	dma.local [hbm:s0], $0x2800  }
0x1d: {  	_ =	swait.ge [sflag:s18], $0x2800  }
0x1e: {  	[sflag:s18] =	ssyncset.done $0x0  }
0x1f: {  	[sflag:s18] =	ssyncadd.s32 $0xFFFFD800  }
0x20: {  	[bflag:$0x0] =	sbarrier.arrive $0xFFFF  }
0x21: {  	[tilespmem:s4], [sflag:$0x2] =	stream.linear.gather [hbm4b:s10+s4], $0x80, $0x38;
	[tilespmem:$0x1C200] =	vst v63  }
0x22: {  	_ = 	snop  }
0x23: {  	[tilespmem:s19], [sflag:$0x4] =	stream.linear.gather [hbm4b:s11+s4], $0x80, $0x38;
	[tilespmem:$0x1C200] =	vst v63  }
0x24: {  	s13 =	rddreg [dreg:$0x5]  }
0x25: {  	[tilespmem:s20], [sflag:$0x3] =	stream.linear.gather [hbm4b:s13+s4], $0x80, $0x38;
	[tilespmem:$0x1C200] =	vst v63  }
0x26: {  	_ = 	snop  }
0x27: {  	[tilespmem:s21], [sflag:$0x5] =	stream.linear.gather [hbm4b:s14+s4], $0x80, $0x38;
	[tilespmem:$0x1C200] =	vst v63  }
0x28: {  	_ =	swait.ge [sflag:s22], $0x80  }
0x29: {  	[sflag:s22] =	ssyncset.done $0x0  }
0x2a: {  	[sflag:s22] =	ssyncadd.s32 $0xFFFFFF80  }
0x2b: {  	_ =	swait.ge [sflag:s23], $0x80  }
0x2c: {  	[sflag:s23] =	ssyncset.done $0x0  }
0x2d: {  	s31 =	simm.s32 $0xFFFFB100;
	[sflag:s23] =	ssyncadd.s32 $0xFFFFFF80  }
0x2e: {  	[tilespmem:s24], [sflag:$0x1] =	stream.indirect.gather [hbm4b:s1+s20], $0x80, s4, s20, $0xb8;
	[tilespmem:$0x1C200] =	vst v63  }
.LBB2_2:
0x2f: {  	_ =	swait.ge [sflag:s25], $0x4000  }
0x30: {  	[sflag:s25] =	ssyncset.done $0x0  }
0x31: {  	[sflag:s25] =	ssyncadd.s32 $0xFFFFC000  }
0x32: {  	_ =	swait.ge [sflag:s26], $0x80  }
0x33: {  	[sflag:s26] =	ssyncset.done $0x0  }
0x34: {  	[sflag:s26] =	ssyncadd.s32 $0xFFFFFF80  }
0x35: {  	_ =	swait.ge [sflag:s28], $0x80  }
0x36: {  	[sflag:s28] =	ssyncset.done $0x0  }
0x37: {  	p0 =	seq.s32 s31, $0x0;
	[sflag:s28] =	ssyncadd.s32 $0xFFFFFF80  }
0x38: {  	[tilespmem:s29], [sflag:$0x1] =	stream.indirect.gather [hbm4b:s1+s20], $0x80, s20, s20, $0xb8;
	[tilespmem:$0x1C200] =	vst v63  }
0x39: {  	s0 =	sadd.s32 @!p0 $0x5000, s31  }
0x3a: {  	[spmem:s2] =	stream.indirect.scatter.add.f32 [tilespmem:s24], [sflag:$0x6], $0x80, s19, s20, $0xb8;
	[tilespmem:$0x1C200] =	vst v63  }
0x3b: {  	s3 =	sadd.s32 @!p0 s8, s0;
	_ =	swait.ge [sflag:s18], $0x4000  }
0x3c: {  	s9 =	simm.s32 @p0 $0x1;
	s3 =	sand.u32 @!p0 $0xFFC00, s3;
	[sflag:s18] =	ssyncset.done $0x0  }
0x3d: {  	s0 =	sand.u32 @!p0 $0x300, s0;
	s13 =	sadd.s32 @!p0 s7, s3;
	[sflag:s18] =	ssyncadd.s32 $0xFFFFC000  }
0x3e: {  	s13 =	sor.u32 @!p0 s0, s13;
	s0 =	sor.u32 @!p0 s0, s3;
	_ =	swait.ge @p0 [sflag:s9], $0x4000  }
0x3f: {  	s13 =	sshrl.u32 @!p0 s13, $0x3;
	s0 =	sshrl.u32 @!p0 s0, $0x3;
	[sflag:s9] =	ssyncset.done @p0 $0x0  }
0x40: {  	[sflag:s9] =	ssyncadd.s32 @p0 $0xFFFFC000;
	s9 =	sadd.s32 @!p0 s5, s13;
	s13 =	simm.s32 @!p0 $0x0  }
0x41: {  	[tilespmem:s13], [sflag:$0x2] =	stream.linear.gather @!p0 [hbm4b:s9+s13], $0x80, $0x38;
	[tilespmem:$0x1C200] =	vst v63  }
0x42: {  	s3 =	simm.s32 @!p0 $0x100;
	s0 =	sadd.s32 @!p0 s6, s0  }
0x43: {  	[tilespmem:s3], [sflag:$0x4] =	stream.linear.gather @!p0 [hbm4b:s0+s13], $0x80, $0x38;
	[tilespmem:$0x1C200] =	vst v63  }
0x44: {  	s0 =	simm.s32 @!p0 $0x1  }
0x45: {  	_ =	swait.ge @!p0 [sflag:s0], $0x4000  }
0x46: {  	[sflag:s0] =	ssyncset.done @!p0 $0x0  }
0x47: {  	[sflag:s0] =	ssyncadd.s32 @!p0 $0xFFFFC000;
	s0 =	simm.s32 @!p0 $0x2  }
0x48: {  	_ =	swait.ge @!p0 [sflag:s0], $0x80  }
0x49: {  	[sflag:s0] =	ssyncset.done @!p0 $0x0  }
0x4a: {  	[sflag:s0] =	ssyncadd.s32 @!p0 $0xFFFFFF80;
	s0 =	simm.s32 @!p0 $0x4  }
0x4b: {  	_ =	swait.ge @!p0 [sflag:s0], $0x80  }
0x4c: {  	[sflag:s0] =	ssyncset.done @!p0 $0x0  }
0x4d: {  	s3 =	simm.s32 @!p0 $0x200;
	[sflag:s0] =	ssyncadd.s32 @!p0 $0xFFFFFF80;
	s0 =	simm.s32 @!p0 $0x80  }
0x4e: {  	[tilespmem:s3], [sflag:$0x1] =	stream.indirect.gather @!p0 [hbm4b:s1+s0], $0x80, s13, s0, $0xb8;
	[tilespmem:$0x1C200] =	vst v63  }
.Ltmp2:
0x4f: {  	_ = 	snop;
	(pc) =	sbr.rel @p0 .LBB2_4-.Ltmp2, $4  }
0x50: {  	[spmem:s2] =	stream.indirect.scatter.add.f32 [tilespmem:s29], [sflag:$0x6], $0x80, s21, s20, $0xb8;
	[tilespmem:$0x1C200] =	vst v63  }
0x51: {  	_ =	swait.ge [sflag:s18], $0x4000  }
0x52: {  	[sflag:s18] =	ssyncset.done $0x0  }
0x53: {  	[sflag:s18] =	ssyncadd.s32 $0xFFFFC000  }
0x54: {  	s0 =	sadd.s32 $0x5080, s31  }
0x55: {  	s3 =	sadd.s32 s8, s0  }
0x56: {  	s3 =	sand.u32 $0xFFC00, s3  }
0x57: {  	s0 =	sand.u32 $0x380, s0;
	s9 =	sadd.s32 s7, s3  }
0x58: {  	s9 =	sor.u32 s0, s9  }
.Ltmp3:
0x59: {  	s0 =	sor.u32 s0, s3;
	s9 =	sshrl.u32 s9, $0x3;
	(pc) =	sbr.rel .LBB2_2-.Ltmp3, $4  }
0x5a: {  	s0 =	sshrl.u32 s0, $0x3;
	s9 =	sadd.s32 s5, s9  }
0x5b: {  	[tilespmem:s20], [sflag:$0x3] =	stream.linear.gather [hbm4b:s9+s4], $0x80, $0x38;
	[tilespmem:$0x1C200] =	vst v63  }
0x5c: {  	s31 =	sadd.s32 $0x100, s31;
	s0 =	sadd.s32 s6, s0  }
0x5d: {  	[tilespmem:s21], [sflag:$0x5] =	stream.linear.gather [hbm4b:s0+s4], $0x80, $0x38;
	[tilespmem:$0x1C200] =	vst v63  }
.LBB2_5:
0x5e: {  	_ =	sfence.sel $0x180000  }
0x5f: {  	[bflag:$0x0] =	sbarrier.arrive $0xFFFF  }
0x60: {  	_ =	strace $0x90000050  }
0x61: {  	s0 =	stileid.u32;
	[bflag:$0x2] =	sbarrier.arrive $0xFFFF  }
0x62: {  	p0 =	sne.s32 s0, $0x0;
	s0 =	rddreg [dreg:$0x3]  }
0x63: {  	s0 =	sadd.s32 @!p0 $0x100000, s0  }
0x64: {  	[sflag:s0] =	ssyncadd.tile.s32 @!p0 $0x1;
	_ =	shalt  }
.Lfunc_end2:
_tile_overlayer_lowered:
.L_overlay_start_2:
0x65: {  	(tag) =	ssettag $0x2  }
0x66: {  	s0 =	rddreg [dreg:$0x0];
	s2 =	stileid.u32  }
0x67: {  	s1 =	rddreg [dreg:$0x1];
	p0 =	sne.s32 s2, $0x0  }
0x68: {  	s3 =	rddreg [dreg:$0x2];
	[bflag:$0x3] =	sbarrier.arrive $0xFFFF;
	s2 =	simm.s32 @!p0 $0x1C06  }
0x69: {  	[timem:s3], [sflag:s2] =	dma.local @!p0 [hbm:s0], s1  }
0x6a: {  	s0 =	simm.s32 @!p0 $0x6  }
0x6b: {  	_ =	swait.ge @!p0 [sflag:s0], s1  }
0x6c: {  	s1 =	ssub.s32 @!p0 $0x0, s1;
	[sflag:s0] =	ssyncset.done @!p0 $0x0  }
0x6d: {  	[sflag:s0] =	ssyncadd.s32 @!p0 s1  }
0x6e: {  	[bflag:$0x3] =	sbarrier.arrive $0xFFFF  }
0x6f: {  	_ =	shalt  }

</sc_bundles>
